<compile_context>
chip_gen: v7x
topology: tpu7x:2x2x1
jax: 0.10.2.dev20260603
libtpu: 0.0.44.dev20260713+nightly
codegen_flags: <defaults>
</compile_context>

<pallas_src>
import functools

import jax
import jax.numpy as jnp
from jax import lax
from jax.experimental import pallas as pl
from jax.experimental.pallas import tpu as pltpu
from jax.experimental.pallas import tpu_sc as plsc

NC = 2
NS = 16
NW = NC * NS
L = 16


def _make_sc_kernel(B, S, D):
    rows_w = S // NW
    T = 4
    n_chunks = rows_w // T
    n_pairs = n_chunks // 2
    NB = 2 * B

    mesh = plsc.VectorSubcoreMesh(core_axis_name="c", subcore_axis_name="s")

    @functools.partial(
        pl.kernel,
        out_type=jax.ShapeDtypeStruct((B, S, D), jnp.float32),
        mesh=mesh,
        scratch_types=[
            [pltpu.VMEM((T, D), jnp.float32)] * NB,
            [pltpu.VMEM((T, D), jnp.float32)] * 2,
            [pltpu.SemaphoreType.DMA] * NB,
            [pltpu.SemaphoreType.DMA] * NB,
            [pltpu.SemaphoreType.DMA] * 2,
        ],
    )
    def sc_kernel(tok_hbm, pos_hbm, out_hbm, tv, pv, sin, sout, spos):
        wid = lax.axis_index("s") * NC + lax.axis_index("c")
        s0 = wid * rows_w

        def start_in(b, row, slot):
            pltpu.async_copy(tok_hbm.at[b, pl.ds(row, T), :], tv[slot],
                             sin[slot])

        def drain_in(slot):
            pltpu.make_async_copy(tok_hbm.at[0, pl.ds(0, T), :], tv[slot],
                                  sin[slot]).wait()

        def start_out(b, row, slot):
            pltpu.async_copy(tv[slot], out_hbm.at[b, pl.ds(row, T), :],
                             sout[slot])

        def drain_out(slot):
            pltpu.make_async_copy(tv[slot], out_hbm.at[0, pl.ds(0, T), :],
                                  sout[slot]).wait()

        def start_pos(row, pslot):
            pltpu.async_copy(pos_hbm.at[pl.ds(row, T), :], pv[pslot],
                             spos[pslot])

        def drain_pos(pslot):
            pltpu.make_async_copy(pos_hbm.at[pl.ds(0, T), :], pv[pslot],
                                  spos[pslot]).wait()

        for b in range(4):
            start_in(b, s0, b)
        start_pos(s0, 0)
        start_pos(s0 + T, 1)

        @pl.loop(0, n_pairs)
        def _pair(h):
            row0 = s0 + h * (2 * T)
            not_first = h > 0
            not_last = h < n_pairs - 1
            drain_pos(0)
            for k in range(NB):
                slot = k
                pslot = k // B
                osl = (k + 4) % NB

                if k < 4:
                    @pl.when(not_first)
                    def _():
                        drain_out(osl)
                else:
                    drain_out(osl)

                def _refill(k=k, osl=osl):
                    start_in((k + 4) % B, row0 + ((k + 4) // B) * T, osl)

                if k >= 4:
                    pl.when(not_last)(_refill)
                else:
                    _refill()

                drain_in(slot)

                tref = tv[slot]
                pref = pv[pslot]

                for r in range(T):
                    @plsc.parallel_loop(0, D, step=L, unroll=8)
                    def _add(i):
                        plsc.addupdate(tref.at[r, pl.ds(i, L)],
                                       pref[r, pl.ds(i, L)])

                start_out(k % B, row0 + (k // B) * T, slot)

                if k == B - 1:
                    drain_pos(1)

                    @pl.when(not_last)
                    def _():
                        start_pos(row0 + 2 * T, 0)

            @pl.when(not_last)
            def _():
                start_pos(row0 + 3 * T, 1)

        drain_out(4)
        drain_out(5)
        drain_out(6)
        drain_out(7)

    return sc_kernel


@jax.jit
def kernel(token_embeddings, pos_table):
    B, S, D = token_embeddings.shape
    return _make_sc_kernel(B, S, D)(token_embeddings, pos_table[:S])

# --- scband reference (transcript-rebuilt; emitter-appended) ---
"""Pipeline reference for scband-positional-embedding-18708877541982 (READ-ONLY COPY).

The authoritative reference and input builder live on the scoring server;
editing this copy changes nothing except your own understanding.
"""

import jax, jax.numpy as jnp
import numpy as np

EMBED_DIM = 2048
MAX_SEQ_LEN = 4096
BATCH = 4
SEQ_LEN = 4096


def setup_inputs(seed: int = 0) -> dict:
    key = jax.random.key(seed)
    k1, k2 = jax.random.split(key)
    token_embeddings = jax.random.normal(k1, (BATCH, SEQ_LEN, EMBED_DIM), dtype=jnp.float32)
    # learned positional embedding table, init normal(0, 0.2) per _init_embeddings
    pos_table = jax.random.normal(k2, (MAX_SEQ_LEN, EMBED_DIM), dtype=jnp.float32) * 0.2
    return {"token_embeddings": token_embeddings, "pos_table": pos_table}


def reference(token_embeddings, pos_table):
    # Faithful translation of PositionalEmbedding.forward (dropout in eval mode = identity)
    batch_size, seq_length, _ = token_embeddings.shape
    positions = jnp.arange(seq_length)
    pos_embeddings = jnp.take(pos_table, positions, axis=0)  # embedding lookup
    out = token_embeddings + pos_embeddings[None, :, :]
    return out

if __name__ == "__main__":
    import jax
    _d = setup_inputs()
    print(jax.jit(kernel)(*tuple(_d.values())))

</pallas_src>

<mosaic_0001>
#map = affine_map<(d0, d1) -> (0, 0, 0)>
#map1 = affine_map<(d0, d1) -> (0, 0)>
module attributes {stable_mosaic.version = 14 : i64} {
  func.func @sc_kernel(%arg0: i32, %arg1: i32, %arg2: memref<4x4096x2048xf32, #tpu.memory_space<hbm>>, %arg3: memref<4096x2048xf32, #tpu.memory_space<hbm>>, %arg4: memref<4x4096x2048xf32, #tpu.memory_space<hbm>>, %arg5: memref<4x2048xf32, #tpu.memory_space<vmem>>, %arg6: memref<4x2048xf32, #tpu.memory_space<vmem>>, %arg7: memref<4x2048xf32, #tpu.memory_space<vmem>>, %arg8: memref<4x2048xf32, #tpu.memory_space<vmem>>, %arg9: memref<4x2048xf32, #tpu.memory_space<vmem>>, %arg10: memref<4x2048xf32, #tpu.memory_space<vmem>>, %arg11: memref<4x2048xf32, #tpu.memory_space<vmem>>, %arg12: memref<4x2048xf32, #tpu.memory_space<vmem>>, %arg13: memref<4x2048xf32, #tpu.memory_space<vmem>>, %arg14: memref<4x2048xf32, #tpu.memory_space<vmem>>, %arg15: memref<!tpu.dma_semaphore, #tpu.memory_space<semaphore_mem>>, %arg16: memref<!tpu.dma_semaphore, #tpu.memory_space<semaphore_mem>>, %arg17: memref<!tpu.dma_semaphore, #tpu.memory_space<semaphore_mem>>, %arg18: memref<!tpu.dma_semaphore, #tpu.memory_space<semaphore_mem>>, %arg19: memref<!tpu.dma_semaphore, #tpu.memory_space<semaphore_mem>>, %arg20: memref<!tpu.dma_semaphore, #tpu.memory_space<semaphore_mem>>, %arg21: memref<!tpu.dma_semaphore, #tpu.memory_space<semaphore_mem>>, %arg22: memref<!tpu.dma_semaphore, #tpu.memory_space<semaphore_mem>>, %arg23: memref<!tpu.dma_semaphore, #tpu.memory_space<semaphore_mem>>, %arg24: memref<!tpu.dma_semaphore, #tpu.memory_space<semaphore_mem>>, %arg25: memref<!tpu.dma_semaphore, #tpu.memory_space<semaphore_mem>>, %arg26: memref<!tpu.dma_semaphore, #tpu.memory_space<semaphore_mem>>, %arg27: memref<!tpu.dma_semaphore, #tpu.memory_space<semaphore_mem>>, %arg28: memref<!tpu.dma_semaphore, #tpu.memory_space<semaphore_mem>>, %arg29: memref<!tpu.dma_semaphore, #tpu.memory_space<semaphore_mem>>, %arg30: memref<!tpu.dma_semaphore, #tpu.memory_space<semaphore_mem>>, %arg31: memref<!tpu.dma_semaphore, #tpu.memory_space<semaphore_mem>>, %arg32: memref<!tpu.dma_semaphore, #tpu.memory_space<semaphore_mem>>) attributes {dimension_semantics = [#tpu.dimension_semantics<core_parallel>, #tpu.dimension_semantics<subcore_parallel>], iteration_bounds = array<i64: 2, 16>, scalar_prefetch = 0 : i64, scratch_operands = 28 : i64, tpu.core_type = #tpu.core_type<sc_vector_subcore>, window_params = [{transform_indices = #map}, {transform_indices = #map1}, {transform_indices = #map}]} {
    %mul3A = arith.constant 2 : i32
    %mul3A_0 = arith.muli %arg1, %mul3A : i32
    %add3A = arith.addi %mul3A_0, %arg0 : i32
    %mul3A_1 = arith.constant 128 : i32
    %mul3A_2 = arith.muli %add3A, %mul3A_1 : i32
    %dma_start3A = arith.constant 0 : i32
    %dma_start3A_3 = arith.constant 0 : i32
    %dma_start3A_4 = tpu.memref_slice %arg2[%dma_start3A, %mul3A_2, %dma_start3A_3] : memref<4x4096x2048xf32, #tpu.memory_space<hbm>> -> memref<1x4x2048xf32, #tpu.memory_space<hbm>>
    %dma_start3A_5 = tpu.memref_squeeze %dma_start3A_4 : memref<1x4x2048xf32, #tpu.memory_space<hbm>> -> memref<4x2048xf32, #tpu.memory_space<hbm>>
    %dma_start3A_6 = arith.constant 0 : i32
    %dma_start3A_7 = tpu.memref_slice %arg2[%dma_start3A, %mul3A_2, %dma_start3A_6] : memref<4x4096x2048xf32, #tpu.memory_space<hbm>> -> memref<1x4x2048xf32, #tpu.memory_space<hbm>>
    %dma_start3A_8 = tpu.memref_squeeze %dma_start3A_7 : memref<1x4x2048xf32, #tpu.memory_space<hbm>> -> memref<4x2048xf32, #tpu.memory_space<hbm>>
    tpu.enqueue_dma source(%dma_start3A_8 : memref<4x2048xf32, #tpu.memory_space<hbm>>) target(%arg5 : memref<4x2048xf32, #tpu.memory_space<vmem>>) target_semaphore(%arg15 : memref<!tpu.dma_semaphore, #tpu.memory_space<semaphore_mem>>)
    %dma_start3A_9 = arith.constant 1 : i32
    %dma_start3A_10 = arith.constant 0 : i32
    %dma_start3A_11 = tpu.memref_slice %arg2[%dma_start3A_9, %mul3A_2, %dma_start3A_10] : memref<4x4096x2048xf32, #tpu.memory_space<hbm>> -> memref<1x4x2048xf32, #tpu.memory_space<hbm>>
    %dma_start3A_12 = tpu.memref_squeeze %dma_start3A_11 : memref<1x4x2048xf32, #tpu.memory_space<hbm>> -> memref<4x2048xf32, #tpu.memory_space<hbm>>
    %dma_start3A_13 = arith.constant 0 : i32
    %dma_start3A_14 = tpu.memref_slice %arg2[%dma_start3A_9, %mul3A_2, %dma_start3A_13] : memref<4x4096x2048xf32, #tpu.memory_space<hbm>> -> memref<1x4x2048xf32, #tpu.memory_space<hbm>>
    %dma_start3A_15 = tpu.memref_squeeze %dma_start3A_14 : memref<1x4x2048xf32, #tpu.memory_space<hbm>> -> memref<4x2048xf32, #tpu.memory_space<hbm>>
    tpu.enqueue_dma source(%dma_start3A_15 : memref<4x2048xf32, #tpu.memory_space<hbm>>) target(%arg6 : memref<4x2048xf32, #tpu.memory_space<vmem>>) target_semaphore(%arg16 : memref<!tpu.dma_semaphore, #tpu.memory_space<semaphore_mem>>)
    %dma_start3A_16 = arith.constant 2 : i32
    %dma_start3A_17 = arith.constant 0 : i32
    %dma_start3A_18 = tpu.memref_slice %arg2[%dma_start3A_16, %mul3A_2, %dma_start3A_17] : memref<4x4096x2048xf32, #tpu.memory_space<hbm>> -> memref<1x4x2048xf32, #tpu.memory_space<hbm>>
    %dma_start3A_19 = tpu.memref_squeeze %dma_start3A_18 : memref<1x4x2048xf32, #tpu.memory_space<hbm>> -> memref<4x2048xf32, #tpu.memory_space<hbm>>
    %dma_start3A_20 = arith.constant 0 : i32
    %dma_start3A_21 = tpu.memref_slice %arg2[%dma_start3A_16, %mul3A_2, %dma_start3A_20] : memref<4x4096x2048xf32, #tpu.memory_space<hbm>> -> memref<1x4x2048xf32, #tpu.memory_space<hbm>>
    %dma_start3A_22 = tpu.memref_squeeze %dma_start3A_21 : memref<1x4x2048xf32, #tpu.memory_space<hbm>> -> memref<4x2048xf32, #tpu.memory_space<hbm>>
    tpu.enqueue_dma source(%dma_start3A_22 : memref<4x2048xf32, #tpu.memory_space<hbm>>) target(%arg7 : memref<4x2048xf32, #tpu.memory_space<vmem>>) target_semaphore(%arg17 : memref<!tpu.dma_semaphore, #tpu.memory_space<semaphore_mem>>)
    %dma_start3A_23 = arith.constant 3 : i32
    %dma_start3A_24 = arith.constant 0 : i32
    %dma_start3A_25 = tpu.memref_slice %arg2[%dma_start3A_23, %mul3A_2, %dma_start3A_24] : memref<4x4096x2048xf32, #tpu.memory_space<hbm>> -> memref<1x4x2048xf32, #tpu.memory_space<hbm>>
    %dma_start3A_26 = tpu.memref_squeeze %dma_start3A_25 : memref<1x4x2048xf32, #tpu.memory_space<hbm>> -> memref<4x2048xf32, #tpu.memory_space<hbm>>
    %dma_start3A_27 = arith.constant 0 : i32
    %dma_start3A_28 = tpu.memref_slice %arg2[%dma_start3A_23, %mul3A_2, %dma_start3A_27] : memref<4x4096x2048xf32, #tpu.memory_space<hbm>> -> memref<1x4x2048xf32, #tpu.memory_space<hbm>>
    %dma_start3A_29 = tpu.memref_squeeze %dma_start3A_28 : memref<1x4x2048xf32, #tpu.memory_space<hbm>> -> memref<4x2048xf32, #tpu.memory_space<hbm>>
    tpu.enqueue_dma source(%dma_start3A_29 : memref<4x2048xf32, #tpu.memory_space<hbm>>) target(%arg8 : memref<4x2048xf32, #tpu.memory_space<vmem>>) target_semaphore(%arg18 : memref<!tpu.dma_semaphore, #tpu.memory_space<semaphore_mem>>)
    %dma_start3A_30 = arith.constant 0 : i32
    %dma_start3A_31 = tpu.memref_slice %arg3[%mul3A_2, %dma_start3A_30] : memref<4096x2048xf32, #tpu.memory_space<hbm>> -> memref<4x2048xf32, #tpu.memory_space<hbm>>
    %dma_start3A_32 = arith.constant 0 : i32
    %dma_start3A_33 = tpu.memref_slice %arg3[%mul3A_2, %dma_start3A_32] : memref<4096x2048xf32, #tpu.memory_space<hbm>> -> memref<4x2048xf32, #tpu.memory_space<hbm>>
    tpu.enqueue_dma source(%dma_start3A_33 : memref<4x2048xf32, #tpu.memory_space<hbm>>) target(%arg13 : memref<4x2048xf32, #tpu.memory_space<vmem>>) target_semaphore(%arg31 : memref<!tpu.dma_semaphore, #tpu.memory_space<semaphore_mem>>)
    %add3A_34 = arith.constant 4 : i32
    %add3A_35 = arith.addi %mul3A_2, %add3A_34 : i32
    %dma_start3A_36 = arith.constant 0 : i32
    %dma_start3A_37 = tpu.memref_slice %arg3[%add3A_35, %dma_start3A_36] : memref<4096x2048xf32, #tpu.memory_space<hbm>> -> memref<4x2048xf32, #tpu.memory_space<hbm>>
    %dma_start3A_38 = arith.constant 0 : i32
    %dma_start3A_39 = tpu.memref_slice %arg3[%add3A_35, %dma_start3A_38] : memref<4096x2048xf32, #tpu.memory_space<hbm>> -> memref<4x2048xf32, #tpu.memory_space<hbm>>
    tpu.enqueue_dma source(%dma_start3A_39 : memref<4x2048xf32, #tpu.memory_space<hbm>>) target(%arg14 : memref<4x2048xf32, #tpu.memory_space<vmem>>) target_semaphore(%arg32 : memref<!tpu.dma_semaphore, #tpu.memory_space<semaphore_mem>>)
    %scan3A = arith.constant 0 : i32
    %scan3A_40 = arith.constant 16 : i32
    %scan3A_41 = arith.addi %scan3A, %scan3A_40 : i32
    %scan3A_42 = arith.constant 1 : i32
    scf.for %scan3A_79 = %scan3A to %scan3A_41 step %scan3A_42  : i32 {
      %mul3A_80 = arith.constant 1 : i32
      %mul3A_81 = arith.muli %scan3A_79, %mul3A_80 : i32
      %add3A_82 = arith.constant 0 : i32
      %add3A_83 = arith.addi %add3A_82, %mul3A_81 : i32
      %mul3A_84 = arith.constant 8 : i32
      %mul3A_85 = arith.muli %add3A_83, %mul3A_84 : i32
      %add3A_86 = arith.addi %mul3A_2, %mul3A_85 : i32
      %gt3A = arith.constant 0 : i32
      %gt3A_87 = arith.cmpi sgt, %add3A_83, %gt3A : i32
      %lt3A = arith.constant 15 : i32
      %lt3A_88 = arith.cmpi slt, %add3A_83, %lt3A : i32
      %dma_wait3A_89 = arith.constant 0 : i32
      %dma_wait3A_90 = arith.constant 0 : i32
      %dma_wait3A_91 = tpu.memref_slice %arg3[%dma_wait3A_89, %dma_wait3A_90] : memref<4096x2048xf32, #tpu.memory_space<hbm>> -> memref<4x2048xf32, #tpu.memory_space<hbm>>
      %dma_wait3A_92 = arith.constant 0 : i32
      %dma_wait3A_93 = arith.constant 0 : i32
      %dma_wait3A_94 = tpu.memref_slice %arg3[%dma_wait3A_92, %dma_wait3A_93] : memref<4096x2048xf32, #tpu.memory_space<hbm>> -> memref<4x2048xf32, #tpu.memory_space<hbm>>
      tpu.wait_dma2 semaphore(%arg31 : memref<!tpu.dma_semaphore, #tpu.memory_space<semaphore_mem>>) src(%dma_wait3A_94 : memref<4x2048xf32, #tpu.memory_space<hbm>>) dst(%arg13 : memref<4x2048xf32, #tpu.memory_space<vmem>>)
      %convert_element_type3A = arith.extui %gt3A_87 : i1 to i32
      %cond3A = arith.constant 0 : i32
      %cond3A_95 = arith.cmpi ne, %convert_element_type3A, %cond3A : i32
      scf.if %cond3A_95 {
        %dma_wait3A_440 = arith.constant 0 : i32
        %dma_wait3A_441 = arith.constant 0 : i32
        %dma_wait3A_442 = arith.constant 0 : i32
        %dma_wait3A_443 = tpu.memref_slice %arg4[%dma_wait3A_440, %dma_wait3A_441, %dma_wait3A_442] : memref<4x4096x2048xf32, #tpu.memory_space<hbm>> -> memref<1x4x2048xf32, #tpu.memory_space<hbm>>
        %dma_wait3A_444 = tpu.memref_squeeze %dma_wait3A_443 : memref<1x4x2048xf32, #tpu.memory_space<hbm>> -> memref<4x2048xf32, #tpu.memory_space<hbm>>
        %dma_wait3A_445 = arith.constant 0 : i32
        %dma_wait3A_446 = arith.constant 0 : i32
        %dma_wait3A_447 = tpu.memref_slice %arg4[%dma_wait3A_440, %dma_wait3A_445, %dma_wait3A_446] : memref<4x4096x2048xf32, #tpu.memory_space<hbm>> -> memref<1x4x2048xf32, #tpu.memory_space<hbm>>
        %dma_wait3A_448 = tpu.memref_squeeze %dma_wait3A_447 : memref<1x4x2048xf32, #tpu.memory_space<hbm>> -> memref<4x2048xf32, #tpu.memory_space<hbm>>
        tpu.wait_dma2 semaphore(%arg27 : memref<!tpu.dma_semaphore, #tpu.memory_space<semaphore_mem>>) src(%arg9 : memref<4x2048xf32, #tpu.memory_space<vmem>>) dst(%dma_wait3A_448 : memref<4x2048xf32, #tpu.memory_space<hbm>>)
      } else {
      }
      %add3A_96 = arith.constant 4 : i32
      %add3A_97 = arith.addi %add3A_86, %add3A_96 : i32
      %dma_start3A_98 = arith.constant 0 : i32
      %dma_start3A_99 = arith.constant 0 : i32
      %dma_start3A_100 = tpu.memref_slice %arg2[%dma_start3A_98, %add3A_97, %dma_start3A_99] : memref<4x4096x2048xf32, #tpu.memory_space<hbm>> -> memref<1x4x2048xf32, #tpu.memory_space<hbm>>
      %dma_start3A_101 = tpu.memref_squeeze %dma_start3A_100 : memref<1x4x2048xf32, #tpu.memory_space<hbm>> -> memref<4x2048xf32, #tpu.memory_space<hbm>>
      %dma_start3A_102 = arith.constant 0 : i32
      %dma_start3A_103 = tpu.memref_slice %arg2[%dma_start3A_98, %add3A_97, %dma_start3A_102] : memref<4x4096x2048xf32, #tpu.memory_space<hbm>> -> memref<1x4x2048xf32, #tpu.memory_space<hbm>>
      %dma_start3A_104 = tpu.memref_squeeze %dma_start3A_103 : memref<1x4x2048xf32, #tpu.memory_space<hbm>> -> memref<4x2048xf32, #tpu.memory_space<hbm>>
      tpu.enqueue_dma source(%dma_start3A_104 : memref<4x2048xf32, #tpu.memory_space<hbm>>) target(%arg9 : memref<4x2048xf32, #tpu.memory_space<vmem>>) target_semaphore(%arg19 : memref<!tpu.dma_semaphore, #tpu.memory_space<semaphore_mem>>)
      %dma_wait3A_105 = arith.constant 0 : i32
      %dma_wait3A_106 = arith.constant 0 : i32
      %dma_wait3A_107 = arith.constant 0 : i32
      %dma_wait3A_108 = tpu.memref_slice %arg2[%dma_wait3A_105, %dma_wait3A_106, %dma_wait3A_107] : memref<4x4096x2048xf32, #tpu.memory_space<hbm>> -> memref<1x4x2048xf32, #tpu.memory_space<hbm>>
      %dma_wait3A_109 = tpu.memref_squeeze %dma_wait3A_108 : memref<1x4x2048xf32, #tpu.memory_space<hbm>> -> memref<4x2048xf32, #tpu.memory_space<hbm>>
      %dma_wait3A_110 = arith.constant 0 : i32
      %dma_wait3A_111 = arith.constant 0 : i32
      %dma_wait3A_112 = tpu.memref_slice %arg2[%dma_wait3A_105, %dma_wait3A_110, %dma_wait3A_111] : memref<4x4096x2048xf32, #tpu.memory_space<hbm>> -> memref<1x4x2048xf32, #tpu.memory_space<hbm>>
      %dma_wait3A_113 = tpu.memref_squeeze %dma_wait3A_112 : memref<1x4x2048xf32, #tpu.memory_space<hbm>> -> memref<4x2048xf32, #tpu.memory_space<hbm>>
      tpu.wait_dma2 semaphore(%arg15 : memref<!tpu.dma_semaphore, #tpu.memory_space<semaphore_mem>>) src(%dma_wait3A_113 : memref<4x2048xf32, #tpu.memory_space<hbm>>) dst(%arg5 : memref<4x2048xf32, #tpu.memory_space<vmem>>)
      %parallel_loop3A = arith.constant 0 : i32
      %parallel_loop3A_114 = arith.constant 2048 : i32
      %parallel_loop3A_115 = arith.constant 16 : i32
      scf.for %parallel_loop3A_440 = %parallel_loop3A to %parallel_loop3A_114 step %parallel_loop3A_115  : i32 {
        %parallel_loop3A_441 = arith.constant 0 : i32
        %parallel_loop3A_442 = arith.index_cast %parallel_loop3A_441 : i32 to index
        %parallel_loop3A_443 = arith.index_cast %parallel_loop3A_440 : i32 to index
        %parallel_loop3A_444 = tpu.vector_load %arg13[%parallel_loop3A_442, %parallel_loop3A_443] {strides = array<i32>} : memref<4x2048xf32, #tpu.memory_space<vmem>>, vector<1x16xf32>,
        %parallel_loop3A_445 = vector.shape_cast %parallel_loop3A_444 : vector<1x16xf32> to vector<16xf32>
        %parallel_loop3A_446 = arith.constant 0 : i32
        %parallel_loop3A_447 = arith.index_cast %parallel_loop3A_446 : i32 to index
        %parallel_loop3A_448 = arith.index_cast %parallel_loop3A_440 : i32 to index
        %parallel_loop3A_449 = tpu.vector_load %arg5[%parallel_loop3A_447, %parallel_loop3A_448] {strides = array<i32>} : memref<4x2048xf32, #tpu.memory_space<vmem>>, vector<1x16xf32>,
        %parallel_loop3A_450 = vector.shape_cast %parallel_loop3A_449 : vector<1x16xf32> to vector<16xf32>
        %parallel_loop3A_451 = vector.shape_cast %parallel_loop3A_445 : vector<16xf32> to vector<1x16xf32>
        tpu.vector_store %arg5[%parallel_loop3A_447, %parallel_loop3A_448], %parallel_loop3A_451 {add = true, strides = array<i32>} : memref<4x2048xf32, #tpu.memory_space<vmem>>, vector<1x16xf32>,
      } {sc.loop_unroll_factor = 8 : i64, sc.parallel_access}
      %parallel_loop3A_116 = arith.constant 0 : i32
      %parallel_loop3A_117 = arith.constant 2048 : i32
      %parallel_loop3A_118 = arith.constant 16 : i32
      scf.for %parallel_loop3A_440 = %parallel_loop3A_116 to %parallel_loop3A_117 step %parallel_loop3A_118  : i32 {
        %parallel_loop3A_441 = arith.constant 1 : i32
        %parallel_loop3A_442 = arith.index_cast %parallel_loop3A_441 : i32 to index
        %parallel_loop3A_443 = arith.index_cast %parallel_loop3A_440 : i32 to index
        %parallel_loop3A_444 = tpu.vector_load %arg13[%parallel_loop3A_442, %parallel_loop3A_443] {strides = array<i32>} : memref<4x2048xf32, #tpu.memory_space<vmem>>, vector<1x16xf32>,
        %parallel_loop3A_445 = vector.shape_cast %parallel_loop3A_444 : vector<1x16xf32> to vector<16xf32>
        %parallel_loop3A_446 = arith.constant 1 : i32
        %parallel_loop3A_447 = arith.index_cast %parallel_loop3A_446 : i32 to index
        %parallel_loop3A_448 = arith.index_cast %parallel_loop3A_440 : i32 to index
        %parallel_loop3A_449 = tpu.vector_load %arg5[%parallel_loop3A_447, %parallel_loop3A_448] {strides = array<i32>} : memref<4x2048xf32, #tpu.memory_space<vmem>>, vector<1x16xf32>,
        %parallel_loop3A_450 = vector.shape_cast %parallel_loop3A_449 : vector<1x16xf32> to vector<16xf32>
        %parallel_loop3A_451 = vector.shape_cast %parallel_loop3A_445 : vector<16xf32> to vector<1x16xf32>
        tpu.vector_store %arg5[%parallel_loop3A_447, %parallel_loop3A_448], %parallel_loop3A_451 {add = true, strides = array<i32>} : memref<4x2048xf32, #tpu.memory_space<vmem>>, vector<1x16xf32>,
      } {sc.loop_unroll_factor = 8 : i64, sc.parallel_access}
      %parallel_loop3A_119 = arith.constant 0 : i32
      %parallel_loop3A_120 = arith.constant 2048 : i32
      %parallel_loop3A_121 = arith.constant 16 : i32
      scf.for %parallel_loop3A_440 = %parallel_loop3A_119 to %parallel_loop3A_120 step %parallel_loop3A_121  : i32 {
        %parallel_loop3A_441 = arith.constant 2 : i32
        %parallel_loop3A_442 = arith.index_cast %parallel_loop3A_441 : i32 to index
        %parallel_loop3A_443 = arith.index_cast %parallel_loop3A_440 : i32 to index
        %parallel_loop3A_444 = tpu.vector_load %arg13[%parallel_loop3A_442, %parallel_loop3A_443] {strides = array<i32>} : memref<4x2048xf32, #tpu.memory_space<vmem>>, vector<1x16xf32>,
        %parallel_loop3A_445 = vector.shape_cast %parallel_loop3A_444 : vector<1x16xf32> to vector<16xf32>
        %parallel_loop3A_446 = arith.constant 2 : i32
        %parallel_loop3A_447 = arith.index_cast %parallel_loop3A_446 : i32 to index
        %parallel_loop3A_448 = arith.index_cast %parallel_loop3A_440 : i32 to index
        %parallel_loop3A_449 = tpu.vector_load %arg5[%parallel_loop3A_447, %parallel_loop3A_448] {strides = array<i32>} : memref<4x2048xf32, #tpu.memory_space<vmem>>, vector<1x16xf32>,
        %parallel_loop3A_450 = vector.shape_cast %parallel_loop3A_449 : vector<1x16xf32> to vector<16xf32>
        %parallel_loop3A_451 = vector.shape_cast %parallel_loop3A_445 : vector<16xf32> to vector<1x16xf32>
        tpu.vector_store %arg5[%parallel_loop3A_447, %parallel_loop3A_448], %parallel_loop3A_451 {add = true, strides = array<i32>} : memref<4x2048xf32, #tpu.memory_space<vmem>>, vector<1x16xf32>,
      } {sc.loop_unroll_factor = 8 : i64, sc.parallel_access}
      %parallel_loop3A_122 = arith.constant 0 : i32
      %parallel_loop3A_123 = arith.constant 2048 : i32
      %parallel_loop3A_124 = arith.constant 16 : i32
      scf.for %parallel_loop3A_440 = %parallel_loop3A_122 to %parallel_loop3A_123 step %parallel_loop3A_124  : i32 {
        %parallel_loop3A_441 = arith.constant 3 : i32
        %parallel_loop3A_442 = arith.index_cast %parallel_loop3A_441 : i32 to index
        %parallel_loop3A_443 = arith.index_cast %parallel_loop3A_440 : i32 to index
        %parallel_loop3A_444 = tpu.vector_load %arg13[%parallel_loop3A_442, %parallel_loop3A_443] {strides = array<i32>} : memref<4x2048xf32, #tpu.memory_space<vmem>>, vector<1x16xf32>,
        %parallel_loop3A_445 = vector.shape_cast %parallel_loop3A_444 : vector<1x16xf32> to vector<16xf32>
        %parallel_loop3A_446 = arith.constant 3 : i32
        %parallel_loop3A_447 = arith.index_cast %parallel_loop3A_446 : i32 to index
        %parallel_loop3A_448 = arith.index_cast %parallel_loop3A_440 : i32 to index
        %parallel_loop3A_449 = tpu.vector_load %arg5[%parallel_loop3A_447, %parallel_loop3A_448] {strides = array<i32>} : memref<4x2048xf32, #tpu.memory_space<vmem>>, vector<1x16xf32>,
        %parallel_loop3A_450 = vector.shape_cast %parallel_loop3A_449 : vector<1x16xf32> to vector<16xf32>
        %parallel_loop3A_451 = vector.shape_cast %parallel_loop3A_445 : vector<16xf32> to vector<1x16xf32>
        tpu.vector_store %arg5[%parallel_loop3A_447, %parallel_loop3A_448], %parallel_loop3A_451 {add = true, strides = array<i32>} : memref<4x2048xf32, #tpu.memory_space<vmem>>, vector<1x16xf32>,
      } {sc.loop_unroll_factor = 8 : i64, sc.parallel_access}
      %add3A_125 = arith.constant 0 : i32
      %add3A_126 = arith.addi %add3A_86, %add3A_125 : i32
      %dma_start3A_127 = arith.constant 0 : i32
      %dma_start3A_128 = arith.constant 0 : i32
      %dma_start3A_129 = tpu.memref_slice %arg4[%dma_start3A_127, %add3A_126, %dma_start3A_128] : memref<4x4096x2048xf32, #tpu.memory_space<hbm>> -> memref<1x4x2048xf32, #tpu.memory_space<hbm>>
      %dma_start3A_130 = tpu.memref_squeeze %dma_start3A_129 : memref<1x4x2048xf32, #tpu.memory_space<hbm>> -> memref<4x2048xf32, #tpu.memory_space<hbm>>
      %dma_start3A_131 = arith.constant 0 : i32
      %dma_start3A_132 = tpu.memref_slice %arg4[%dma_start3A_127, %add3A_126, %dma_start3A_131] : memref<4x4096x2048xf32, #tpu.memory_space<hbm>> -> memref<1x4x2048xf32, #tpu.memory_space<hbm>>
      %dma_start3A_133 = tpu.memref_squeeze %dma_start3A_132 : memref<1x4x2048xf32, #tpu.memory_space<hbm>> -> memref<4x2048xf32, #tpu.memory_space<hbm>>
      tpu.enqueue_dma source(%arg5 : memref<4x2048xf32, #tpu.memory_space<vmem>>) target(%dma_start3A_133 : memref<4x2048xf32, #tpu.memory_space<hbm>>) target_semaphore(%arg23 : memref<!tpu.dma_semaphore, #tpu.memory_space<semaphore_mem>>)
      %convert_element_type3A_134 = arith.extui %gt3A_87 : i1 to i32
      %cond3A_135 = arith.constant 0 : i32
      %cond3A_136 = arith.cmpi ne, %convert_element_type3A_134, %cond3A_135 : i32
      scf.if %cond3A_136 {
        %dma_wait3A_440 = arith.constant 0 : i32
        %dma_wait3A_441 = arith.constant 0 : i32
        %dma_wait3A_442 = arith.constant 0 : i32
        %dma_wait3A_443 = tpu.memref_slice %arg4[%dma_wait3A_440, %dma_wait3A_441, %dma_wait3A_442] : memref<4x4096x2048xf32, #tpu.memory_space<hbm>> -> memref<1x4x2048xf32, #tpu.memory_space<hbm>>
        %dma_wait3A_444 = tpu.memref_squeeze %dma_wait3A_443 : memref<1x4x2048xf32, #tpu.memory_space<hbm>> -> memref<4x2048xf32, #tpu.memory_space<hbm>>
        %dma_wait3A_445 = arith.constant 0 : i32
        %dma_wait3A_446 = arith.constant 0 : i32
        %dma_wait3A_447 = tpu.memref_slice %arg4[%dma_wait3A_440, %dma_wait3A_445, %dma_wait3A_446] : memref<4x4096x2048xf32, #tpu.memory_space<hbm>> -> memref<1x4x2048xf32, #tpu.memory_space<hbm>>
        %dma_wait3A_448 = tpu.memref_squeeze %dma_wait3A_447 : memref<1x4x2048xf32, #tpu.memory_space<hbm>> -> memref<4x2048xf32, #tpu.memory_space<hbm>>
        tpu.wait_dma2 semaphore(%arg28 : memref<!tpu.dma_semaphore, #tpu.memory_space<semaphore_mem>>) src(%arg10 : memref<4x2048xf32, #tpu.memory_space<vmem>>) dst(%dma_wait3A_448 : memref<4x2048xf32, #tpu.memory_space<hbm>>)
      } else {
      }
      %add3A_137 = arith.constant 4 : i32
      %add3A_138 = arith.addi %add3A_86, %add3A_137 : i32
      %dma_start3A_139 = arith.constant 1 : i32
      %dma_start3A_140 = arith.constant 0 : i32
      %dma_start3A_141 = tpu.memref_slice %arg2[%dma_start3A_139, %add3A_138, %dma_start3A_140] : memref<4x4096x2048xf32, #tpu.memory_space<hbm>> -> memref<1x4x2048xf32, #tpu.memory_space<hbm>>
      %dma_start3A_142 = tpu.memref_squeeze %dma_start3A_141 : memref<1x4x2048xf32, #tpu.memory_space<hbm>> -> memref<4x2048xf32, #tpu.memory_space<hbm>>
      %dma_start3A_143 = arith.constant 0 : i32
      %dma_start3A_144 = tpu.memref_slice %arg2[%dma_start3A_139, %add3A_138, %dma_start3A_143] : memref<4x4096x2048xf32, #tpu.memory_space<hbm>> -> memref<1x4x2048xf32, #tpu.memory_space<hbm>>
      %dma_start3A_145 = tpu.memref_squeeze %dma_start3A_144 : memref<1x4x2048xf32, #tpu.memory_space<hbm>> -> memref<4x2048xf32, #tpu.memory_space<hbm>>
      tpu.enqueue_dma source(%dma_start3A_145 : memref<4x2048xf32, #tpu.memory_space<hbm>>) target(%arg10 : memref<4x2048xf32, #tpu.memory_space<vmem>>) target_semaphore(%arg20 : memref<!tpu.dma_semaphore, #tpu.memory_space<semaphore_mem>>)
      %dma_wait3A_146 = arith.constant 0 : i32
      %dma_wait3A_147 = arith.constant 0 : i32
      %dma_wait3A_148 = arith.constant 0 : i32
      %dma_wait3A_149 = tpu.memref_slice %arg2[%dma_wait3A_146, %dma_wait3A_147, %dma_wait3A_148] : memref<4x4096x2048xf32, #tpu.memory_space<hbm>> -> memref<1x4x2048xf32, #tpu.memory_space<hbm>>
      %dma_wait3A_150 = tpu.memref_squeeze %dma_wait3A_149 : memref<1x4x2048xf32, #tpu.memory_space<hbm>> -> memref<4x2048xf32, #tpu.memory_space<hbm>>
      %dma_wait3A_151 = arith.constant 0 : i32
      %dma_wait3A_152 = arith.constant 0 : i32
      %dma_wait3A_153 = tpu.memref_slice %arg2[%dma_wait3A_146, %dma_wait3A_151, %dma_wait3A_152] : memref<4x4096x2048xf32, #tpu.memory_space<hbm>> -> memref<1x4x2048xf32, #tpu.memory_space<hbm>>
      %dma_wait3A_154 = tpu.memref_squeeze %dma_wait3A_153 : memref<1x4x2048xf32, #tpu.memory_space<hbm>> -> memref<4x2048xf32, #tpu.memory_space<hbm>>
      tpu.wait_dma2 semaphore(%arg16 : memref<!tpu.dma_semaphore, #tpu.memory_space<semaphore_mem>>) src(%dma_wait3A_154 : memref<4x2048xf32, #tpu.memory_space<hbm>>) dst(%arg6 : memref<4x2048xf32, #tpu.memory_space<vmem>>)
      %parallel_loop3A_155 = arith.constant 0 : i32
      %parallel_loop3A_156 = arith.constant 2048 : i32
      %parallel_loop3A_157 = arith.constant 16 : i32
      scf.for %parallel_loop3A_440 = %parallel_loop3A_155 to %parallel_loop3A_156 step %parallel_loop3A_157  : i32 {
        %parallel_loop3A_441 = arith.constant 0 : i32
        %parallel_loop3A_442 = arith.index_cast %parallel_loop3A_441 : i32 to index
        %parallel_loop3A_443 = arith.index_cast %parallel_loop3A_440 : i32 to index
        %parallel_loop3A_444 = tpu.vector_load %arg13[%parallel_loop3A_442, %parallel_loop3A_443] {strides = array<i32>} : memref<4x2048xf32, #tpu.memory_space<vmem>>, vector<1x16xf32>,
        %parallel_loop3A_445 = vector.shape_cast %parallel_loop3A_444 : vector<1x16xf32> to vector<16xf32>
        %parallel_loop3A_446 = arith.constant 0 : i32
        %parallel_loop3A_447 = arith.index_cast %parallel_loop3A_446 : i32 to index
        %parallel_loop3A_448 = arith.index_cast %parallel_loop3A_440 : i32 to index
        %parallel_loop3A_449 = tpu.vector_load %arg6[%parallel_loop3A_447, %parallel_loop3A_448] {strides = array<i32>} : memref<4x2048xf32, #tpu.memory_space<vmem>>, vector<1x16xf32>,
        %parallel_loop3A_450 = vector.shape_cast %parallel_loop3A_449 : vector<1x16xf32> to vector<16xf32>
        %parallel_loop3A_451 = vector.shape_cast %parallel_loop3A_445 : vector<16xf32> to vector<1x16xf32>
        tpu.vector_store %arg6[%parallel_loop3A_447, %parallel_loop3A_448], %parallel_loop3A_451 {add = true, strides = array<i32>} : memref<4x2048xf32, #tpu.memory_space<vmem>>, vector<1x16xf32>,
      } {sc.loop_unroll_factor = 8 : i64, sc.parallel_access}
      %parallel_loop3A_158 = arith.constant 0 : i32
      %parallel_loop3A_159 = arith.constant 2048 : i32
      %parallel_loop3A_160 = arith.constant 16 : i32
      scf.for %parallel_loop3A_440 = %parallel_loop3A_158 to %parallel_loop3A_159 step %parallel_loop3A_160  : i32 {
        %parallel_loop3A_441 = arith.constant 1 : i32
        %parallel_loop3A_442 = arith.index_cast %parallel_loop3A_441 : i32 to index
        %parallel_loop3A_443 = arith.index_cast %parallel_loop3A_440 : i32 to index
        %parallel_loop3A_444 = tpu.vector_load %arg13[%parallel_loop3A_442, %parallel_loop3A_443] {strides = array<i32>} : memref<4x2048xf32, #tpu.memory_space<vmem>>, vector<1x16xf32>,
        %parallel_loop3A_445 = vector.shape_cast %parallel_loop3A_444 : vector<1x16xf32> to vector<16xf32>
        %parallel_loop3A_446 = arith.constant 1 : i32
        %parallel_loop3A_447 = arith.index_cast %parallel_loop3A_446 : i32 to index
        %parallel_loop3A_448 = arith.index_cast %parallel_loop3A_440 : i32 to index
        %parallel_loop3A_449 = tpu.vector_load %arg6[%parallel_loop3A_447, %parallel_loop3A_448] {strides = array<i32>} : memref<4x2048xf32, #tpu.memory_space<vmem>>, vector<1x16xf32>,
        %parallel_loop3A_450 = vector.shape_cast %parallel_loop3A_449 : vector<1x16xf32> to vector<16xf32>
        %parallel_loop3A_451 = vector.shape_cast %parallel_loop3A_445 : vector<16xf32> to vector<1x16xf32>
        tpu.vector_store %arg6[%parallel_loop3A_447, %parallel_loop3A_448], %parallel_loop3A_451 {add = true, strides = array<i32>} : memref<4x2048xf32, #tpu.memory_space<vmem>>, vector<1x16xf32>,
      } {sc.loop_unroll_factor = 8 : i64, sc.parallel_access}
      %parallel_loop3A_161 = arith.constant 0 : i32
      %parallel_loop3A_162 = arith.constant 2048 : i32
      %parallel_loop3A_163 = arith.constant 16 : i32
      scf.for %parallel_loop3A_440 = %parallel_loop3A_161 to %parallel_loop3A_162 step %parallel_loop3A_163  : i32 {
        %parallel_loop3A_441 = arith.constant 2 : i32
        %parallel_loop3A_442 = arith.index_cast %parallel_loop3A_441 : i32 to index
        %parallel_loop3A_443 = arith.index_cast %parallel_loop3A_440 : i32 to index
        %parallel_loop3A_444 = tpu.vector_load %arg13[%parallel_loop3A_442, %parallel_loop3A_443] {strides = array<i32>} : memref<4x2048xf32, #tpu.memory_space<vmem>>, vector<1x16xf32>,
        %parallel_loop3A_445 = vector.shape_cast %parallel_loop3A_444 : vector<1x16xf32> to vector<16xf32>
        %parallel_loop3A_446 = arith.constant 2 : i32
        %parallel_loop3A_447 = arith.index_cast %parallel_loop3A_446 : i32 to index
        %parallel_loop3A_448 = arith.index_cast %parallel_loop3A_440 : i32 to index
        %parallel_loop3A_449 = tpu.vector_load %arg6[%parallel_loop3A_447, %parallel_loop3A_448] {strides = array<i32>} : memref<4x2048xf32, #tpu.memory_space<vmem>>, vector<1x16xf32>,
        %parallel_loop3A_450 = vector.shape_cast %parallel_loop3A_449 : vector<1x16xf32> to vector<16xf32>
        %parallel_loop3A_451 = vector.shape_cast %parallel_loop3A_445 : vector<16xf32> to vector<1x16xf32>
        tpu.vector_store %arg6[%parallel_loop3A_447, %parallel_loop3A_448], %parallel_loop3A_451 {add = true, strides = array<i32>} : memref<4x2048xf32, #tpu.memory_space<vmem>>, vector<1x16xf32>,
      } {sc.loop_unroll_factor = 8 : i64, sc.parallel_access}
      %parallel_loop3A_164 = arith.constant 0 : i32
      %parallel_loop3A_165 = arith.constant 2048 : i32
      %parallel_loop3A_166 = arith.constant 16 : i32
      scf.for %parallel_loop3A_440 = %parallel_loop3A_164 to %parallel_loop3A_165 step %parallel_loop3A_166  : i32 {
        %parallel_loop3A_441 = arith.constant 3 : i32
        %parallel_loop3A_442 = arith.index_cast %parallel_loop3A_441 : i32 to index
        %parallel_loop3A_443 = arith.index_cast %parallel_loop3A_440 : i32 to index
        %parallel_loop3A_444 = tpu.vector_load %arg13[%parallel_loop3A_442, %parallel_loop3A_443] {strides = array<i32>} : memref<4x2048xf32, #tpu.memory_space<vmem>>, vector<1x16xf32>,
        %parallel_loop3A_445 = vector.shape_cast %parallel_loop3A_444 : vector<1x16xf32> to vector<16xf32>
        %parallel_loop3A_446 = arith.constant 3 : i32
        %parallel_loop3A_447 = arith.index_cast %parallel_loop3A_446 : i32 to index
        %parallel_loop3A_448 = arith.index_cast %parallel_loop3A_440 : i32 to index
        %parallel_loop3A_449 = tpu.vector_load %arg6[%parallel_loop3A_447, %parallel_loop3A_448] {strides = array<i32>} : memref<4x2048xf32, #tpu.memory_space<vmem>>, vector<1x16xf32>,
        %parallel_loop3A_450 = vector.shape_cast %parallel_loop3A_449 : vector<1x16xf32> to vector<16xf32>
        %parallel_loop3A_451 = vector.shape_cast %parallel_loop3A_445 : vector<16xf32> to vector<1x16xf32>
        tpu.vector_store %arg6[%parallel_loop3A_447, %parallel_loop3A_448], %parallel_loop3A_451 {add = true, strides = array<i32>} : memref<4x2048xf32, #tpu.memory_space<vmem>>, vector<1x16xf32>,
      } {sc.loop_unroll_factor = 8 : i64, sc.parallel_access}
      %add3A_167 = arith.constant 0 : i32
      %add3A_168 = arith.addi %add3A_86, %add3A_167 : i32
      %dma_start3A_169 = arith.constant 1 : i32
      %dma_start3A_170 = arith.constant 0 : i32
      %dma_start3A_171 = tpu.memref_slice %arg4[%dma_start3A_169, %add3A_168, %dma_start3A_170] : memref<4x4096x2048xf32, #tpu.memory_space<hbm>> -> memref<1x4x2048xf32, #tpu.memory_space<hbm>>
      %dma_start3A_172 = tpu.memref_squeeze %dma_start3A_171 : memref<1x4x2048xf32, #tpu.memory_space<hbm>> -> memref<4x2048xf32, #tpu.memory_space<hbm>>
      %dma_start3A_173 = arith.constant 0 : i32
      %dma_start3A_174 = tpu.memref_slice %arg4[%dma_start3A_169, %add3A_168, %dma_start3A_173] : memref<4x4096x2048xf32, #tpu.memory_space<hbm>> -> memref<1x4x2048xf32, #tpu.memory_space<hbm>>
      %dma_start3A_175 = tpu.memref_squeeze %dma_start3A_174 : memref<1x4x2048xf32, #tpu.memory_space<hbm>> -> memref<4x2048xf32, #tpu.memory_space<hbm>>
      tpu.enqueue_dma source(%arg6 : memref<4x2048xf32, #tpu.memory_space<vmem>>) target(%dma_start3A_175 : memref<4x2048xf32, #tpu.memory_space<hbm>>) target_semaphore(%arg24 : memref<!tpu.dma_semaphore, #tpu.memory_space<semaphore_mem>>)
      %convert_element_type3A_176 = arith.extui %gt3A_87 : i1 to i32
      %cond3A_177 = arith.constant 0 : i32
      %cond3A_178 = arith.cmpi ne, %convert_element_type3A_176, %cond3A_177 : i32
      scf.if %cond3A_178 {
        %dma_wait3A_440 = arith.constant 0 : i32
        %dma_wait3A_441 = arith.constant 0 : i32
        %dma_wait3A_442 = arith.constant 0 : i32
        %dma_wait3A_443 = tpu.memref_slice %arg4[%dma_wait3A_440, %dma_wait3A_441, %dma_wait3A_442] : memref<4x4096x2048xf32, #tpu.memory_space<hbm>> -> memref<1x4x2048xf32, #tpu.memory_space<hbm>>
        %dma_wait3A_444 = tpu.memref_squeeze %dma_wait3A_443 : memref<1x4x2048xf32, #tpu.memory_space<hbm>> -> memref<4x2048xf32, #tpu.memory_space<hbm>>
        %dma_wait3A_445 = arith.constant 0 : i32
        %dma_wait3A_446 = arith.constant 0 : i32
        %dma_wait3A_447 = tpu.memref_slice %arg4[%dma_wait3A_440, %dma_wait3A_445, %dma_wait3A_446] : memref<4x4096x2048xf32, #tpu.memory_space<hbm>> -> memref<1x4x2048xf32, #tpu.memory_space<hbm>>
        %dma_wait3A_448 = tpu.memref_squeeze %dma_wait3A_447 : memref<1x4x2048xf32, #tpu.memory_space<hbm>> -> memref<4x2048xf32, #tpu.memory_space<hbm>>
        tpu.wait_dma2 semaphore(%arg29 : memref<!tpu.dma_semaphore, #tpu.memory_space<semaphore_mem>>) src(%arg11 : memref<4x2048xf32, #tpu.memory_space<vmem>>) dst(%dma_wait3A_448 : memref<4x2048xf32, #tpu.memory_space<hbm>>)
      } else {
      }
      %add3A_179 = arith.constant 4 : i32
      %add3A_180 = arith.addi %add3A_86, %add3A_179 : i32
      %dma_start3A_181 = arith.constant 2 : i32
      %dma_start3A_182 = arith.constant 0 : i32
      %dma_start3A_183 = tpu.memref_slice %arg2[%dma_start3A_181, %add3A_180, %dma_start3A_182] : memref<4x4096x2048xf32, #tpu.memory_space<hbm>> -> memref<1x4x2048xf32, #tpu.memory_space<hbm>>
      %dma_start3A_184 = tpu.memref_squeeze %dma_start3A_183 : memref<1x4x2048xf32, #tpu.memory_space<hbm>> -> memref<4x2048xf32, #tpu.memory_space<hbm>>
      %dma_start3A_185 = arith.constant 0 : i32
      %dma_start3A_186 = tpu.memref_slice %arg2[%dma_start3A_181, %add3A_180, %dma_start3A_185] : memref<4x4096x2048xf32, #tpu.memory_space<hbm>> -> memref<1x4x2048xf32, #tpu.memory_space<hbm>>
      %dma_start3A_187 = tpu.memref_squeeze %dma_start3A_186 : memref<1x4x2048xf32, #tpu.memory_space<hbm>> -> memref<4x2048xf32, #tpu.memory_space<hbm>>
      tpu.enqueue_dma source(%dma_start3A_187 : memref<4x2048xf32, #tpu.memory_space<hbm>>) target(%arg11 : memref<4x2048xf32, #tpu.memory_space<vmem>>) target_semaphore(%arg21 : memref<!tpu.dma_semaphore, #tpu.memory_space<semaphore_mem>>)
      %dma_wait3A_188 = arith.constant 0 : i32
      %dma_wait3A_189 = arith.constant 0 : i32
      %dma_wait3A_190 = arith.constant 0 : i32
      %dma_wait3A_191 = tpu.memref_slice %arg2[%dma_wait3A_188, %dma_wait3A_189, %dma_wait3A_190] : memref<4x4096x2048xf32, #tpu.memory_space<hbm>> -> memref<1x4x2048xf32, #tpu.memory_space<hbm>>
      %dma_wait3A_192 = tpu.memref_squeeze %dma_wait3A_191 : memref<1x4x2048xf32, #tpu.memory_space<hbm>> -> memref<4x2048xf32, #tpu.memory_space<hbm>>
      %dma_wait3A_193 = arith.constant 0 : i32
      %dma_wait3A_194 = arith.constant 0 : i32
      %dma_wait3A_195 = tpu.memref_slice %arg2[%dma_wait3A_188, %dma_wait3A_193, %dma_wait3A_194] : memref<4x4096x2048xf32, #tpu.memory_space<hbm>> -> memref<1x4x2048xf32, #tpu.memory_space<hbm>>
      %dma_wait3A_196 = tpu.memref_squeeze %dma_wait3A_195 : memref<1x4x2048xf32, #tpu.memory_space<hbm>> -> memref<4x2048xf32, #tpu.memory_space<hbm>>
      tpu.wait_dma2 semaphore(%arg17 : memref<!tpu.dma_semaphore, #tpu.memory_space<semaphore_mem>>) src(%dma_wait3A_196 : memref<4x2048xf32, #tpu.memory_space<hbm>>) dst(%arg7 : memref<4x2048xf32, #tpu.memory_space<vmem>>)
      %parallel_loop3A_197 = arith.constant 0 : i32
      %parallel_loop3A_198 = arith.constant 2048 : i32
      %parallel_loop3A_199 = arith.constant 16 : i32
      scf.for %parallel_loop3A_440 = %parallel_loop3A_197 to %parallel_loop3A_198 step %parallel_loop3A_199  : i32 {
        %parallel_loop3A_441 = arith.constant 0 : i32
        %parallel_loop3A_442 = arith.index_cast %parallel_loop3A_441 : i32 to index
        %parallel_loop3A_443 = arith.index_cast %parallel_loop3A_440 : i32 to index
        %parallel_loop3A_444 = tpu.vector_load %arg13[%parallel_loop3A_442, %parallel_loop3A_443] {strides = array<i32>} : memref<4x2048xf32, #tpu.memory_space<vmem>>, vector<1x16xf32>,
        %parallel_loop3A_445 = vector.shape_cast %parallel_loop3A_444 : vector<1x16xf32> to vector<16xf32>
        %parallel_loop3A_446 = arith.constant 0 : i32
        %parallel_loop3A_447 = arith.index_cast %parallel_loop3A_446 : i32 to index
        %parallel_loop3A_448 = arith.index_cast %parallel_loop3A_440 : i32 to index
        %parallel_loop3A_449 = tpu.vector_load %arg7[%parallel_loop3A_447, %parallel_loop3A_448] {strides = array<i32>} : memref<4x2048xf32, #tpu.memory_space<vmem>>, vector<1x16xf32>,
        %parallel_loop3A_450 = vector.shape_cast %parallel_loop3A_449 : vector<1x16xf32> to vector<16xf32>
        %parallel_loop3A_451 = vector.shape_cast %parallel_loop3A_445 : vector<16xf32> to vector<1x16xf32>
        tpu.vector_store %arg7[%parallel_loop3A_447, %parallel_loop3A_448], %parallel_loop3A_451 {add = true, strides = array<i32>} : memref<4x2048xf32, #tpu.memory_space<vmem>>, vector<1x16xf32>,
      } {sc.loop_unroll_factor = 8 : i64, sc.parallel_access}
      %parallel_loop3A_200 = arith.constant 0 : i32
      %parallel_loop3A_201 = arith.constant 2048 : i32
      %parallel_loop3A_202 = arith.constant 16 : i32
      scf.for %parallel_loop3A_440 = %parallel_loop3A_200 to %parallel_loop3A_201 step %parallel_loop3A_202  : i32 {
        %parallel_loop3A_441 = arith.constant 1 : i32
        %parallel_loop3A_442 = arith.index_cast %parallel_loop3A_441 : i32 to index
        %parallel_loop3A_443 = arith.index_cast %parallel_loop3A_440 : i32 to index
        %parallel_loop3A_444 = tpu.vector_load %arg13[%parallel_loop3A_442, %parallel_loop3A_443] {strides = array<i32>} : memref<4x2048xf32, #tpu.memory_space<vmem>>, vector<1x16xf32>,
        %parallel_loop3A_445 = vector.shape_cast %parallel_loop3A_444 : vector<1x16xf32> to vector<16xf32>
        %parallel_loop3A_446 = arith.constant 1 : i32
        %parallel_loop3A_447 = arith.index_cast %parallel_loop3A_446 : i32 to index
        %parallel_loop3A_448 = arith.index_cast %parallel_loop3A_440 : i32 to index
        %parallel_loop3A_449 = tpu.vector_load %arg7[%parallel_loop3A_447, %parallel_loop3A_448] {strides = array<i32>} : memref<4x2048xf32, #tpu.memory_space<vmem>>, vector<1x16xf32>,
        %parallel_loop3A_450 = vector.shape_cast %parallel_loop3A_449 : vector<1x16xf32> to vector<16xf32>
        %parallel_loop3A_451 = vector.shape_cast %parallel_loop3A_445 : vector<16xf32> to vector<1x16xf32>
        tpu.vector_store %arg7[%parallel_loop3A_447, %parallel_loop3A_448], %parallel_loop3A_451 {add = true, strides = array<i32>} : memref<4x2048xf32, #tpu.memory_space<vmem>>, vector<1x16xf32>,
      } {sc.loop_unroll_factor = 8 : i64, sc.parallel_access}
      %parallel_loop3A_203 = arith.constant 0 : i32
      %parallel_loop3A_204 = arith.constant 2048 : i32
      %parallel_loop3A_205 = arith.constant 16 : i32
      scf.for %parallel_loop3A_440 = %parallel_loop3A_203 to %parallel_loop3A_204 step %parallel_loop3A_205  : i32 {
        %parallel_loop3A_441 = arith.constant 2 : i32
        %parallel_loop3A_442 = arith.index_cast %parallel_loop3A_441 : i32 to index
        %parallel_loop3A_443 = arith.index_cast %parallel_loop3A_440 : i32 to index
        %parallel_loop3A_444 = tpu.vector_load %arg13[%parallel_loop3A_442, %parallel_loop3A_443] {strides = array<i32>} : memref<4x2048xf32, #tpu.memory_space<vmem>>, vector<1x16xf32>,
        %parallel_loop3A_445 = vector.shape_cast %parallel_loop3A_444 : vector<1x16xf32> to vector<16xf32>
        %parallel_loop3A_446 = arith.constant 2 : i32
        %parallel_loop3A_447 = arith.index_cast %parallel_loop3A_446 : i32 to index
        %parallel_loop3A_448 = arith.index_cast %parallel_loop3A_440 : i32 to index
        %parallel_loop3A_449 = tpu.vector_load %arg7[%parallel_loop3A_447, %parallel_loop3A_448] {strides = array<i32>} : memref<4x2048xf32, #tpu.memory_space<vmem>>, vector<1x16xf32>,
        %parallel_loop3A_450 = vector.shape_cast %parallel_loop3A_449 : vector<1x16xf32> to vector<16xf32>
        %parallel_loop3A_451 = vector.shape_cast %parallel_loop3A_445 : vector<16xf32> to vector<1x16xf32>
        tpu.vector_store %arg7[%parallel_loop3A_447, %parallel_loop3A_448], %parallel_loop3A_451 {add = true, strides = array<i32>} : memref<4x2048xf32, #tpu.memory_space<vmem>>, vector<1x16xf32>,
      } {sc.loop_unroll_factor = 8 : i64, sc.parallel_access}
      %parallel_loop3A_206 = arith.constant 0 : i32
      %parallel_loop3A_207 = arith.constant 2048 : i32
      %parallel_loop3A_208 = arith.constant 16 : i32
      scf.for %parallel_loop3A_440 = %parallel_loop3A_206 to %parallel_loop3A_207 step %parallel_loop3A_208  : i32 {
        %parallel_loop3A_441 = arith.constant 3 : i32
        %parallel_loop3A_442 = arith.index_cast %parallel_loop3A_441 : i32 to index
        %parallel_loop3A_443 = arith.index_cast %parallel_loop3A_440 : i32 to index
        %parallel_loop3A_444 = tpu.vector_load %arg13[%parallel_loop3A_442, %parallel_loop3A_443] {strides = array<i32>} : memref<4x2048xf32, #tpu.memory_space<vmem>>, vector<1x16xf32>,
        %parallel_loop3A_445 = vector.shape_cast %parallel_loop3A_444 : vector<1x16xf32> to vector<16xf32>
        %parallel_loop3A_446 = arith.constant 3 : i32
        %parallel_loop3A_447 = arith.index_cast %parallel_loop3A_446 : i32 to index
        %parallel_loop3A_448 = arith.index_cast %parallel_loop3A_440 : i32 to index
        %parallel_loop3A_449 = tpu.vector_load %arg7[%parallel_loop3A_447, %parallel_loop3A_448] {strides = array<i32>} : memref<4x2048xf32, #tpu.memory_space<vmem>>, vector<1x16xf32>,
        %parallel_loop3A_450 = vector.shape_cast %parallel_loop3A_449 : vector<1x16xf32> to vector<16xf32>
        %parallel_loop3A_451 = vector.shape_cast %parallel_loop3A_445 : vector<16xf32> to vector<1x16xf32>
        tpu.vector_store %arg7[%parallel_loop3A_447, %parallel_loop3A_448], %parallel_loop3A_451 {add = true, strides = array<i32>} : memref<4x2048xf32, #tpu.memory_space<vmem>>, vector<1x16xf32>,
      } {sc.loop_unroll_factor = 8 : i64, sc.parallel_access}
      %add3A_209 = arith.constant 0 : i32
      %add3A_210 = arith.addi %add3A_86, %add3A_209 : i32
      %dma_start3A_211 = arith.constant 2 : i32
      %dma_start3A_212 = arith.constant 0 : i32
      %dma_start3A_213 = tpu.memref_slice %arg4[%dma_start3A_211, %add3A_210, %dma_start3A_212] : memref<4x4096x2048xf32, #tpu.memory_space<hbm>> -> memref<1x4x2048xf32, #tpu.memory_space<hbm>>
      %dma_start3A_214 = tpu.memref_squeeze %dma_start3A_213 : memref<1x4x2048xf32, #tpu.memory_space<hbm>> -> memref<4x2048xf32, #tpu.memory_space<hbm>>
      %dma_start3A_215 = arith.constant 0 : i32
      %dma_start3A_216 = tpu.memref_slice %arg4[%dma_start3A_211, %add3A_210, %dma_start3A_215] : memref<4x4096x2048xf32, #tpu.memory_space<hbm>> -> memref<1x4x2048xf32, #tpu.memory_space<hbm>>
      %dma_start3A_217 = tpu.memref_squeeze %dma_start3A_216 : memref<1x4x2048xf32, #tpu.memory_space<hbm>> -> memref<4x2048xf32, #tpu.memory_space<hbm>>
      tpu.enqueue_dma source(%arg7 : memref<4x2048xf32, #tpu.memory_space<vmem>>) target(%dma_start3A_217 : memref<4x2048xf32, #tpu.memory_space<hbm>>) target_semaphore(%arg25 : memref<!tpu.dma_semaphore, #tpu.memory_space<semaphore_mem>>)
      %convert_element_type3A_218 = arith.extui %gt3A_87 : i1 to i32
      %cond3A_219 = arith.constant 0 : i32
      %cond3A_220 = arith.cmpi ne, %convert_element_type3A_218, %cond3A_219 : i32
      scf.if %cond3A_220 {
        %dma_wait3A_440 = arith.constant 0 : i32
        %dma_wait3A_441 = arith.constant 0 : i32
        %dma_wait3A_442 = arith.constant 0 : i32
        %dma_wait3A_443 = tpu.memref_slice %arg4[%dma_wait3A_440, %dma_wait3A_441, %dma_wait3A_442] : memref<4x4096x2048xf32, #tpu.memory_space<hbm>> -> memref<1x4x2048xf32, #tpu.memory_space<hbm>>
        %dma_wait3A_444 = tpu.memref_squeeze %dma_wait3A_443 : memref<1x4x2048xf32, #tpu.memory_space<hbm>> -> memref<4x2048xf32, #tpu.memory_space<hbm>>
        %dma_wait3A_445 = arith.constant 0 : i32
        %dma_wait3A_446 = arith.constant 0 : i32
        %dma_wait3A_447 = tpu.memref_slice %arg4[%dma_wait3A_440, %dma_wait3A_445, %dma_wait3A_446] : memref<4x4096x2048xf32, #tpu.memory_space<hbm>> -> memref<1x4x2048xf32, #tpu.memory_space<hbm>>
        %dma_wait3A_448 = tpu.memref_squeeze %dma_wait3A_447 : memref<1x4x2048xf32, #tpu.memory_space<hbm>> -> memref<4x2048xf32, #tpu.memory_space<hbm>>
        tpu.wait_dma2 semaphore(%arg30 : memref<!tpu.dma_semaphore, #tpu.memory_space<semaphore_mem>>) src(%arg12 : memref<4x2048xf32, #tpu.memory_space<vmem>>) dst(%dma_wait3A_448 : memref<4x2048xf32, #tpu.memory_space<hbm>>)
      } else {
      }
      %add3A_221 = arith.constant 4 : i32
      %add3A_222 = arith.addi %add3A_86, %add3A_221 : i32
      %dma_start3A_223 = arith.constant 3 : i32
      %dma_start3A_224 = arith.constant 0 : i32
      %dma_start3A_225 = tpu.memref_slice %arg2[%dma_start3A_223, %add3A_222, %dma_start3A_224] : memref<4x4096x2048xf32, #tpu.memory_space<hbm>> -> memref<1x4x2048xf32, #tpu.memory_space<hbm>>
      %dma_start3A_226 = tpu.memref_squeeze %dma_start3A_225 : memref<1x4x2048xf32, #tpu.memory_space<hbm>> -> memref<4x2048xf32, #tpu.memory_space<hbm>>
      %dma_start3A_227 = arith.constant 0 : i32
      %dma_start3A_228 = tpu.memref_slice %arg2[%dma_start3A_223, %add3A_222, %dma_start3A_227] : memref<4x4096x2048xf32, #tpu.memory_space<hbm>> -> memref<1x4x2048xf32, #tpu.memory_space<hbm>>
      %dma_start3A_229 = tpu.memref_squeeze %dma_start3A_228 : memref<1x4x2048xf32, #tpu.memory_space<hbm>> -> memref<4x2048xf32, #tpu.memory_space<hbm>>
      tpu.enqueue_dma source(%dma_start3A_229 : memref<4x2048xf32, #tpu.memory_space<hbm>>) target(%arg12 : memref<4x2048xf32, #tpu.memory_space<vmem>>) target_semaphore(%arg22 : memref<!tpu.dma_semaphore, #tpu.memory_space<semaphore_mem>>)
      %dma_wait3A_230 = arith.constant 0 : i32
      %dma_wait3A_231 = arith.constant 0 : i32
      %dma_wait3A_232 = arith.constant 0 : i32
      %dma_wait3A_233 = tpu.memref_slice %arg2[%dma_wait3A_230, %dma_wait3A_231, %dma_wait3A_232] : memref<4x4096x2048xf32, #tpu.memory_space<hbm>> -> memref<1x4x2048xf32, #tpu.memory_space<hbm>>
      %dma_wait3A_234 = tpu.memref_squeeze %dma_wait3A_233 : memref<1x4x2048xf32, #tpu.memory_space<hbm>> -> memref<4x2048xf32, #tpu.memory_space<hbm>>
      %dma_wait3A_235 = arith.constant 0 : i32
      %dma_wait3A_236 = arith.constant 0 : i32
      %dma_wait3A_237 = tpu.memref_slice %arg2[%dma_wait3A_230, %dma_wait3A_235, %dma_wait3A_236] : memref<4x4096x2048xf32, #tpu.memory_space<hbm>> -> memref<1x4x2048xf32, #tpu.memory_space<hbm>>
      %dma_wait3A_238 = tpu.memref_squeeze %dma_wait3A_237 : memref<1x4x2048xf32, #tpu.memory_space<hbm>> -> memref<4x2048xf32, #tpu.memory_space<hbm>>
      tpu.wait_dma2 semaphore(%arg18 : memref<!tpu.dma_semaphore, #tpu.memory_space<semaphore_mem>>) src(%dma_wait3A_238 : memref<4x2048xf32, #tpu.memory_space<hbm>>) dst(%arg8 : memref<4x2048xf32, #tpu.memory_space<vmem>>)
      %parallel_loop3A_239 = arith.constant 0 : i32
      %parallel_loop3A_240 = arith.constant 2048 : i32
      %parallel_loop3A_241 = arith.constant 16 : i32
      scf.for %parallel_loop3A_440 = %parallel_loop3A_239 to %parallel_loop3A_240 step %parallel_loop3A_241  : i32 {
        %parallel_loop3A_441 = arith.constant 0 : i32
        %parallel_loop3A_442 = arith.index_cast %parallel_loop3A_441 : i32 to index
        %parallel_loop3A_443 = arith.index_cast %parallel_loop3A_440 : i32 to index
        %parallel_loop3A_444 = tpu.vector_load %arg13[%parallel_loop3A_442, %parallel_loop3A_443] {strides = array<i32>} : memref<4x2048xf32, #tpu.memory_space<vmem>>, vector<1x16xf32>,
        %parallel_loop3A_445 = vector.shape_cast %parallel_loop3A_444 : vector<1x16xf32> to vector<16xf32>
        %parallel_loop3A_446 = arith.constant 0 : i32
        %parallel_loop3A_447 = arith.index_cast %parallel_loop3A_446 : i32 to index
        %parallel_loop3A_448 = arith.index_cast %parallel_loop3A_440 : i32 to index
        %parallel_loop3A_449 = tpu.vector_load %arg8[%parallel_loop3A_447, %parallel_loop3A_448] {strides = array<i32>} : memref<4x2048xf32, #tpu.memory_space<vmem>>, vector<1x16xf32>,
        %parallel_loop3A_450 = vector.shape_cast %parallel_loop3A_449 : vector<1x16xf32> to vector<16xf32>
        %parallel_loop3A_451 = vector.shape_cast %parallel_loop3A_445 : vector<16xf32> to vector<1x16xf32>
        tpu.vector_store %arg8[%parallel_loop3A_447, %parallel_loop3A_448], %parallel_loop3A_451 {add = true, strides = array<i32>} : memref<4x2048xf32, #tpu.memory_space<vmem>>, vector<1x16xf32>,
      } {sc.loop_unroll_factor = 8 : i64, sc.parallel_access}
      %parallel_loop3A_242 = arith.constant 0 : i32
      %parallel_loop3A_243 = arith.constant 2048 : i32
      %parallel_loop3A_244 = arith.constant 16 : i32
      scf.for %parallel_loop3A_440 = %parallel_loop3A_242 to %parallel_loop3A_243 step %parallel_loop3A_244  : i32 {
        %parallel_loop3A_441 = arith.constant 1 : i32
        %parallel_loop3A_442 = arith.index_cast %parallel_loop3A_441 : i32 to index
        %parallel_loop3A_443 = arith.index_cast %parallel_loop3A_440 : i32 to index
        %parallel_loop3A_444 = tpu.vector_load %arg13[%parallel_loop3A_442, %parallel_loop3A_443] {strides = array<i32>} : memref<4x2048xf32, #tpu.memory_space<vmem>>, vector<1x16xf32>,
        %parallel_loop3A_445 = vector.shape_cast %parallel_loop3A_444 : vector<1x16xf32> to vector<16xf32>
        %parallel_loop3A_446 = arith.constant 1 : i32
        %parallel_loop3A_447 = arith.index_cast %parallel_loop3A_446 : i32 to index
        %parallel_loop3A_448 = arith.index_cast %parallel_loop3A_440 : i32 to index
        %parallel_loop3A_449 = tpu.vector_load %arg8[%parallel_loop3A_447, %parallel_loop3A_448] {strides = array<i32>} : memref<4x2048xf32, #tpu.memory_space<vmem>>, vector<1x16xf32>,
        %parallel_loop3A_450 = vector.shape_cast %parallel_loop3A_449 : vector<1x16xf32> to vector<16xf32>
        %parallel_loop3A_451 = vector.shape_cast %parallel_loop3A_445 : vector<16xf32> to vector<1x16xf32>
        tpu.vector_store %arg8[%parallel_loop3A_447, %parallel_loop3A_448], %parallel_loop3A_451 {add = true, strides = array<i32>} : memref<4x2048xf32, #tpu.memory_space<vmem>>, vector<1x16xf32>,
      } {sc.loop_unroll_factor = 8 : i64, sc.parallel_access}
      %parallel_loop3A_245 = arith.constant 0 : i32
      %parallel_loop3A_246 = arith.constant 2048 : i32
      %parallel_loop3A_247 = arith.constant 16 : i32
      scf.for %parallel_loop3A_440 = %parallel_loop3A_245 to %parallel_loop3A_246 step %parallel_loop3A_247  : i32 {
        %parallel_loop3A_441 = arith.constant 2 : i32
        %parallel_loop3A_442 = arith.index_cast %parallel_loop3A_441 : i32 to index
        %parallel_loop3A_443 = arith.index_cast %parallel_loop3A_440 : i32 to index
        %parallel_loop3A_444 = tpu.vector_load %arg13[%parallel_loop3A_442, %parallel_loop3A_443] {strides = array<i32>} : memref<4x2048xf32, #tpu.memory_space<vmem>>, vector<1x16xf32>,
        %parallel_loop3A_445 = vector.shape_cast %parallel_loop3A_444 : vector<1x16xf32> to vector<16xf32>
        %parallel_loop3A_446 = arith.constant 2 : i32
        %parallel_loop3A_447 = arith.index_cast %parallel_loop3A_446 : i32 to index
        %parallel_loop3A_448 = arith.index_cast %parallel_loop3A_440 : i32 to index
        %parallel_loop3A_449 = tpu.vector_load %arg8[%parallel_loop3A_447, %parallel_loop3A_448] {strides = array<i32>} : memref<4x2048xf32, #tpu.memory_space<vmem>>, vector<1x16xf32>,
        %parallel_loop3A_450 = vector.shape_cast %parallel_loop3A_449 : vector<1x16xf32> to vector<16xf32>
        %parallel_loop3A_451 = vector.shape_cast %parallel_loop3A_445 : vector<16xf32> to vector<1x16xf32>
        tpu.vector_store %arg8[%parallel_loop3A_447, %parallel_loop3A_448], %parallel_loop3A_451 {add = true, strides = array<i32>} : memref<4x2048xf32, #tpu.memory_space<vmem>>, vector<1x16xf32>,
      } {sc.loop_unroll_factor = 8 : i64, sc.parallel_access}
      %parallel_loop3A_248 = arith.constant 0 : i32
      %parallel_loop3A_249 = arith.constant 2048 : i32
      %parallel_loop3A_250 = arith.constant 16 : i32
      scf.for %parallel_loop3A_440 = %parallel_loop3A_248 to %parallel_loop3A_249 step %parallel_loop3A_250  : i32 {
        %parallel_loop3A_441 = arith.constant 3 : i32
        %parallel_loop3A_442 = arith.index_cast %parallel_loop3A_441 : i32 to index
        %parallel_loop3A_443 = arith.index_cast %parallel_loop3A_440 : i32 to index
        %parallel_loop3A_444 = tpu.vector_load %arg13[%parallel_loop3A_442, %parallel_loop3A_443] {strides = array<i32>} : memref<4x2048xf32, #tpu.memory_space<vmem>>, vector<1x16xf32>,
        %parallel_loop3A_445 = vector.shape_cast %parallel_loop3A_444 : vector<1x16xf32> to vector<16xf32>
        %parallel_loop3A_446 = arith.constant 3 : i32
        %parallel_loop3A_447 = arith.index_cast %parallel_loop3A_446 : i32 to index
        %parallel_loop3A_448 = arith.index_cast %parallel_loop3A_440 : i32 to index
        %parallel_loop3A_449 = tpu.vector_load %arg8[%parallel_loop3A_447, %parallel_loop3A_448] {strides = array<i32>} : memref<4x2048xf32, #tpu.memory_space<vmem>>, vector<1x16xf32>,
        %parallel_loop3A_450 = vector.shape_cast %parallel_loop3A_449 : vector<1x16xf32> to vector<16xf32>
        %parallel_loop3A_451 = vector.shape_cast %parallel_loop3A_445 : vector<16xf32> to vector<1x16xf32>
        tpu.vector_store %arg8[%parallel_loop3A_447, %parallel_loop3A_448], %parallel_loop3A_451 {add = true, strides = array<i32>} : memref<4x2048xf32, #tpu.memory_space<vmem>>, vector<1x16xf32>,
      } {sc.loop_unroll_factor = 8 : i64, sc.parallel_access}
      %add3A_251 = arith.constant 0 : i32
      %add3A_252 = arith.addi %add3A_86, %add3A_251 : i32
      %dma_start3A_253 = arith.constant 3 : i32
      %dma_start3A_254 = arith.constant 0 : i32
      %dma_start3A_255 = tpu.memref_slice %arg4[%dma_start3A_253, %add3A_252, %dma_start3A_254] : memref<4x4096x2048xf32, #tpu.memory_space<hbm>> -> memref<1x4x2048xf32, #tpu.memory_space<hbm>>
      %dma_start3A_256 = tpu.memref_squeeze %dma_start3A_255 : memref<1x4x2048xf32, #tpu.memory_space<hbm>> -> memref<4x2048xf32, #tpu.memory_space<hbm>>
      %dma_start3A_257 = arith.constant 0 : i32
      %dma_start3A_258 = tpu.memref_slice %arg4[%dma_start3A_253, %add3A_252, %dma_start3A_257] : memref<4x4096x2048xf32, #tpu.memory_space<hbm>> -> memref<1x4x2048xf32, #tpu.memory_space<hbm>>
      %dma_start3A_259 = tpu.memref_squeeze %dma_start3A_258 : memref<1x4x2048xf32, #tpu.memory_space<hbm>> -> memref<4x2048xf32, #tpu.memory_space<hbm>>
      tpu.enqueue_dma source(%arg8 : memref<4x2048xf32, #tpu.memory_space<vmem>>) target(%dma_start3A_259 : memref<4x2048xf32, #tpu.memory_space<hbm>>) target_semaphore(%arg26 : memref<!tpu.dma_semaphore, #tpu.memory_space<semaphore_mem>>)
      %dma_wait3A_260 = arith.constant 0 : i32
      %dma_wait3A_261 = arith.constant 0 : i32
      %dma_wait3A_262 = tpu.memref_slice %arg3[%dma_wait3A_260, %dma_wait3A_261] : memref<4096x2048xf32, #tpu.memory_space<hbm>> -> memref<4x2048xf32, #tpu.memory_space<hbm>>
      %dma_wait3A_263 = arith.constant 0 : i32
      %dma_wait3A_264 = arith.constant 0 : i32
      %dma_wait3A_265 = tpu.memref_slice %arg3[%dma_wait3A_263, %dma_wait3A_264] : memref<4096x2048xf32, #tpu.memory_space<hbm>> -> memref<4x2048xf32, #tpu.memory_space<hbm>>
      tpu.wait_dma2 semaphore(%arg32 : memref<!tpu.dma_semaphore, #tpu.memory_space<semaphore_mem>>) src(%dma_wait3A_265 : memref<4x2048xf32, #tpu.memory_space<hbm>>) dst(%arg14 : memref<4x2048xf32, #tpu.memory_space<vmem>>)
      %convert_element_type3A_266 = arith.extui %lt3A_88 : i1 to i32
      %cond3A_267 = arith.constant 0 : i32
      %cond3A_268 = arith.cmpi ne, %convert_element_type3A_266, %cond3A_267 : i32
      scf.if %cond3A_268 {
        %add3A_440 = arith.constant 8 : i32
        %add3A_441 = arith.addi %add3A_86, %add3A_440 : i32
        %dma_start3A_442 = arith.constant 0 : i32
        %dma_start3A_443 = tpu.memref_slice %arg3[%add3A_441, %dma_start3A_442] : memref<4096x2048xf32, #tpu.memory_space<hbm>> -> memref<4x2048xf32, #tpu.memory_space<hbm>>
        %dma_start3A_444 = arith.constant 0 : i32
        %dma_start3A_445 = tpu.memref_slice %arg3[%add3A_441, %dma_start3A_444] : memref<4096x2048xf32, #tpu.memory_space<hbm>> -> memref<4x2048xf32, #tpu.memory_space<hbm>>
        tpu.enqueue_dma source(%dma_start3A_445 : memref<4x2048xf32, #tpu.memory_space<hbm>>) target(%arg13 : memref<4x2048xf32, #tpu.memory_space<vmem>>) target_semaphore(%arg31 : memref<!tpu.dma_semaphore, #tpu.memory_space<semaphore_mem>>)
      } else {
      }
      %dma_wait3A_269 = arith.constant 0 : i32
      %dma_wait3A_270 = arith.constant 0 : i32
      %dma_wait3A_271 = arith.constant 0 : i32
      %dma_wait3A_272 = tpu.memref_slice %arg4[%dma_wait3A_269, %dma_wait3A_270, %dma_wait3A_271] : memref<4x4096x2048xf32, #tpu.memory_space<hbm>> -> memref<1x4x2048xf32, #tpu.memory_space<hbm>>
      %dma_wait3A_273 = tpu.memref_squeeze %dma_wait3A_272 : memref<1x4x2048xf32, #tpu.memory_space<hbm>> -> memref<4x2048xf32, #tpu.memory_space<hbm>>
      %dma_wait3A_274 = arith.constant 0 : i32
      %dma_wait3A_275 = arith.constant 0 : i32
      %dma_wait3A_276 = tpu.memref_slice %arg4[%dma_wait3A_269, %dma_wait3A_274, %dma_wait3A_275] : memref<4x4096x2048xf32, #tpu.memory_space<hbm>> -> memref<1x4x2048xf32, #tpu.memory_space<hbm>>
      %dma_wait3A_277 = tpu.memref_squeeze %dma_wait3A_276 : memref<1x4x2048xf32, #tpu.memory_space<hbm>> -> memref<4x2048xf32, #tpu.memory_space<hbm>>
      tpu.wait_dma2 semaphore(%arg23 : memref<!tpu.dma_semaphore, #tpu.memory_space<semaphore_mem>>) src(%arg5 : memref<4x2048xf32, #tpu.memory_space<vmem>>) dst(%dma_wait3A_277 : memref<4x2048xf32, #tpu.memory_space<hbm>>)
      %convert_element_type3A_278 = arith.extui %lt3A_88 : i1 to i32
      %cond3A_279 = arith.constant 0 : i32
      %cond3A_280 = arith.cmpi ne, %convert_element_type3A_278, %cond3A_279 : i32
      scf.if %cond3A_280 {
        %add3A_440 = arith.constant 8 : i32
        %add3A_441 = arith.addi %add3A_86, %add3A_440 : i32
        %dma_start3A_442 = arith.constant 0 : i32
        %dma_start3A_443 = arith.constant 0 : i32
        %dma_start3A_444 = tpu.memref_slice %arg2[%dma_start3A_442, %add3A_441, %dma_start3A_443] : memref<4x4096x2048xf32, #tpu.memory_space<hbm>> -> memref<1x4x2048xf32, #tpu.memory_space<hbm>>
        %dma_start3A_445 = tpu.memref_squeeze %dma_start3A_444 : memref<1x4x2048xf32, #tpu.memory_space<hbm>> -> memref<4x2048xf32, #tpu.memory_space<hbm>>
        %dma_start3A_446 = arith.constant 0 : i32
        %dma_start3A_447 = tpu.memref_slice %arg2[%dma_start3A_442, %add3A_441, %dma_start3A_446] : memref<4x4096x2048xf32, #tpu.memory_space<hbm>> -> memref<1x4x2048xf32, #tpu.memory_space<hbm>>
        %dma_start3A_448 = tpu.memref_squeeze %dma_start3A_447 : memref<1x4x2048xf32, #tpu.memory_space<hbm>> -> memref<4x2048xf32, #tpu.memory_space<hbm>>
        tpu.enqueue_dma source(%dma_start3A_448 : memref<4x2048xf32, #tpu.memory_space<hbm>>) target(%arg5 : memref<4x2048xf32, #tpu.memory_space<vmem>>) target_semaphore(%arg15 : memref<!tpu.dma_semaphore, #tpu.memory_space<semaphore_mem>>)
      } else {
      }
      %dma_wait3A_281 = arith.constant 0 : i32
      %dma_wait3A_282 = arith.constant 0 : i32
      %dma_wait3A_283 = arith.constant 0 : i32
      %dma_wait3A_284 = tpu.memref_slice %arg2[%dma_wait3A_281, %dma_wait3A_282, %dma_wait3A_283] : memref<4x4096x2048xf32, #tpu.memory_space<hbm>> -> memref<1x4x2048xf32, #tpu.memory_space<hbm>>
      %dma_wait3A_285 = tpu.memref_squeeze %dma_wait3A_284 : memref<1x4x2048xf32, #tpu.memory_space<hbm>> -> memref<4x2048xf32, #tpu.memory_space<hbm>>
      %dma_wait3A_286 = arith.constant 0 : i32
      %dma_wait3A_287 = arith.constant 0 : i32
      %dma_wait3A_288 = tpu.memref_slice %arg2[%dma_wait3A_281, %dma_wait3A_286, %dma_wait3A_287] : memref<4x4096x2048xf32, #tpu.memory_space<hbm>> -> memref<1x4x2048xf32, #tpu.memory_space<hbm>>
      %dma_wait3A_289 = tpu.memref_squeeze %dma_wait3A_288 : memref<1x4x2048xf32, #tpu.memory_space<hbm>> -> memref<4x2048xf32, #tpu.memory_space<hbm>>
      tpu.wait_dma2 semaphore(%arg19 : memref<!tpu.dma_semaphore, #tpu.memory_space<semaphore_mem>>) src(%dma_wait3A_289 : memref<4x2048xf32, #tpu.memory_space<hbm>>) dst(%arg9 : memref<4x2048xf32, #tpu.memory_space<vmem>>)
      %parallel_loop3A_290 = arith.constant 0 : i32
      %parallel_loop3A_291 = arith.constant 2048 : i32
      %parallel_loop3A_292 = arith.constant 16 : i32
      scf.for %parallel_loop3A_440 = %parallel_loop3A_290 to %parallel_loop3A_291 step %parallel_loop3A_292  : i32 {
        %parallel_loop3A_441 = arith.constant 0 : i32
        %parallel_loop3A_442 = arith.index_cast %parallel_loop3A_441 : i32 to index
        %parallel_loop3A_443 = arith.index_cast %parallel_loop3A_440 : i32 to index
        %parallel_loop3A_444 = tpu.vector_load %arg14[%parallel_loop3A_442, %parallel_loop3A_443] {strides = array<i32>} : memref<4x2048xf32, #tpu.memory_space<vmem>>, vector<1x16xf32>,
        %parallel_loop3A_445 = vector.shape_cast %parallel_loop3A_444 : vector<1x16xf32> to vector<16xf32>
        %parallel_loop3A_446 = arith.constant 0 : i32
        %parallel_loop3A_447 = arith.index_cast %parallel_loop3A_446 : i32 to index
        %parallel_loop3A_448 = arith.index_cast %parallel_loop3A_440 : i32 to index
        %parallel_loop3A_449 = tpu.vector_load %arg9[%parallel_loop3A_447, %parallel_loop3A_448] {strides = array<i32>} : memref<4x2048xf32, #tpu.memory_space<vmem>>, vector<1x16xf32>,
        %parallel_loop3A_450 = vector.shape_cast %parallel_loop3A_449 : vector<1x16xf32> to vector<16xf32>
        %parallel_loop3A_451 = vector.shape_cast %parallel_loop3A_445 : vector<16xf32> to vector<1x16xf32>
        tpu.vector_store %arg9[%parallel_loop3A_447, %parallel_loop3A_448], %parallel_loop3A_451 {add = true, strides = array<i32>} : memref<4x2048xf32, #tpu.memory_space<vmem>>, vector<1x16xf32>,
      } {sc.loop_unroll_factor = 8 : i64, sc.parallel_access}
      %parallel_loop3A_293 = arith.constant 0 : i32
      %parallel_loop3A_294 = arith.constant 2048 : i32
      %parallel_loop3A_295 = arith.constant 16 : i32
      scf.for %parallel_loop3A_440 = %parallel_loop3A_293 to %parallel_loop3A_294 step %parallel_loop3A_295  : i32 {
        %parallel_loop3A_441 = arith.constant 1 : i32
        %parallel_loop3A_442 = arith.index_cast %parallel_loop3A_441 : i32 to index
        %parallel_loop3A_443 = arith.index_cast %parallel_loop3A_440 : i32 to index
        %parallel_loop3A_444 = tpu.vector_load %arg14[%parallel_loop3A_442, %parallel_loop3A_443] {strides = array<i32>} : memref<4x2048xf32, #tpu.memory_space<vmem>>, vector<1x16xf32>,
        %parallel_loop3A_445 = vector.shape_cast %parallel_loop3A_444 : vector<1x16xf32> to vector<16xf32>
        %parallel_loop3A_446 = arith.constant 1 : i32
        %parallel_loop3A_447 = arith.index_cast %parallel_loop3A_446 : i32 to index
        %parallel_loop3A_448 = arith.index_cast %parallel_loop3A_440 : i32 to index
        %parallel_loop3A_449 = tpu.vector_load %arg9[%parallel_loop3A_447, %parallel_loop3A_448] {strides = array<i32>} : memref<4x2048xf32, #tpu.memory_space<vmem>>, vector<1x16xf32>,
        %parallel_loop3A_450 = vector.shape_cast %parallel_loop3A_449 : vector<1x16xf32> to vector<16xf32>
        %parallel_loop3A_451 = vector.shape_cast %parallel_loop3A_445 : vector<16xf32> to vector<1x16xf32>
        tpu.vector_store %arg9[%parallel_loop3A_447, %parallel_loop3A_448], %parallel_loop3A_451 {add = true, strides = array<i32>} : memref<4x2048xf32, #tpu.memory_space<vmem>>, vector<1x16xf32>,
      } {sc.loop_unroll_factor = 8 : i64, sc.parallel_access}
      %parallel_loop3A_296 = arith.constant 0 : i32
      %parallel_loop3A_297 = arith.constant 2048 : i32
      %parallel_loop3A_298 = arith.constant 16 : i32
      scf.for %parallel_loop3A_440 = %parallel_loop3A_296 to %parallel_loop3A_297 step %parallel_loop3A_298  : i32 {
        %parallel_loop3A_441 = arith.constant 2 : i32
        %parallel_loop3A_442 = arith.index_cast %parallel_loop3A_441 : i32 to index
        %parallel_loop3A_443 = arith.index_cast %parallel_loop3A_440 : i32 to index
        %parallel_loop3A_444 = tpu.vector_load %arg14[%parallel_loop3A_442, %parallel_loop3A_443] {strides = array<i32>} : memref<4x2048xf32, #tpu.memory_space<vmem>>, vector<1x16xf32>,
        %parallel_loop3A_445 = vector.shape_cast %parallel_loop3A_444 : vector<1x16xf32> to vector<16xf32>
        %parallel_loop3A_446 = arith.constant 2 : i32
        %parallel_loop3A_447 = arith.index_cast %parallel_loop3A_446 : i32 to index
        %parallel_loop3A_448 = arith.index_cast %parallel_loop3A_440 : i32 to index
        %parallel_loop3A_449 = tpu.vector_load %arg9[%parallel_loop3A_447, %parallel_loop3A_448] {strides = array<i32>} : memref<4x2048xf32, #tpu.memory_space<vmem>>, vector<1x16xf32>,
        %parallel_loop3A_450 = vector.shape_cast %parallel_loop3A_449 : vector<1x16xf32> to vector<16xf32>
        %parallel_loop3A_451 = vector.shape_cast %parallel_loop3A_445 : vector<16xf32> to vector<1x16xf32>
        tpu.vector_store %arg9[%parallel_loop3A_447, %parallel_loop3A_448], %parallel_loop3A_451 {add = true, strides = array<i32>} : memref<4x2048xf32, #tpu.memory_space<vmem>>, vector<1x16xf32>,
      } {sc.loop_unroll_factor = 8 : i64, sc.parallel_access}
      %parallel_loop3A_299 = arith.constant 0 : i32
      %parallel_loop3A_300 = arith.constant 2048 : i32
      %parallel_loop3A_301 = arith.constant 16 : i32
      scf.for %parallel_loop3A_440 = %parallel_loop3A_299 to %parallel_loop3A_300 step %parallel_loop3A_301  : i32 {
        %parallel_loop3A_441 = arith.constant 3 : i32
        %parallel_loop3A_442 = arith.index_cast %parallel_loop3A_441 : i32 to index
        %parallel_loop3A_443 = arith.index_cast %parallel_loop3A_440 : i32 to index
        %parallel_loop3A_444 = tpu.vector_load %arg14[%parallel_loop3A_442, %parallel_loop3A_443] {strides = array<i32>} : memref<4x2048xf32, #tpu.memory_space<vmem>>, vector<1x16xf32>,
        %parallel_loop3A_445 = vector.shape_cast %parallel_loop3A_444 : vector<1x16xf32> to vector<16xf32>
        %parallel_loop3A_446 = arith.constant 3 : i32
        %parallel_loop3A_447 = arith.index_cast %parallel_loop3A_446 : i32 to index
        %parallel_loop3A_448 = arith.index_cast %parallel_loop3A_440 : i32 to index
        %parallel_loop3A_449 = tpu.vector_load %arg9[%parallel_loop3A_447, %parallel_loop3A_448] {strides = array<i32>} : memref<4x2048xf32, #tpu.memory_space<vmem>>, vector<1x16xf32>,
        %parallel_loop3A_450 = vector.shape_cast %parallel_loop3A_449 : vector<1x16xf32> to vector<16xf32>
        %parallel_loop3A_451 = vector.shape_cast %parallel_loop3A_445 : vector<16xf32> to vector<1x16xf32>
        tpu.vector_store %arg9[%parallel_loop3A_447, %parallel_loop3A_448], %parallel_loop3A_451 {add = true, strides = array<i32>} : memref<4x2048xf32, #tpu.memory_space<vmem>>, vector<1x16xf32>,
      } {sc.loop_unroll_factor = 8 : i64, sc.parallel_access}
      %add3A_302 = arith.constant 4 : i32
      %add3A_303 = arith.addi %add3A_86, %add3A_302 : i32
      %dma_start3A_304 = arith.constant 0 : i32
      %dma_start3A_305 = arith.constant 0 : i32
      %dma_start3A_306 = tpu.memref_slice %arg4[%dma_start3A_304, %add3A_303, %dma_start3A_305] : memref<4x4096x2048xf32, #tpu.memory_space<hbm>> -> memref<1x4x2048xf32, #tpu.memory_space<hbm>>
      %dma_start3A_307 = tpu.memref_squeeze %dma_start3A_306 : memref<1x4x2048xf32, #tpu.memory_space<hbm>> -> memref<4x2048xf32, #tpu.memory_space<hbm>>
      %dma_start3A_308 = arith.constant 0 : i32
      %dma_start3A_309 = tpu.memref_slice %arg4[%dma_start3A_304, %add3A_303, %dma_start3A_308] : memref<4x4096x2048xf32, #tpu.memory_space<hbm>> -> memref<1x4x2048xf32, #tpu.memory_space<hbm>>
      %dma_start3A_310 = tpu.memref_squeeze %dma_start3A_309 : memref<1x4x2048xf32, #tpu.memory_space<hbm>> -> memref<4x2048xf32, #tpu.memory_space<hbm>>
      tpu.enqueue_dma source(%arg9 : memref<4x2048xf32, #tpu.memory_space<vmem>>) target(%dma_start3A_310 : memref<4x2048xf32, #tpu.memory_space<hbm>>) target_semaphore(%arg27 : memref<!tpu.dma_semaphore, #tpu.memory_space<semaphore_mem>>)
      %dma_wait3A_311 = arith.constant 0 : i32
      %dma_wait3A_312 = arith.constant 0 : i32
      %dma_wait3A_313 = arith.constant 0 : i32
      %dma_wait3A_314 = tpu.memref_slice %arg4[%dma_wait3A_311, %dma_wait3A_312, %dma_wait3A_313] : memref<4x4096x2048xf32, #tpu.memory_space<hbm>> -> memref<1x4x2048xf32, #tpu.memory_space<hbm>>
      %dma_wait3A_315 = tpu.memref_squeeze %dma_wait3A_314 : memref<1x4x2048xf32, #tpu.memory_space<hbm>> -> memref<4x2048xf32, #tpu.memory_space<hbm>>
      %dma_wait3A_316 = arith.constant 0 : i32
      %dma_wait3A_317 = arith.constant 0 : i32
      %dma_wait3A_318 = tpu.memref_slice %arg4[%dma_wait3A_311, %dma_wait3A_316, %dma_wait3A_317] : memref<4x4096x2048xf32, #tpu.memory_space<hbm>> -> memref<1x4x2048xf32, #tpu.memory_space<hbm>>
      %dma_wait3A_319 = tpu.memref_squeeze %dma_wait3A_318 : memref<1x4x2048xf32, #tpu.memory_space<hbm>> -> memref<4x2048xf32, #tpu.memory_space<hbm>>
      tpu.wait_dma2 semaphore(%arg24 : memref<!tpu.dma_semaphore, #tpu.memory_space<semaphore_mem>>) src(%arg6 : memref<4x2048xf32, #tpu.memory_space<vmem>>) dst(%dma_wait3A_319 : memref<4x2048xf32, #tpu.memory_space<hbm>>)
      %convert_element_type3A_320 = arith.extui %lt3A_88 : i1 to i32
      %cond3A_321 = arith.constant 0 : i32
      %cond3A_322 = arith.cmpi ne, %convert_element_type3A_320, %cond3A_321 : i32
      scf.if %cond3A_322 {
        %add3A_440 = arith.constant 8 : i32
        %add3A_441 = arith.addi %add3A_86, %add3A_440 : i32
        %dma_start3A_442 = arith.constant 1 : i32
        %dma_start3A_443 = arith.constant 0 : i32
        %dma_start3A_444 = tpu.memref_slice %arg2[%dma_start3A_442, %add3A_441, %dma_start3A_443] : memref<4x4096x2048xf32, #tpu.memory_space<hbm>> -> memref<1x4x2048xf32, #tpu.memory_space<hbm>>
        %dma_start3A_445 = tpu.memref_squeeze %dma_start3A_444 : memref<1x4x2048xf32, #tpu.memory_space<hbm>> -> memref<4x2048xf32, #tpu.memory_space<hbm>>
        %dma_start3A_446 = arith.constant 0 : i32
        %dma_start3A_447 = tpu.memref_slice %arg2[%dma_start3A_442, %add3A_441, %dma_start3A_446] : memref<4x4096x2048xf32, #tpu.memory_space<hbm>> -> memref<1x4x2048xf32, #tpu.memory_space<hbm>>
        %dma_start3A_448 = tpu.memref_squeeze %dma_start3A_447 : memref<1x4x2048xf32, #tpu.memory_space<hbm>> -> memref<4x2048xf32, #tpu.memory_space<hbm>>
        tpu.enqueue_dma source(%dma_start3A_448 : memref<4x2048xf32, #tpu.memory_space<hbm>>) target(%arg6 : memref<4x2048xf32, #tpu.memory_space<vmem>>) target_semaphore(%arg16 : memref<!tpu.dma_semaphore, #tpu.memory_space<semaphore_mem>>)
      } else {
      }
      %dma_wait3A_323 = arith.constant 0 : i32
      %dma_wait3A_324 = arith.constant 0 : i32
      %dma_wait3A_325 = arith.constant 0 : i32
      %dma_wait3A_326 = tpu.memref_slice %arg2[%dma_wait3A_323, %dma_wait3A_324, %dma_wait3A_325] : memref<4x4096x2048xf32, #tpu.memory_space<hbm>> -> memref<1x4x2048xf32, #tpu.memory_space<hbm>>
      %dma_wait3A_327 = tpu.memref_squeeze %dma_wait3A_326 : memref<1x4x2048xf32, #tpu.memory_space<hbm>> -> memref<4x2048xf32, #tpu.memory_space<hbm>>
      %dma_wait3A_328 = arith.constant 0 : i32
      %dma_wait3A_329 = arith.constant 0 : i32
      %dma_wait3A_330 = tpu.memref_slice %arg2[%dma_wait3A_323, %dma_wait3A_328, %dma_wait3A_329] : memref<4x4096x2048xf32, #tpu.memory_space<hbm>> -> memref<1x4x2048xf32, #tpu.memory_space<hbm>>
      %dma_wait3A_331 = tpu.memref_squeeze %dma_wait3A_330 : memref<1x4x2048xf32, #tpu.memory_space<hbm>> -> memref<4x2048xf32, #tpu.memory_space<hbm>>
      tpu.wait_dma2 semaphore(%arg20 : memref<!tpu.dma_semaphore, #tpu.memory_space<semaphore_mem>>) src(%dma_wait3A_331 : memref<4x2048xf32, #tpu.memory_space<hbm>>) dst(%arg10 : memref<4x2048xf32, #tpu.memory_space<vmem>>)
      %parallel_loop3A_332 = arith.constant 0 : i32
      %parallel_loop3A_333 = arith.constant 2048 : i32
      %parallel_loop3A_334 = arith.constant 16 : i32
      scf.for %parallel_loop3A_440 = %parallel_loop3A_332 to %parallel_loop3A_333 step %parallel_loop3A_334  : i32 {
        %parallel_loop3A_441 = arith.constant 0 : i32
        %parallel_loop3A_442 = arith.index_cast %parallel_loop3A_441 : i32 to index
        %parallel_loop3A_443 = arith.index_cast %parallel_loop3A_440 : i32 to index
        %parallel_loop3A_444 = tpu.vector_load %arg14[%parallel_loop3A_442, %parallel_loop3A_443] {strides = array<i32>} : memref<4x2048xf32, #tpu.memory_space<vmem>>, vector<1x16xf32>,
        %parallel_loop3A_445 = vector.shape_cast %parallel_loop3A_444 : vector<1x16xf32> to vector<16xf32>
        %parallel_loop3A_446 = arith.constant 0 : i32
        %parallel_loop3A_447 = arith.index_cast %parallel_loop3A_446 : i32 to index
        %parallel_loop3A_448 = arith.index_cast %parallel_loop3A_440 : i32 to index
        %parallel_loop3A_449 = tpu.vector_load %arg10[%parallel_loop3A_447, %parallel_loop3A_448] {strides = array<i32>} : memref<4x2048xf32, #tpu.memory_space<vmem>>, vector<1x16xf32>,
        %parallel_loop3A_450 = vector.shape_cast %parallel_loop3A_449 : vector<1x16xf32> to vector<16xf32>
        %parallel_loop3A_451 = vector.shape_cast %parallel_loop3A_445 : vector<16xf32> to vector<1x16xf32>
        tpu.vector_store %arg10[%parallel_loop3A_447, %parallel_loop3A_448], %parallel_loop3A_451 {add = true, strides = array<i32>} : memref<4x2048xf32, #tpu.memory_space<vmem>>, vector<1x16xf32>,
      } {sc.loop_unroll_factor = 8 : i64, sc.parallel_access}
      %parallel_loop3A_335 = arith.constant 0 : i32
      %parallel_loop3A_336 = arith.constant 2048 : i32
      %parallel_loop3A_337 = arith.constant 16 : i32
      scf.for %parallel_loop3A_440 = %parallel_loop3A_335 to %parallel_loop3A_336 step %parallel_loop3A_337  : i32 {
        %parallel_loop3A_441 = arith.constant 1 : i32
        %parallel_loop3A_442 = arith.index_cast %parallel_loop3A_441 : i32 to index
        %parallel_loop3A_443 = arith.index_cast %parallel_loop3A_440 : i32 to index
        %parallel_loop3A_444 = tpu.vector_load %arg14[%parallel_loop3A_442, %parallel_loop3A_443] {strides = array<i32>} : memref<4x2048xf32, #tpu.memory_space<vmem>>, vector<1x16xf32>,
        %parallel_loop3A_445 = vector.shape_cast %parallel_loop3A_444 : vector<1x16xf32> to vector<16xf32>
        %parallel_loop3A_446 = arith.constant 1 : i32
        %parallel_loop3A_447 = arith.index_cast %parallel_loop3A_446 : i32 to index
        %parallel_loop3A_448 = arith.index_cast %parallel_loop3A_440 : i32 to index
        %parallel_loop3A_449 = tpu.vector_load %arg10[%parallel_loop3A_447, %parallel_loop3A_448] {strides = array<i32>} : memref<4x2048xf32, #tpu.memory_space<vmem>>, vector<1x16xf32>,
        %parallel_loop3A_450 = vector.shape_cast %parallel_loop3A_449 : vector<1x16xf32> to vector<16xf32>
        %parallel_loop3A_451 = vector.shape_cast %parallel_loop3A_445 : vector<16xf32> to vector<1x16xf32>
        tpu.vector_store %arg10[%parallel_loop3A_447, %parallel_loop3A_448], %parallel_loop3A_451 {add = true, strides = array<i32>} : memref<4x2048xf32, #tpu.memory_space<vmem>>, vector<1x16xf32>,
      } {sc.loop_unroll_factor = 8 : i64, sc.parallel_access}
      %parallel_loop3A_338 = arith.constant 0 : i32
      %parallel_loop3A_339 = arith.constant 2048 : i32
      %parallel_loop3A_340 = arith.constant 16 : i32
      scf.for %parallel_loop3A_440 = %parallel_loop3A_338 to %parallel_loop3A_339 step %parallel_loop3A_340  : i32 {
        %parallel_loop3A_441 = arith.constant 2 : i32
        %parallel_loop3A_442 = arith.index_cast %parallel_loop3A_441 : i32 to index
        %parallel_loop3A_443 = arith.index_cast %parallel_loop3A_440 : i32 to index
        %parallel_loop3A_444 = tpu.vector_load %arg14[%parallel_loop3A_442, %parallel_loop3A_443] {strides = array<i32>} : memref<4x2048xf32, #tpu.memory_space<vmem>>, vector<1x16xf32>,
        %parallel_loop3A_445 = vector.shape_cast %parallel_loop3A_444 : vector<1x16xf32> to vector<16xf32>
        %parallel_loop3A_446 = arith.constant 2 : i32
        %parallel_loop3A_447 = arith.index_cast %parallel_loop3A_446 : i32 to index
        %parallel_loop3A_448 = arith.index_cast %parallel_loop3A_440 : i32 to index
        %parallel_loop3A_449 = tpu.vector_load %arg10[%parallel_loop3A_447, %parallel_loop3A_448] {strides = array<i32>} : memref<4x2048xf32, #tpu.memory_space<vmem>>, vector<1x16xf32>,
        %parallel_loop3A_450 = vector.shape_cast %parallel_loop3A_449 : vector<1x16xf32> to vector<16xf32>
        %parallel_loop3A_451 = vector.shape_cast %parallel_loop3A_445 : vector<16xf32> to vector<1x16xf32>
        tpu.vector_store %arg10[%parallel_loop3A_447, %parallel_loop3A_448], %parallel_loop3A_451 {add = true, strides = array<i32>} : memref<4x2048xf32, #tpu.memory_space<vmem>>, vector<1x16xf32>,
      } {sc.loop_unroll_factor = 8 : i64, sc.parallel_access}
      %parallel_loop3A_341 = arith.constant 0 : i32
      %parallel_loop3A_342 = arith.constant 2048 : i32
      %parallel_loop3A_343 = arith.constant 16 : i32
      scf.for %parallel_loop3A_440 = %parallel_loop3A_341 to %parallel_loop3A_342 step %parallel_loop3A_343  : i32 {
        %parallel_loop3A_441 = arith.constant 3 : i32
        %parallel_loop3A_442 = arith.index_cast %parallel_loop3A_441 : i32 to index
        %parallel_loop3A_443 = arith.index_cast %parallel_loop3A_440 : i32 to index
        %parallel_loop3A_444 = tpu.vector_load %arg14[%parallel_loop3A_442, %parallel_loop3A_443] {strides = array<i32>} : memref<4x2048xf32, #tpu.memory_space<vmem>>, vector<1x16xf32>,
        %parallel_loop3A_445 = vector.shape_cast %parallel_loop3A_444 : vector<1x16xf32> to vector<16xf32>
        %parallel_loop3A_446 = arith.constant 3 : i32
        %parallel_loop3A_447 = arith.index_cast %parallel_loop3A_446 : i32 to index
        %parallel_loop3A_448 = arith.index_cast %parallel_loop3A_440 : i32 to index
        %parallel_loop3A_449 = tpu.vector_load %arg10[%parallel_loop3A_447, %parallel_loop3A_448] {strides = array<i32>} : memref<4x2048xf32, #tpu.memory_space<vmem>>, vector<1x16xf32>,
        %parallel_loop3A_450 = vector.shape_cast %parallel_loop3A_449 : vector<1x16xf32> to vector<16xf32>
        %parallel_loop3A_451 = vector.shape_cast %parallel_loop3A_445 : vector<16xf32> to vector<1x16xf32>
        tpu.vector_store %arg10[%parallel_loop3A_447, %parallel_loop3A_448], %parallel_loop3A_451 {add = true, strides = array<i32>} : memref<4x2048xf32, #tpu.memory_space<vmem>>, vector<1x16xf32>,
      } {sc.loop_unroll_factor = 8 : i64, sc.parallel_access}
      %add3A_344 = arith.constant 4 : i32
      %add3A_345 = arith.addi %add3A_86, %add3A_344 : i32
      %dma_start3A_346 = arith.constant 1 : i32
      %dma_start3A_347 = arith.constant 0 : i32
      %dma_start3A_348 = tpu.memref_slice %arg4[%dma_start3A_346, %add3A_345, %dma_start3A_347] : memref<4x4096x2048xf32, #tpu.memory_space<hbm>> -> memref<1x4x2048xf32, #tpu.memory_space<hbm>>
      %dma_start3A_349 = tpu.memref_squeeze %dma_start3A_348 : memref<1x4x2048xf32, #tpu.memory_space<hbm>> -> memref<4x2048xf32, #tpu.memory_space<hbm>>
      %dma_start3A_350 = arith.constant 0 : i32
      %dma_start3A_351 = tpu.memref_slice %arg4[%dma_start3A_346, %add3A_345, %dma_start3A_350] : memref<4x4096x2048xf32, #tpu.memory_space<hbm>> -> memref<1x4x2048xf32, #tpu.memory_space<hbm>>
      %dma_start3A_352 = tpu.memref_squeeze %dma_start3A_351 : memref<1x4x2048xf32, #tpu.memory_space<hbm>> -> memref<4x2048xf32, #tpu.memory_space<hbm>>
      tpu.enqueue_dma source(%arg10 : memref<4x2048xf32, #tpu.memory_space<vmem>>) target(%dma_start3A_352 : memref<4x2048xf32, #tpu.memory_space<hbm>>) target_semaphore(%arg28 : memref<!tpu.dma_semaphore, #tpu.memory_space<semaphore_mem>>)
      %dma_wait3A_353 = arith.constant 0 : i32
      %dma_wait3A_354 = arith.constant 0 : i32
      %dma_wait3A_355 = arith.constant 0 : i32
      %dma_wait3A_356 = tpu.memref_slice %arg4[%dma_wait3A_353, %dma_wait3A_354, %dma_wait3A_355] : memref<4x4096x2048xf32, #tpu.memory_space<hbm>> -> memref<1x4x2048xf32, #tpu.memory_space<hbm>>
      %dma_wait3A_357 = tpu.memref_squeeze %dma_wait3A_356 : memref<1x4x2048xf32, #tpu.memory_space<hbm>> -> memref<4x2048xf32, #tpu.memory_space<hbm>>
      %dma_wait3A_358 = arith.constant 0 : i32
      %dma_wait3A_359 = arith.constant 0 : i32
      %dma_wait3A_360 = tpu.memref_slice %arg4[%dma_wait3A_353, %dma_wait3A_358, %dma_wait3A_359] : memref<4x4096x2048xf32, #tpu.memory_space<hbm>> -> memref<1x4x2048xf32, #tpu.memory_space<hbm>>
      %dma_wait3A_361 = tpu.memref_squeeze %dma_wait3A_360 : memref<1x4x2048xf32, #tpu.memory_space<hbm>> -> memref<4x2048xf32, #tpu.memory_space<hbm>>
      tpu.wait_dma2 semaphore(%arg25 : memref<!tpu.dma_semaphore, #tpu.memory_space<semaphore_mem>>) src(%arg7 : memref<4x2048xf32, #tpu.memory_space<vmem>>) dst(%dma_wait3A_361 : memref<4x2048xf32, #tpu.memory_space<hbm>>)
      %convert_element_type3A_362 = arith.extui %lt3A_88 : i1 to i32
      %cond3A_363 = arith.constant 0 : i32
      %cond3A_364 = arith.cmpi ne, %convert_element_type3A_362, %cond3A_363 : i32
      scf.if %cond3A_364 {
        %add3A_440 = arith.constant 8 : i32
        %add3A_441 = arith.addi %add3A_86, %add3A_440 : i32
        %dma_start3A_442 = arith.constant 2 : i32
        %dma_start3A_443 = arith.constant 0 : i32
        %dma_start3A_444 = tpu.memref_slice %arg2[%dma_start3A_442, %add3A_441, %dma_start3A_443] : memref<4x4096x2048xf32, #tpu.memory_space<hbm>> -> memref<1x4x2048xf32, #tpu.memory_space<hbm>>
        %dma_start3A_445 = tpu.memref_squeeze %dma_start3A_444 : memref<1x4x2048xf32, #tpu.memory_space<hbm>> -> memref<4x2048xf32, #tpu.memory_space<hbm>>
        %dma_start3A_446 = arith.constant 0 : i32
        %dma_start3A_447 = tpu.memref_slice %arg2[%dma_start3A_442, %add3A_441, %dma_start3A_446] : memref<4x4096x2048xf32, #tpu.memory_space<hbm>> -> memref<1x4x2048xf32, #tpu.memory_space<hbm>>
        %dma_start3A_448 = tpu.memref_squeeze %dma_start3A_447 : memref<1x4x2048xf32, #tpu.memory_space<hbm>> -> memref<4x2048xf32, #tpu.memory_space<hbm>>
        tpu.enqueue_dma source(%dma_start3A_448 : memref<4x2048xf32, #tpu.memory_space<hbm>>) target(%arg7 : memref<4x2048xf32, #tpu.memory_space<vmem>>) target_semaphore(%arg17 : memref<!tpu.dma_semaphore, #tpu.memory_space<semaphore_mem>>)
      } else {
      }
      %dma_wait3A_365 = arith.constant 0 : i32
      %dma_wait3A_366 = arith.constant 0 : i32
      %dma_wait3A_367 = arith.constant 0 : i32
      %dma_wait3A_368 = tpu.memref_slice %arg2[%dma_wait3A_365, %dma_wait3A_366, %dma_wait3A_367] : memref<4x4096x2048xf32, #tpu.memory_space<hbm>> -> memref<1x4x2048xf32, #tpu.memory_space<hbm>>
      %dma_wait3A_369 = tpu.memref_squeeze %dma_wait3A_368 : memref<1x4x2048xf32, #tpu.memory_space<hbm>> -> memref<4x2048xf32, #tpu.memory_space<hbm>>
      %dma_wait3A_370 = arith.constant 0 : i32
      %dma_wait3A_371 = arith.constant 0 : i32
      %dma_wait3A_372 = tpu.memref_slice %arg2[%dma_wait3A_365, %dma_wait3A_370, %dma_wait3A_371] : memref<4x4096x2048xf32, #tpu.memory_space<hbm>> -> memref<1x4x2048xf32, #tpu.memory_space<hbm>>
      %dma_wait3A_373 = tpu.memref_squeeze %dma_wait3A_372 : memref<1x4x2048xf32, #tpu.memory_space<hbm>> -> memref<4x2048xf32, #tpu.memory_space<hbm>>
      tpu.wait_dma2 semaphore(%arg21 : memref<!tpu.dma_semaphore, #tpu.memory_space<semaphore_mem>>) src(%dma_wait3A_373 : memref<4x2048xf32, #tpu.memory_space<hbm>>) dst(%arg11 : memref<4x2048xf32, #tpu.memory_space<vmem>>)
      %parallel_loop3A_374 = arith.constant 0 : i32
      %parallel_loop3A_375 = arith.constant 2048 : i32
      %parallel_loop3A_376 = arith.constant 16 : i32
      scf.for %parallel_loop3A_440 = %parallel_loop3A_374 to %parallel_loop3A_375 step %parallel_loop3A_376  : i32 {
        %parallel_loop3A_441 = arith.constant 0 : i32
        %parallel_loop3A_442 = arith.index_cast %parallel_loop3A_441 : i32 to index
        %parallel_loop3A_443 = arith.index_cast %parallel_loop3A_440 : i32 to index
        %parallel_loop3A_444 = tpu.vector_load %arg14[%parallel_loop3A_442, %parallel_loop3A_443] {strides = array<i32>} : memref<4x2048xf32, #tpu.memory_space<vmem>>, vector<1x16xf32>,
        %parallel_loop3A_445 = vector.shape_cast %parallel_loop3A_444 : vector<1x16xf32> to vector<16xf32>
        %parallel_loop3A_446 = arith.constant 0 : i32
        %parallel_loop3A_447 = arith.index_cast %parallel_loop3A_446 : i32 to index
        %parallel_loop3A_448 = arith.index_cast %parallel_loop3A_440 : i32 to index
        %parallel_loop3A_449 = tpu.vector_load %arg11[%parallel_loop3A_447, %parallel_loop3A_448] {strides = array<i32>} : memref<4x2048xf32, #tpu.memory_space<vmem>>, vector<1x16xf32>,
        %parallel_loop3A_450 = vector.shape_cast %parallel_loop3A_449 : vector<1x16xf32> to vector<16xf32>
        %parallel_loop3A_451 = vector.shape_cast %parallel_loop3A_445 : vector<16xf32> to vector<1x16xf32>
        tpu.vector_store %arg11[%parallel_loop3A_447, %parallel_loop3A_448], %parallel_loop3A_451 {add = true, strides = array<i32>} : memref<4x2048xf32, #tpu.memory_space<vmem>>, vector<1x16xf32>,
      } {sc.loop_unroll_factor = 8 : i64, sc.parallel_access}
      %parallel_loop3A_377 = arith.constant 0 : i32
      %parallel_loop3A_378 = arith.constant 2048 : i32
      %parallel_loop3A_379 = arith.constant 16 : i32
      scf.for %parallel_loop3A_440 = %parallel_loop3A_377 to %parallel_loop3A_378 step %parallel_loop3A_379  : i32 {
        %parallel_loop3A_441 = arith.constant 1 : i32
        %parallel_loop3A_442 = arith.index_cast %parallel_loop3A_441 : i32 to index
        %parallel_loop3A_443 = arith.index_cast %parallel_loop3A_440 : i32 to index
        %parallel_loop3A_444 = tpu.vector_load %arg14[%parallel_loop3A_442, %parallel_loop3A_443] {strides = array<i32>} : memref<4x2048xf32, #tpu.memory_space<vmem>>, vector<1x16xf32>,
        %parallel_loop3A_445 = vector.shape_cast %parallel_loop3A_444 : vector<1x16xf32> to vector<16xf32>
        %parallel_loop3A_446 = arith.constant 1 : i32
        %parallel_loop3A_447 = arith.index_cast %parallel_loop3A_446 : i32 to index
        %parallel_loop3A_448 = arith.index_cast %parallel_loop3A_440 : i32 to index
        %parallel_loop3A_449 = tpu.vector_load %arg11[%parallel_loop3A_447, %parallel_loop3A_448] {strides = array<i32>} : memref<4x2048xf32, #tpu.memory_space<vmem>>, vector<1x16xf32>,
        %parallel_loop3A_450 = vector.shape_cast %parallel_loop3A_449 : vector<1x16xf32> to vector<16xf32>
        %parallel_loop3A_451 = vector.shape_cast %parallel_loop3A_445 : vector<16xf32> to vector<1x16xf32>
        tpu.vector_store %arg11[%parallel_loop3A_447, %parallel_loop3A_448], %parallel_loop3A_451 {add = true, strides = array<i32>} : memref<4x2048xf32, #tpu.memory_space<vmem>>, vector<1x16xf32>,
      } {sc.loop_unroll_factor = 8 : i64, sc.parallel_access}
      %parallel_loop3A_380 = arith.constant 0 : i32
      %parallel_loop3A_381 = arith.constant 2048 : i32
      %parallel_loop3A_382 = arith.constant 16 : i32
      scf.for %parallel_loop3A_440 = %parallel_loop3A_380 to %parallel_loop3A_381 step %parallel_loop3A_382  : i32 {
        %parallel_loop3A_441 = arith.constant 2 : i32
        %parallel_loop3A_442 = arith.index_cast %parallel_loop3A_441 : i32 to index
        %parallel_loop3A_443 = arith.index_cast %parallel_loop3A_440 : i32 to index
        %parallel_loop3A_444 = tpu.vector_load %arg14[%parallel_loop3A_442, %parallel_loop3A_443] {strides = array<i32>} : memref<4x2048xf32, #tpu.memory_space<vmem>>, vector<1x16xf32>,
        %parallel_loop3A_445 = vector.shape_cast %parallel_loop3A_444 : vector<1x16xf32> to vector<16xf32>
        %parallel_loop3A_446 = arith.constant 2 : i32
        %parallel_loop3A_447 = arith.index_cast %parallel_loop3A_446 : i32 to index
        %parallel_loop3A_448 = arith.index_cast %parallel_loop3A_440 : i32 to index
        %parallel_loop3A_449 = tpu.vector_load %arg11[%parallel_loop3A_447, %parallel_loop3A_448] {strides = array<i32>} : memref<4x2048xf32, #tpu.memory_space<vmem>>, vector<1x16xf32>,
        %parallel_loop3A_450 = vector.shape_cast %parallel_loop3A_449 : vector<1x16xf32> to vector<16xf32>
        %parallel_loop3A_451 = vector.shape_cast %parallel_loop3A_445 : vector<16xf32> to vector<1x16xf32>
        tpu.vector_store %arg11[%parallel_loop3A_447, %parallel_loop3A_448], %parallel_loop3A_451 {add = true, strides = array<i32>} : memref<4x2048xf32, #tpu.memory_space<vmem>>, vector<1x16xf32>,
      } {sc.loop_unroll_factor = 8 : i64, sc.parallel_access}
      %parallel_loop3A_383 = arith.constant 0 : i32
      %parallel_loop3A_384 = arith.constant 2048 : i32
      %parallel_loop3A_385 = arith.constant 16 : i32
      scf.for %parallel_loop3A_440 = %parallel_loop3A_383 to %parallel_loop3A_384 step %parallel_loop3A_385  : i32 {
        %parallel_loop3A_441 = arith.constant 3 : i32
        %parallel_loop3A_442 = arith.index_cast %parallel_loop3A_441 : i32 to index
        %parallel_loop3A_443 = arith.index_cast %parallel_loop3A_440 : i32 to index
        %parallel_loop3A_444 = tpu.vector_load %arg14[%parallel_loop3A_442, %parallel_loop3A_443] {strides = array<i32>} : memref<4x2048xf32, #tpu.memory_space<vmem>>, vector<1x16xf32>,
        %parallel_loop3A_445 = vector.shape_cast %parallel_loop3A_444 : vector<1x16xf32> to vector<16xf32>
        %parallel_loop3A_446 = arith.constant 3 : i32
        %parallel_loop3A_447 = arith.index_cast %parallel_loop3A_446 : i32 to index
        %parallel_loop3A_448 = arith.index_cast %parallel_loop3A_440 : i32 to index
        %parallel_loop3A_449 = tpu.vector_load %arg11[%parallel_loop3A_447, %parallel_loop3A_448] {strides = array<i32>} : memref<4x2048xf32, #tpu.memory_space<vmem>>, vector<1x16xf32>,
        %parallel_loop3A_450 = vector.shape_cast %parallel_loop3A_449 : vector<1x16xf32> to vector<16xf32>
        %parallel_loop3A_451 = vector.shape_cast %parallel_loop3A_445 : vector<16xf32> to vector<1x16xf32>
        tpu.vector_store %arg11[%parallel_loop3A_447, %parallel_loop3A_448], %parallel_loop3A_451 {add = true, strides = array<i32>} : memref<4x2048xf32, #tpu.memory_space<vmem>>, vector<1x16xf32>,
      } {sc.loop_unroll_factor = 8 : i64, sc.parallel_access}
      %add3A_386 = arith.constant 4 : i32
      %add3A_387 = arith.addi %add3A_86, %add3A_386 : i32
      %dma_start3A_388 = arith.constant 2 : i32
      %dma_start3A_389 = arith.constant 0 : i32
      %dma_start3A_390 = tpu.memref_slice %arg4[%dma_start3A_388, %add3A_387, %dma_start3A_389] : memref<4x4096x2048xf32, #tpu.memory_space<hbm>> -> memref<1x4x2048xf32, #tpu.memory_space<hbm>>
      %dma_start3A_391 = tpu.memref_squeeze %dma_start3A_390 : memref<1x4x2048xf32, #tpu.memory_space<hbm>> -> memref<4x2048xf32, #tpu.memory_space<hbm>>
      %dma_start3A_392 = arith.constant 0 : i32
      %dma_start3A_393 = tpu.memref_slice %arg4[%dma_start3A_388, %add3A_387, %dma_start3A_392] : memref<4x4096x2048xf32, #tpu.memory_space<hbm>> -> memref<1x4x2048xf32, #tpu.memory_space<hbm>>
      %dma_start3A_394 = tpu.memref_squeeze %dma_start3A_393 : memref<1x4x2048xf32, #tpu.memory_space<hbm>> -> memref<4x2048xf32, #tpu.memory_space<hbm>>
      tpu.enqueue_dma source(%arg11 : memref<4x2048xf32, #tpu.memory_space<vmem>>) target(%dma_start3A_394 : memref<4x2048xf32, #tpu.memory_space<hbm>>) target_semaphore(%arg29 : memref<!tpu.dma_semaphore, #tpu.memory_space<semaphore_mem>>)
      %dma_wait3A_395 = arith.constant 0 : i32
      %dma_wait3A_396 = arith.constant 0 : i32
      %dma_wait3A_397 = arith.constant 0 : i32
      %dma_wait3A_398 = tpu.memref_slice %arg4[%dma_wait3A_395, %dma_wait3A_396, %dma_wait3A_397] : memref<4x4096x2048xf32, #tpu.memory_space<hbm>> -> memref<1x4x2048xf32, #tpu.memory_space<hbm>>
      %dma_wait3A_399 = tpu.memref_squeeze %dma_wait3A_398 : memref<1x4x2048xf32, #tpu.memory_space<hbm>> -> memref<4x2048xf32, #tpu.memory_space<hbm>>
      %dma_wait3A_400 = arith.constant 0 : i32
      %dma_wait3A_401 = arith.constant 0 : i32
      %dma_wait3A_402 = tpu.memref_slice %arg4[%dma_wait3A_395, %dma_wait3A_400, %dma_wait3A_401] : memref<4x4096x2048xf32, #tpu.memory_space<hbm>> -> memref<1x4x2048xf32, #tpu.memory_space<hbm>>
      %dma_wait3A_403 = tpu.memref_squeeze %dma_wait3A_402 : memref<1x4x2048xf32, #tpu.memory_space<hbm>> -> memref<4x2048xf32, #tpu.memory_space<hbm>>
      tpu.wait_dma2 semaphore(%arg26 : memref<!tpu.dma_semaphore, #tpu.memory_space<semaphore_mem>>) src(%arg8 : memref<4x2048xf32, #tpu.memory_space<vmem>>) dst(%dma_wait3A_403 : memref<4x2048xf32, #tpu.memory_space<hbm>>)
      %convert_element_type3A_404 = arith.extui %lt3A_88 : i1 to i32
      %cond3A_405 = arith.constant 0 : i32
      %cond3A_406 = arith.cmpi ne, %convert_element_type3A_404, %cond3A_405 : i32
      scf.if %cond3A_406 {
        %add3A_440 = arith.constant 8 : i32
        %add3A_441 = arith.addi %add3A_86, %add3A_440 : i32
        %dma_start3A_442 = arith.constant 3 : i32
        %dma_start3A_443 = arith.constant 0 : i32
        %dma_start3A_444 = tpu.memref_slice %arg2[%dma_start3A_442, %add3A_441, %dma_start3A_443] : memref<4x4096x2048xf32, #tpu.memory_space<hbm>> -> memref<1x4x2048xf32, #tpu.memory_space<hbm>>
        %dma_start3A_445 = tpu.memref_squeeze %dma_start3A_444 : memref<1x4x2048xf32, #tpu.memory_space<hbm>> -> memref<4x2048xf32, #tpu.memory_space<hbm>>
        %dma_start3A_446 = arith.constant 0 : i32
        %dma_start3A_447 = tpu.memref_slice %arg2[%dma_start3A_442, %add3A_441, %dma_start3A_446] : memref<4x4096x2048xf32, #tpu.memory_space<hbm>> -> memref<1x4x2048xf32, #tpu.memory_space<hbm>>
        %dma_start3A_448 = tpu.memref_squeeze %dma_start3A_447 : memref<1x4x2048xf32, #tpu.memory_space<hbm>> -> memref<4x2048xf32, #tpu.memory_space<hbm>>
        tpu.enqueue_dma source(%dma_start3A_448 : memref<4x2048xf32, #tpu.memory_space<hbm>>) target(%arg8 : memref<4x2048xf32, #tpu.memory_space<vmem>>) target_semaphore(%arg18 : memref<!tpu.dma_semaphore, #tpu.memory_space<semaphore_mem>>)
      } else {
      }
      %dma_wait3A_407 = arith.constant 0 : i32
      %dma_wait3A_408 = arith.constant 0 : i32
      %dma_wait3A_409 = arith.constant 0 : i32
      %dma_wait3A_410 = tpu.memref_slice %arg2[%dma_wait3A_407, %dma_wait3A_408, %dma_wait3A_409] : memref<4x4096x2048xf32, #tpu.memory_space<hbm>> -> memref<1x4x2048xf32, #tpu.memory_space<hbm>>
      %dma_wait3A_411 = tpu.memref_squeeze %dma_wait3A_410 : memref<1x4x2048xf32, #tpu.memory_space<hbm>> -> memref<4x2048xf32, #tpu.memory_space<hbm>>
      %dma_wait3A_412 = arith.constant 0 : i32
      %dma_wait3A_413 = arith.constant 0 : i32
      %dma_wait3A_414 = tpu.memref_slice %arg2[%dma_wait3A_407, %dma_wait3A_412, %dma_wait3A_413] : memref<4x4096x2048xf32, #tpu.memory_space<hbm>> -> memref<1x4x2048xf32, #tpu.memory_space<hbm>>
      %dma_wait3A_415 = tpu.memref_squeeze %dma_wait3A_414 : memref<1x4x2048xf32, #tpu.memory_space<hbm>> -> memref<4x2048xf32, #tpu.memory_space<hbm>>
      tpu.wait_dma2 semaphore(%arg22 : memref<!tpu.dma_semaphore, #tpu.memory_space<semaphore_mem>>) src(%dma_wait3A_415 : memref<4x2048xf32, #tpu.memory_space<hbm>>) dst(%arg12 : memref<4x2048xf32, #tpu.memory_space<vmem>>)
      %parallel_loop3A_416 = arith.constant 0 : i32
      %parallel_loop3A_417 = arith.constant 2048 : i32
      %parallel_loop3A_418 = arith.constant 16 : i32
      scf.for %parallel_loop3A_440 = %parallel_loop3A_416 to %parallel_loop3A_417 step %parallel_loop3A_418  : i32 {
        %parallel_loop3A_441 = arith.constant 0 : i32
        %parallel_loop3A_442 = arith.index_cast %parallel_loop3A_441 : i32 to index
        %parallel_loop3A_443 = arith.index_cast %parallel_loop3A_440 : i32 to index
        %parallel_loop3A_444 = tpu.vector_load %arg14[%parallel_loop3A_442, %parallel_loop3A_443] {strides = array<i32>} : memref<4x2048xf32, #tpu.memory_space<vmem>>, vector<1x16xf32>,
        %parallel_loop3A_445 = vector.shape_cast %parallel_loop3A_444 : vector<1x16xf32> to vector<16xf32>
        %parallel_loop3A_446 = arith.constant 0 : i32
        %parallel_loop3A_447 = arith.index_cast %parallel_loop3A_446 : i32 to index
        %parallel_loop3A_448 = arith.index_cast %parallel_loop3A_440 : i32 to index
        %parallel_loop3A_449 = tpu.vector_load %arg12[%parallel_loop3A_447, %parallel_loop3A_448] {strides = array<i32>} : memref<4x2048xf32, #tpu.memory_space<vmem>>, vector<1x16xf32>,
        %parallel_loop3A_450 = vector.shape_cast %parallel_loop3A_449 : vector<1x16xf32> to vector<16xf32>
        %parallel_loop3A_451 = vector.shape_cast %parallel_loop3A_445 : vector<16xf32> to vector<1x16xf32>
        tpu.vector_store %arg12[%parallel_loop3A_447, %parallel_loop3A_448], %parallel_loop3A_451 {add = true, strides = array<i32>} : memref<4x2048xf32, #tpu.memory_space<vmem>>, vector<1x16xf32>,
      } {sc.loop_unroll_factor = 8 : i64, sc.parallel_access}
      %parallel_loop3A_419 = arith.constant 0 : i32
      %parallel_loop3A_420 = arith.constant 2048 : i32
      %parallel_loop3A_421 = arith.constant 16 : i32
      scf.for %parallel_loop3A_440 = %parallel_loop3A_419 to %parallel_loop3A_420 step %parallel_loop3A_421  : i32 {
        %parallel_loop3A_441 = arith.constant 1 : i32
        %parallel_loop3A_442 = arith.index_cast %parallel_loop3A_441 : i32 to index
        %parallel_loop3A_443 = arith.index_cast %parallel_loop3A_440 : i32 to index
        %parallel_loop3A_444 = tpu.vector_load %arg14[%parallel_loop3A_442, %parallel_loop3A_443] {strides = array<i32>} : memref<4x2048xf32, #tpu.memory_space<vmem>>, vector<1x16xf32>,
        %parallel_loop3A_445 = vector.shape_cast %parallel_loop3A_444 : vector<1x16xf32> to vector<16xf32>
        %parallel_loop3A_446 = arith.constant 1 : i32
        %parallel_loop3A_447 = arith.index_cast %parallel_loop3A_446 : i32 to index
        %parallel_loop3A_448 = arith.index_cast %parallel_loop3A_440 : i32 to index
        %parallel_loop3A_449 = tpu.vector_load %arg12[%parallel_loop3A_447, %parallel_loop3A_448] {strides = array<i32>} : memref<4x2048xf32, #tpu.memory_space<vmem>>, vector<1x16xf32>,
        %parallel_loop3A_450 = vector.shape_cast %parallel_loop3A_449 : vector<1x16xf32> to vector<16xf32>
        %parallel_loop3A_451 = vector.shape_cast %parallel_loop3A_445 : vector<16xf32> to vector<1x16xf32>
        tpu.vector_store %arg12[%parallel_loop3A_447, %parallel_loop3A_448], %parallel_loop3A_451 {add = true, strides = array<i32>} : memref<4x2048xf32, #tpu.memory_space<vmem>>, vector<1x16xf32>,
      } {sc.loop_unroll_factor = 8 : i64, sc.parallel_access}
      %parallel_loop3A_422 = arith.constant 0 : i32
      %parallel_loop3A_423 = arith.constant 2048 : i32
      %parallel_loop3A_424 = arith.constant 16 : i32
      scf.for %parallel_loop3A_440 = %parallel_loop3A_422 to %parallel_loop3A_423 step %parallel_loop3A_424  : i32 {
        %parallel_loop3A_441 = arith.constant 2 : i32
        %parallel_loop3A_442 = arith.index_cast %parallel_loop3A_441 : i32 to index
        %parallel_loop3A_443 = arith.index_cast %parallel_loop3A_440 : i32 to index
        %parallel_loop3A_444 = tpu.vector_load %arg14[%parallel_loop3A_442, %parallel_loop3A_443] {strides = array<i32>} : memref<4x2048xf32, #tpu.memory_space<vmem>>, vector<1x16xf32>,
        %parallel_loop3A_445 = vector.shape_cast %parallel_loop3A_444 : vector<1x16xf32> to vector<16xf32>
        %parallel_loop3A_446 = arith.constant 2 : i32
        %parallel_loop3A_447 = arith.index_cast %parallel_loop3A_446 : i32 to index
        %parallel_loop3A_448 = arith.index_cast %parallel_loop3A_440 : i32 to index
        %parallel_loop3A_449 = tpu.vector_load %arg12[%parallel_loop3A_447, %parallel_loop3A_448] {strides = array<i32>} : memref<4x2048xf32, #tpu.memory_space<vmem>>, vector<1x16xf32>,
        %parallel_loop3A_450 = vector.shape_cast %parallel_loop3A_449 : vector<1x16xf32> to vector<16xf32>
        %parallel_loop3A_451 = vector.shape_cast %parallel_loop3A_445 : vector<16xf32> to vector<1x16xf32>
        tpu.vector_store %arg12[%parallel_loop3A_447, %parallel_loop3A_448], %parallel_loop3A_451 {add = true, strides = array<i32>} : memref<4x2048xf32, #tpu.memory_space<vmem>>, vector<1x16xf32>,
      } {sc.loop_unroll_factor = 8 : i64, sc.parallel_access}
      %parallel_loop3A_425 = arith.constant 0 : i32
      %parallel_loop3A_426 = arith.constant 2048 : i32
      %parallel_loop3A_427 = arith.constant 16 : i32
      scf.for %parallel_loop3A_440 = %parallel_loop3A_425 to %parallel_loop3A_426 step %parallel_loop3A_427  : i32 {
        %parallel_loop3A_441 = arith.constant 3 : i32
        %parallel_loop3A_442 = arith.index_cast %parallel_loop3A_441 : i32 to index
        %parallel_loop3A_443 = arith.index_cast %parallel_loop3A_440 : i32 to index
        %parallel_loop3A_444 = tpu.vector_load %arg14[%parallel_loop3A_442, %parallel_loop3A_443] {strides = array<i32>} : memref<4x2048xf32, #tpu.memory_space<vmem>>, vector<1x16xf32>,
        %parallel_loop3A_445 = vector.shape_cast %parallel_loop3A_444 : vector<1x16xf32> to vector<16xf32>
        %parallel_loop3A_446 = arith.constant 3 : i32
        %parallel_loop3A_447 = arith.index_cast %parallel_loop3A_446 : i32 to index
        %parallel_loop3A_448 = arith.index_cast %parallel_loop3A_440 : i32 to index
        %parallel_loop3A_449 = tpu.vector_load %arg12[%parallel_loop3A_447, %parallel_loop3A_448] {strides = array<i32>} : memref<4x2048xf32, #tpu.memory_space<vmem>>, vector<1x16xf32>,
        %parallel_loop3A_450 = vector.shape_cast %parallel_loop3A_449 : vector<1x16xf32> to vector<16xf32>
        %parallel_loop3A_451 = vector.shape_cast %parallel_loop3A_445 : vector<16xf32> to vector<1x16xf32>
        tpu.vector_store %arg12[%parallel_loop3A_447, %parallel_loop3A_448], %parallel_loop3A_451 {add = true, strides = array<i32>} : memref<4x2048xf32, #tpu.memory_space<vmem>>, vector<1x16xf32>,
      } {sc.loop_unroll_factor = 8 : i64, sc.parallel_access}
      %add3A_428 = arith.constant 4 : i32
      %add3A_429 = arith.addi %add3A_86, %add3A_428 : i32
      %dma_start3A_430 = arith.constant 3 : i32
      %dma_start3A_431 = arith.constant 0 : i32
      %dma_start3A_432 = tpu.memref_slice %arg4[%dma_start3A_430, %add3A_429, %dma_start3A_431] : memref<4x4096x2048xf32, #tpu.memory_space<hbm>> -> memref<1x4x2048xf32, #tpu.memory_space<hbm>>
      %dma_start3A_433 = tpu.memref_squeeze %dma_start3A_432 : memref<1x4x2048xf32, #tpu.memory_space<hbm>> -> memref<4x2048xf32, #tpu.memory_space<hbm>>
      %dma_start3A_434 = arith.constant 0 : i32
      %dma_start3A_435 = tpu.memref_slice %arg4[%dma_start3A_430, %add3A_429, %dma_start3A_434] : memref<4x4096x2048xf32, #tpu.memory_space<hbm>> -> memref<1x4x2048xf32, #tpu.memory_space<hbm>>
      %dma_start3A_436 = tpu.memref_squeeze %dma_start3A_435 : memref<1x4x2048xf32, #tpu.memory_space<hbm>> -> memref<4x2048xf32, #tpu.memory_space<hbm>>
      tpu.enqueue_dma source(%arg12 : memref<4x2048xf32, #tpu.memory_space<vmem>>) target(%dma_start3A_436 : memref<4x2048xf32, #tpu.memory_space<hbm>>) target_semaphore(%arg30 : memref<!tpu.dma_semaphore, #tpu.memory_space<semaphore_mem>>)
      %convert_element_type3A_437 = arith.extui %lt3A_88 : i1 to i32
      %cond3A_438 = arith.constant 0 : i32
      %cond3A_439 = arith.cmpi ne, %convert_element_type3A_437, %cond3A_438 : i32
      scf.if %cond3A_439 {
        %add3A_440 = arith.constant 12 : i32
        %add3A_441 = arith.addi %add3A_86, %add3A_440 : i32
        %dma_start3A_442 = arith.constant 0 : i32
        %dma_start3A_443 = tpu.memref_slice %arg3[%add3A_441, %dma_start3A_442] : memref<4096x2048xf32, #tpu.memory_space<hbm>> -> memref<4x2048xf32, #tpu.memory_space<hbm>>
        %dma_start3A_444 = arith.constant 0 : i32
        %dma_start3A_445 = tpu.memref_slice %arg3[%add3A_441, %dma_start3A_444] : memref<4096x2048xf32, #tpu.memory_space<hbm>> -> memref<4x2048xf32, #tpu.memory_space<hbm>>
        tpu.enqueue_dma source(%dma_start3A_445 : memref<4x2048xf32, #tpu.memory_space<hbm>>) target(%arg14 : memref<4x2048xf32, #tpu.memory_space<vmem>>) target_semaphore(%arg32 : memref<!tpu.dma_semaphore, #tpu.memory_space<semaphore_mem>>)
      } else {
      }
    }
    %scan3A_43 = arith.constant 16 : i32
    %dma_wait3A = arith.constant 0 : i32
    %dma_wait3A_44 = arith.constant 0 : i32
    %dma_wait3A_45 = arith.constant 0 : i32
    %dma_wait3A_46 = tpu.memref_slice %arg4[%dma_wait3A, %dma_wait3A_44, %dma_wait3A_45] : memref<4x4096x2048xf32, #tpu.memory_space<hbm>> -> memref<1x4x2048xf32, #tpu.memory_space<hbm>>
    %dma_wait3A_47 = tpu.memref_squeeze %dma_wait3A_46 : memref<1x4x2048xf32, #tpu.memory_space<hbm>> -> memref<4x2048xf32, #tpu.memory_space<hbm>>
    %dma_wait3A_48 = arith.constant 0 : i32
    %dma_wait3A_49 = arith.constant 0 : i32
    %dma_wait3A_50 = tpu.memref_slice %arg4[%dma_wait3A, %dma_wait3A_48, %dma_wait3A_49] : memref<4x4096x2048xf32, #tpu.memory_space<hbm>> -> memref<1x4x2048xf32, #tpu.memory_space<hbm>>
    %dma_wait3A_51 = tpu.memref_squeeze %dma_wait3A_50 : memref<1x4x2048xf32, #tpu.memory_space<hbm>> -> memref<4x2048xf32, #tpu.memory_space<hbm>>
    tpu.wait_dma2 semaphore(%arg27 : memref<!tpu.dma_semaphore, #tpu.memory_space<semaphore_mem>>) src(%arg9 : memref<4x2048xf32, #tpu.memory_space<vmem>>) dst(%dma_wait3A_51 : memref<4x2048xf32, #tpu.memory_space<hbm>>)
    %dma_wait3A_52 = arith.constant 0 : i32
    %dma_wait3A_53 = arith.constant 0 : i32
    %dma_wait3A_54 = arith.constant 0 : i32
    %dma_wait3A_55 = tpu.memref_slice %arg4[%dma_wait3A_52, %dma_wait3A_53, %dma_wait3A_54] : memref<4x4096x2048xf32, #tpu.memory_space<hbm>> -> memref<1x4x2048xf32, #tpu.memory_space<hbm>>
    %dma_wait3A_56 = tpu.memref_squeeze %dma_wait3A_55 : memref<1x4x2048xf32, #tpu.memory_space<hbm>> -> memref<4x2048xf32, #tpu.memory_space<hbm>>
    %dma_wait3A_57 = arith.constant 0 : i32
    %dma_wait3A_58 = arith.constant 0 : i32
    %dma_wait3A_59 = tpu.memref_slice %arg4[%dma_wait3A_52, %dma_wait3A_57, %dma_wait3A_58] : memref<4x4096x2048xf32, #tpu.memory_space<hbm>> -> memref<1x4x2048xf32, #tpu.memory_space<hbm>>
    %dma_wait3A_60 = tpu.memref_squeeze %dma_wait3A_59 : memref<1x4x2048xf32, #tpu.memory_space<hbm>> -> memref<4x2048xf32, #tpu.memory_space<hbm>>
    tpu.wait_dma2 semaphore(%arg28 : memref<!tpu.dma_semaphore, #tpu.memory_space<semaphore_mem>>) src(%arg10 : memref<4x2048xf32, #tpu.memory_space<vmem>>) dst(%dma_wait3A_60 : memref<4x2048xf32, #tpu.memory_space<hbm>>)
    %dma_wait3A_61 = arith.constant 0 : i32
    %dma_wait3A_62 = arith.constant 0 : i32
    %dma_wait3A_63 = arith.constant 0 : i32
    %dma_wait3A_64 = tpu.memref_slice %arg4[%dma_wait3A_61, %dma_wait3A_62, %dma_wait3A_63] : memref<4x4096x2048xf32, #tpu.memory_space<hbm>> -> memref<1x4x2048xf32, #tpu.memory_space<hbm>>
    %dma_wait3A_65 = tpu.memref_squeeze %dma_wait3A_64 : memref<1x4x2048xf32, #tpu.memory_space<hbm>> -> memref<4x2048xf32, #tpu.memory_space<hbm>>
    %dma_wait3A_66 = arith.constant 0 : i32
    %dma_wait3A_67 = arith.constant 0 : i32
    %dma_wait3A_68 = tpu.memref_slice %arg4[%dma_wait3A_61, %dma_wait3A_66, %dma_wait3A_67] : memref<4x4096x2048xf32, #tpu.memory_space<hbm>> -> memref<1x4x2048xf32, #tpu.memory_space<hbm>>
    %dma_wait3A_69 = tpu.memref_squeeze %dma_wait3A_68 : memref<1x4x2048xf32, #tpu.memory_space<hbm>> -> memref<4x2048xf32, #tpu.memory_space<hbm>>
    tpu.wait_dma2 semaphore(%arg29 : memref<!tpu.dma_semaphore, #tpu.memory_space<semaphore_mem>>) src(%arg11 : memref<4x2048xf32, #tpu.memory_space<vmem>>) dst(%dma_wait3A_69 : memref<4x2048xf32, #tpu.memory_space<hbm>>)
    %dma_wait3A_70 = arith.constant 0 : i32
    %dma_wait3A_71 = arith.constant 0 : i32
    %dma_wait3A_72 = arith.constant 0 : i32
    %dma_wait3A_73 = tpu.memref_slice %arg4[%dma_wait3A_70, %dma_wait3A_71, %dma_wait3A_72] : memref<4x4096x2048xf32, #tpu.memory_space<hbm>> -> memref<1x4x2048xf32, #tpu.memory_space<hbm>>
    %dma_wait3A_74 = tpu.memref_squeeze %dma_wait3A_73 : memref<1x4x2048xf32, #tpu.memory_space<hbm>> -> memref<4x2048xf32, #tpu.memory_space<hbm>>
    %dma_wait3A_75 = arith.constant 0 : i32
    %dma_wait3A_76 = arith.constant 0 : i32
    %dma_wait3A_77 = tpu.memref_slice %arg4[%dma_wait3A_70, %dma_wait3A_75, %dma_wait3A_76] : memref<4x4096x2048xf32, #tpu.memory_space<hbm>> -> memref<1x4x2048xf32, #tpu.memory_space<hbm>>
    %dma_wait3A_78 = tpu.memref_squeeze %dma_wait3A_77 : memref<1x4x2048xf32, #tpu.memory_space<hbm>> -> memref<4x2048xf32, #tpu.memory_space<hbm>>
    tpu.wait_dma2 semaphore(%arg30 : memref<!tpu.dma_semaphore, #tpu.memory_space<semaphore_mem>>) src(%arg12 : memref<4x2048xf32, #tpu.memory_space<vmem>>) dst(%dma_wait3A_78 : memref<4x2048xf32, #tpu.memory_space<hbm>>)
    return
  }
}

</mosaic_0001>

<sc_bundles>
// kernel: kernel.3.cloned.1.call-start
scs
__scs_entry_jumppad:
0x0: {  	(pc) =	sbr.rel $0x88, $3  }
0x1: {  	(tag) =	ssettag $0x0;
	lr =	simm.s32 $0x1  }
0x2: {  	[smem:$0x3F9F] =	sst lr;
	_ =	strace $0xD0000000  }
0x3: {  	_ = 	snop  }
0x4: {  	_ = 	snop  }
0x5: {  	_ = 	snop  }
0x6: {  	_ = 	snop  }
0x7: {  	_ = 	snop  }
__scs_overlays_trampoline_lowered:
0x8: {  	[smem:$0x3FAE] =	sst s0  }
0x9: {  	[smem:$0x3FAF] =	sst s1  }
0xa: {  	[smem:$0x3FB0] =	sst s2  }
0xb: {  	[smem:$0x3FB1] =	sst s3  }
0xc: {  	[smem:$0x3FB2] =	sst s4  }
0xd: {  	[smem:$0x3FB3] =	sst s5  }
0xe: {  	[smem:$0x3FB4] =	sst s6  }
0xf: {  	[smem:$0x3FB5] =	sst s7  }
0x10: {  	[smem:$0x3FB6] =	sst s8  }
0x11: {  	[smem:$0x3FB7] =	sst s9;
	s0 =	simm.s32 @!p0 $0x0  }
0x12: {  	s1 =	sld [smem:$0x3F9D];
	s0 =	simm.s32 @p0 $0x1  }
0x13: {  	[smem:$0x3FB8] =	sst s0;
	s0 =	simm.s32 @!p1 $0x0  }
0x14: {  	s2 =	sld [smem:$0x3F9C];
	s0 =	simm.s32 @p1 $0x1  }
0x15: {  	[smem:$0x3FB9] =	sst s0;
	s0 =	simm.s32 @!p2 $0x0  }
0x16: {  	s3 =	sld [smem:$0x3FDB];
	s0 =	simm.s32 @p2 $0x1  }
0x17: {  	s4 =	simm.s32 $0x1BF5;
	[smem:$0x3FBB] =	sst s0  }
0x18: {  	s0 =	sld [smem:$0x3F9E];
	_ =	swait.ge [sflag:s4], $0x0  }
0x19: {  	s7 =	sld [smem:$0x3F9F]  }
0x1a: {  	s8 =	sadd.s32 $0xFFFFE003, lr  }
0x1b: {  	s9 =	sadd.s32 $0xFFFFFEF7, lr;
	s5 =	simm.s32 $0xFFFFFFFF;
	p2 =	slt.u32 s8, $0xFFFFF086  }
0x1c: {  	p1 =	slt.u32 s9, $0xF7A;
	s5 =	simm.s32 @!p2 $0x0  }
0x1d: {  	s5 =	simm.s32 @p1 $0x1;
	p0 =	seq.s32 s7, s2  }
0x1e: {  	s7 =	smul.u32 @!p0 $0xF7A, s2;
	p2 =	seq.s32 @!p0 s5, $0x0  }
0x1f: {  	s9 =	smul.u32 $0xF7A, s1;
	s8 =	simm.s32 @!p0 $0x1BF5;
	p2 =	por !p2, p0  }
0x20: {  	[sflag:s8] =	ssyncset.s32 @!p0 $0xFFFFF086;
	s6 =	sadd.s32 @!p0 s3, s7;
	s7 =	simm.s32 @!p0 $0x108  }
0x21: {  	s3 =	sadd.s32 s3, s9;
	s6 =	sadd.s32 @!p0 $0x88, s6;
	s7 =	simm.s32 @p2 $0x1082  }
0x22: {  	[simem:s7], [sflag:s8] =	dma.local @!p0 [hbm:s6], $0xF7A  }
0x23: {  	s9 =	sor.u32 $0xD0000000, s2;
	s6 =	simm.s32 $0x108;
	_ =	swait.ge @!p0 [sflag:s8], $0x0  }
0x24: {  	s3 =	sadd.s32 $0x88, s3;
	s6 =	simm.s32 @!p1 $0x1082;
	[sflag:s4] =	ssyncset.s32 $0xFFFFF086  }
0x25: {  	[simem:s6], [sflag:s4] =	dma.local [hbm:s3], $0xF7A  }
0x26: {  	[smem:$0x3F9F] =	sst s1;
	(tag) =	ssettag s2;
	_ =	strace s9  }
0x27: {  	s1 =	sld [smem:$0x3FAF]  }
0x28: {  	s2 =	sld [smem:$0x3FB0]  }
0x29: {  	s4 =	sld [smem:$0x3FB2]  }
0x2a: {  	p0 =	seq.s32 s5, $0x0;
	s5 =	sld [smem:$0x3FB3]  }
0x2b: {  	s6 =	sld [smem:$0x3FB4]  }
0x2c: {  	s7 =	sld [smem:$0x3FB5]  }
0x2d: {  	s3 =	simm.s32 $0x108;
	s8 =	sld [smem:$0x3FB6]  }
0x2e: {  	s3 =	simm.s32 @!p0 $0x1082;
	s9 =	sld [smem:$0x3FB7]  }
0x2f: {  	lr =	sadd.s32 s0, s3;
	s0 =	sld [smem:$0x3FAE]  }
0x30: {  	s3 =	sld [smem:$0x3FB1]  }
0x31: {  	[smem:$0x3FBA] =	sst s10  }
0x32: {  	s10 =	sld [smem:$0x3FB8];
	_ =	sdelay $0x3  }
0x33: {  	p0 =	seq.s32 s10, $0x1;
	s10 =	sld [smem:$0x3FBA];
	_ =	sdelay $0x3  }
0x34: {  	[smem:$0x3FBA] =	sst s10  }
0x35: {  	s10 =	sld [smem:$0x3FB9];
	_ =	sdelay $0x3  }
0x36: {  	p1 =	seq.s32 s10, $0x1;
	s10 =	sld [smem:$0x3FBA];
	_ =	sdelay $0x3  }
0x37: {  	[smem:$0x3FBA] =	sst s10  }
0x38: {  	s10 =	sld [smem:$0x3FBB]  }
0x39: {  	_ = 	snop;
	(pc) =	sbr.ind lr, $3  }
0x3a: {  	_ = 	snop  }
0x3b: {  	_ = 	snop  }
0x3c: {  	p2 =	seq.s32 s10, $0x1;
	s10 =	sld [smem:$0x3FBA]  }
0x3d: {  	_ =	shalt  }
0x3e: {  	_ =	shalt  }
0x3f: {  	_ =	shalt  }
0x40: {  	_ =	shalt  }
0x41: {  	_ =	shalt  }
0x42: {  	_ =	shalt  }
0x43: {  	_ =	shalt  }
0x44: {  	_ =	shalt  }
0x45: {  	_ =	shalt  }
0x46: {  	_ =	shalt  }
0x47: {  	_ =	shalt  }
0x48: {  	_ =	shalt  }
0x49: {  	_ =	shalt  }
0x4a: {  	_ =	shalt  }
0x4b: {  	_ =	shalt  }
0x4c: {  	_ =	shalt  }
0x4d: {  	_ =	shalt  }
0x4e: {  	_ =	shalt  }
0x4f: {  	_ =	shalt  }
0x50: {  	_ =	shalt  }
0x51: {  	_ =	shalt  }
0x52: {  	_ =	shalt  }
0x53: {  	_ =	shalt  }
0x54: {  	_ =	shalt  }
0x55: {  	_ =	shalt  }
0x56: {  	_ =	shalt  }
0x57: {  	_ =	shalt  }
0x58: {  	_ =	shalt  }
0x59: {  	_ =	shalt  }
0x5a: {  	_ =	shalt  }
0x5b: {  	_ =	shalt  }
0x5c: {  	_ =	shalt  }
0x5d: {  	_ =	shalt  }
0x5e: {  	_ =	shalt  }
0x5f: {  	_ =	shalt  }
0x60: {  	_ =	shalt  }
0x61: {  	_ =	shalt  }
0x62: {  	_ =	shalt  }
0x63: {  	_ =	shalt  }
0x64: {  	_ =	shalt  }
0x65: {  	_ =	shalt  }
0x66: {  	_ =	shalt  }
0x67: {  	_ =	shalt  }
0x68: {  	_ =	shalt  }
0x69: {  	_ =	shalt  }
0x6a: {  	_ =	shalt  }
0x6b: {  	_ =	shalt  }
0x6c: {  	_ =	shalt  }
0x6d: {  	_ =	shalt  }
0x6e: {  	_ =	shalt  }
0x6f: {  	_ =	shalt  }
0x70: {  	_ =	shalt  }
0x71: {  	_ =	shalt  }
0x72: {  	_ =	shalt  }
0x73: {  	_ =	shalt  }
0x74: {  	_ =	shalt  }
0x75: {  	_ =	shalt  }
0x76: {  	_ =	shalt  }
0x77: {  	_ =	shalt  }
0x78: {  	_ =	shalt  }
0x79: {  	_ =	shalt  }
0x7a: {  	_ =	shalt  }
0x7b: {  	_ =	shalt  }
0x7c: {  	_ =	shalt  }
0x7d: {  	_ =	shalt  }
0x7e: {  	_ =	shalt  }
0x7f: {  	_ =	shalt  }
0x80: {  	_ =	shalt  }
0x81: {  	_ =	shalt  }
0x82: {  	_ =	shalt  }
0x83: {  	_ =	shalt  }
0x84: {  	_ =	shalt  }
0x85: {  	_ =	shalt  }
0x86: {  	_ =	shalt  }
0x87: {  	_ =	shalt  }
.Lfunc_end0:
.L_simem_size_0:
called_computation_lowered:
.L_overlay_start_0:
0x88: {  	s2 =	sld [smem:$0x3FD9]  }
0x89: {  	s3 =	sld [smem:$0x3FFE];
	_ =	sdelay $0x1  }
0x8a: {  	s1 =	srdreg.scid  }
0x8b: {  	s0 =	sand.u32 $0x1, s1  }
0x8c: {  	s18 =	sshll.u32 s0, $0xA;
	s2 =	sadd.s32 s3, s2  }
0x8d: {  	s2 =	sadd.s32 s2, s18  }
0x8e: {  	[smem:$0x3FC6] =	sst s2  }
0x8f: {  	_ = 	snop  }
0x90: {  	s2 =	sld [smem:$0x3FC9]  }
0x91: {  	s19 =	sld [smem:$0x3FC8]  }
0x92: {  	s4 =	sld [smem:$0x3FD0];
	(tm) =	ssettm $0x1  }
0x93: {  	s5 =	sld [smem:$0x3FFB];
	_ =	sdelay $0x3  }
0x94: {  	_ =	strace s5  }
0x95: {  	s5 =	sld [smem:$0x3FFC];
	_ =	sdelay $0x3  }
0x96: {  	_ =	strace s5  }
0x97: {  	s5 =	sld [smem:$0x3FFD];
	_ =	sdelay $0x3  }
0x98: {  	_ =	strace s5  }
0x99: {  	_ =	strace $0x8FFFFFFF  }
0x9a: {  	s20 =	sld [smem:$0x3FDB];
	_ =	sdelay $0x1  }
0x9b: {  	s6 =	simm.s32 $_scs_section_size  }
0x9c: {  	s7 =	simm.s32 $_size__tile_overlayer_lowered;
	s8 =	simm.s32 $_tile_overlayer_lowered  }
0x9d: {  	s23 =	simm.s32 $0x1BFF;
	s22 =	sshll.u32 s8, $0x1;
	s5 =	sadd.s32 s6, s20  }
0x9e: {  	s9 =	simm.s32 $0x0;
	s21 =	sshll.u32 s7, $0x1;
	s7 =	sadd.s32 s22, s5  }
0x9f: {  	[timem:s9], [sflag:s23] =	dma.local [hbm:s7], s21  }
0xa0: {  	_ =	swait.ge [sflag:s23], s21  }
0xa1: {  	s6 =	ssub.s32 $0x0, s21;
	[sflag:s23] =	ssyncset.done $0x0  }
0xa2: {  	[sflag:s23] =	ssyncadd.s32 s6;
	_ =	sdelay $0x1  }
0xa3: {  	s24 =	simm.s32 $0x1B8B  }
0xa4: {  	_ =	swait.ge [sflag:s24], $0x1  }
0xa5: {  	[sflag:s24] =	ssyncset.done $0x0  }
0xa6: {  	s25 =	simm.s32 $0x1B8E;
	[sflag:s24] =	ssyncadd.s32 $0xFFFFFFFF  }
0xa7: {  	s26 =	simm.s32 $execute0_lowered;
	[smem:$0x3FD2] =	sst s25  }
0xa8: {  	s6 =	sshll.u32 s26, $0x1;
	_ =	strace $0x80000046;
	[dreg:$0x1] =	wrdreg $0xFFFFFFFF  }
0xa9: {  	s28 =	simm.s32 $_size_execute0_lowered;
	s5 =	sadd.s32 s5, s6;
	[dreg:$0x0] =	wrdreg $0x0  }
0xaa: {  	s6 =	sshll.u32 s28, $0x1;
	[dreg:$0x2] =	wrdreg s5  }
0xab: {  	[dreg:$0x3] =	wrdreg s6  }
0xac: {  	[dreg:$0x4] =	wrdreg $0xC0  }
0xad: {  	_ =	task [dreg:s9], $0x5FFFF  }
0xae: {  	[dreg:$0x1] =	wrdreg $0xFFFFFFFF  }
0xaf: {  	[dreg:$0x0] =	wrdreg $0x60  }
0xb0: {  	[dreg:$0x2] =	wrdreg s2  }
0xb1: {  	[dreg:$0x3] =	wrdreg s19  }
0xb2: {  	[dreg:$0x4] =	wrdreg s4  }
0xb3: {  	[dreg:$0x5] =	wrdreg $0x9  }
0xb4: {  	_ =	task.clear_ibuf [dreg:s9], $0x6FFFF;
	_ =	strace $0x90000046  }
0xb5: {  	s29 =	simm.s32 $0x9;
	_ =	strace $0x80000048  }
0xb6: {  	_ =	swait.ge [sflag:s29], $0x1  }
0xb7: {  	[sflag:s29] =	ssyncadd.s32 $0xFFFFFFFF  }
0xb8: {  	_ =	strace $0x90000048  }
0xb9: {  	_ =	sfence  }
0xba: {  	s30 =	sld [smem:$0x0];
	_ =	sdelay $0x2  }
0xbb: {  	s31 =	sshll.u32 s1, $0xD;
	s1 =	sshrl.u32 s1, $0x2  }
0xbc: {  	s3 =	sand.u32 $0x4000, s31;
	s1 =	sadd.s32 s1, s30  }
0xbd: {  	s0 =	sor.u32 s3, s0;
	s1 =	sshll.u32 s1, $0x11  }
0xbe: {  	s0 =	sor.u32 s1, s0  }
0xbf: {  	s0 =	sadd.s32 $0x8F2B, s0  }
0xc0: {  	[sflag:s0] =	ssyncadd.remote.s32 $0x1  }
0xc1: {  	_ =	sfence.sel $0xFFFF  }
0xc2: {  	[dreg:$0x0] =	wrdreg $0xFFFFFFFF;
	(pc) =	sbr.abs _section_cstart, $3  }
0xc3: {  	[dreg:$0x1] =	wrdreg $0xFFFFFFFF  }
0xc4: {  	_ =	task.clear_ibuf [dreg:s9], $0x2FFFF;
	_ =	strace $0x9FFFFFFF  }
0xc5: {  	(tm) =	ssettm $0x7FFFFFFF  }
tec
execute0_lowered:
.L_overlay_start_1:
0x0: {  	(tag) =	ssettag $0x1  }
0x1: {  	s1 =	rddreg [dreg:$0x0]  }
0x2: {  	s6 =	rddreg [dreg:$0x1]  }
0x3: {  	s4 =	rddreg [dreg:$0x2];
	s0 =	srdreg.scid;
	s5 =	simm.s32 $0x0  }
0x4: {  	s3 =	stileid.u32;
	s29 =	simm.s32 $0x11;
	s31 =	simm.s32 $0x1  }
0x5: {  	s17 =	simm.s32 $0xA000;
	s8 =	simm.s32 $0x3;
	s9 =	simm.s32 $0xE000  }
0x6: {  	s10 =	simm.s32 $0x4;
	s14 =	simm.s32 $0x12;
	s11 =	simm.s32 $0xA  }
0x7: {  	s7 =	simm.s32 $0x6;
	[smem:$0x7FF] =	sst s5;
	s21 =	sadd.s32 $0x100000, s4  }
0x8: {  	s22 =	sadd.s32 $0x200000, s4;
	_ =	strace $0x80000047;
	[dreg:$0x9] =	wrdreg s21  }
0x9: {  	s28 =	simm.s32 $0x7;
	s23 =	sadd.s32 $0x100800, s1;
	[dreg:$0xa] =	wrdreg s22  }
0xa: {  	s13 =	simm.s32 $0x0;
	s24 =	sadd.s32 $0x200800, s1;
	[dreg:$0xc] =	wrdreg s23  }
0xb: {  	s0 =	sand.u32 $0x1, s0;
	s25 =	sadd.s32 $0x300000, s4;
	[dreg:$0xd] =	wrdreg s24  }
0xc: {  	s3 =	sshll.u32 s3, $0x10;
	s26 =	sadd.s32 $0x300800, s1;
	[dreg:$0xe] =	wrdreg s25  }
0xd: {  	s30 =	sadd.s32 $0x840, s6;
	s5 =	simm.s32 $0xC;
	[dreg:$0xf] =	wrdreg s26  }
0xe: {  	s2 =	ssub.s32 $0x2, s0;
	s0 =	sshll.u32 s0, $0xF;
	[dreg:$0x10] =	wrdreg s30  }
0xf: {  	s21 =	simm.s32 $0x200;
	s22 =	simm.s32 $0x400;
	s3 =	sor.u32 s0, s3  }
0x10: {  	s26 =	simm.s32 $0xC000;
	s23 =	simm.s32 $0x8;
	s0 =	sadd.s32 s1, s3  }
0x11: {  	s18 =	sshrl.u32 s2, $0x1;
	s19 =	sadd.s32 $0x100000, s0;
	[dreg:$0x4] =	wrdreg s0  }
0x12: {  	s2 =	ssub.s32 s2, s18;
	s20 =	sadd.s32 $0x200000, s0;
	[dreg:$0x5] =	wrdreg s19  }
.Ltmp0:
0x13: {  	s0 =	sadd.s32 $0x300000, s0;
	[dreg:$0x6] =	wrdreg s20;
	(pc) =	sbr.rel .LBB2_1-.Ltmp0, $4  }
0x14: {  	s18 =	simm.s32 $0x8000;
	s2 =	smax.u32 s2, $0x1;
	[dreg:$0x7] =	wrdreg s0  }
0x15: {  	s0 =	smov.u32 s3;
	s3 =	sadd.s32 s6, s3;
	[dreg:$0x11] =	wrdreg s2  }
0x16: {  	s20 =	simm.s32 $0x5;
	[dreg:$0x8] =	wrdreg s3;
	s3 =	sadd.s32 $0x40, s3  }
0x17: {  	s2 =	simm.s32 $0xB;
	[dreg:$0xb] =	wrdreg s3;
	s3 =	simm.s32 $0x2  }
.LBB2_68:
0x18: {  	s6 =	simm.s32 $0xD  }
0x19: {  	_ =	swait.ge [sflag:s6], $0x2000  }
0x1a: {  	[sflag:s6] =	ssyncset.done $0x0  }
0x1b: {  	s24 =	simm.s32 $0xE;
	[sflag:s6] =	ssyncadd.s32 $0xFFFFE000  }
0x1c: {  	_ =	swait.ge [sflag:s24], $0x2000  }
0x1d: {  	[sflag:s24] =	ssyncset.done $0x0  }
0x1e: {  	s25 =	simm.s32 $0xF;
	[sflag:s24] =	ssyncadd.s32 $0xFFFFE000  }
0x1f: {  	_ =	swait.ge [sflag:s25], $0x2000  }
0x20: {  	[sflag:s25] =	ssyncset.done $0x0  }
0x21: {  	s12 =	simm.s32 $0x10;
	[sflag:s25] =	ssyncadd.s32 $0xFFFFE000  }
0x22: {  	_ =	swait.ge [sflag:s12], $0x2000  }
0x23: {  	s13 =	rddreg [dreg:$0x12]  }
0x24: {  	s30 =	rddreg [dreg:$0x11];
	s13 =	sadd.s32 $0x1, s13  }
0x25: {  	p0 =	sne.s32 s13, s30  }
.Ltmp1:
0x26: {  	_ = 	snop;
	(pc) =	sbr.rel @!p0 .LBB2_69-.Ltmp1, $3  }
0x27: {  	_ =	sdelay $0x1  }
0x28: {  	[sflag:s12] =	ssyncset.done $0x0  }
0x29: {  	[sflag:s12] =	ssyncadd.s32 $0xFFFFE000  }
.LBB2_1:
0x2a: {  	[dreg:$0x12] =	wrdreg s13  }
0x2b: {  	s6 =	simm.s32 $0x0;
	s12 =	rddreg [dreg:$0x4]  }
0x2c: {  	[tilespmem:s6], [sflag:$0x1] =	stream.strided.gather [hbm4b:s12+s21], $0x2000, s22, s21, $0x38;
	[tilespmem:$0x14000] =	vst v63  }
0x2d: {  	s25 =	rddreg [dreg:$0x5];
	s30 =	simm.s32 $0x2000  }
0x2e: {  	[tilespmem:s30], [sflag:$0x2] =	stream.strided.gather [hbm4b:s25+s21], $0x2000, s22, s21, $0x38;
	[tilespmem:$0x14000] =	vst v63  }
0x2f: {  	s13 =	simm.s32 $0x4000;
	s12 =	rddreg [dreg:$0x6]  }
0x30: {  	[tilespmem:s13], [sflag:$0x3] =	stream.strided.gather [hbm4b:s12+s21], $0x2000, s22, s21, $0x38;
	[tilespmem:$0x14000] =	vst v63  }
0x31: {  	s15 =	rddreg [dreg:$0x7];
	s16 =	simm.s32 $0x6000  }
0x32: {  	[tilespmem:s16], [sflag:$0x4] =	stream.strided.gather [hbm4b:s15+s21], $0x2000, s22, s21, $0x38;
	[tilespmem:$0x14000] =	vst v63  }
0x33: {  	s19 =	rddreg [dreg:$0x8];
	s24 =	simm.s32 $0x10000  }
0x34: {  	[tilespmem:s24], [sflag:$0x11] =	stream.strided.gather [hbm4b:s19+s21], $0x2000, s22, s21, $0x38;
	[tilespmem:$0x14000] =	vst v63  }
0x35: {  	s25 =	rddreg [dreg:$0xb];
	s30 =	simm.s32 $0x12000;
	s24 =	simm.s32 $0x0  }
0x36: {  	[tilespmem:s30], [sflag:$0x12] =	stream.strided.gather [hbm4b:s25+s21], $0x2000, s22, s21, $0x38;
	[tilespmem:$0x14000] =	vst v63  }
.LBB2_2:
0x37: {  	_ =	swait.ge [sflag:s29], $0x2000  }
0x38: {  	p0 =	seq.s32 s24, $0x0;
	[sflag:s29] =	ssyncset.done $0x0  }
0x39: {  	s12 =	sshll.u32 s24, $0xB;
	s6 =	simm.s32 @!p0 $0xD;
	[sflag:s29] =	ssyncadd.s32 $0xFFFFE000  }
0x3a: {  	s25 =	sadd.s32 s0, s12;
	_ =	swait.ge @!p0 [sflag:s6], $0x2000  }
0x3b: {  	s13 =	sor.u32 $0x40, s25;
	[sflag:s6] =	ssyncset.done @!p0 $0x0  }
0x3c: {  	s30 =	sadd.s32 s1, s13;
	[sflag:s6] =	ssyncadd.s32 @!p0 $0xFFFFE000  }
0x3d: {  	[tilespmem:s18], [sflag:$0x5] =	stream.strided.gather [hbm4b:s30+s21], $0x2000, s22, s21, $0x38;
	[tilespmem:$0x14000] =	vst v63  }
0x3e: {  	_ =	swait.ge [sflag:s31], $0x2000  }
0x3f: {  	[sflag:s31] =	ssyncset.done $0x0  }
0x40: {  	s6 =	simm.s32 $0x0;
	[sflag:s31] =	ssyncadd.s32 $0xFFFFE000  }
0x41: {  	v0 =	vld [tilespmem:s6+$0x10070]  }
0x42: {  	v1 =	vld [tilespmem:s6+$0x10000]  }
0x43: {  	v2 =	vld [tilespmem:s6+$0x10010]  }
0x44: {  	v3 =	vld [tilespmem:s6+$0x10020]  }
0x45: {  	v4 =	vld [tilespmem:s6+$0x10030]  }
0x46: {  	v5 =	vld [tilespmem:s6+$0x10040]  }
0x47: {  	v6 =	vld [tilespmem:s6+$0x10050]  }
0x48: {  	[tilespmem:s6+$0x70] =	vst.add.f32.msk $0xffff, v0  }
0x49: {  	v0 =	vld [tilespmem:s6+$0x10060]  }
0x4a: {  	[tilespmem:s6+$0x0] =	vst.add.f32.msk $0xffff, v1  }
0x4b: {  	[tilespmem:s6+$0x10] =	vst.add.f32.msk $0xffff, v2  }
0x4c: {  	[tilespmem:s6+$0x20] =	vst.add.f32.msk $0xffff, v3  }
0x4d: {  	[tilespmem:s6+$0x30] =	vst.add.f32.msk $0xffff, v4  }
0x4e: {  	[tilespmem:s6+$0x40] =	vst.add.f32.msk $0xffff, v5  }
0x4f: {  	s15 =	simm.s32 $0x800;
	s12 =	simm.s32 $0x0;
	[tilespmem:s6+$0x50] =	vst.add.f32.msk $0xffff, v6  }
.LBB2_3:
0x50: {  	s12 =	sadd.s32 $0x80, s12;
	[tilespmem:s6+$0x60] =	vst.add.f32.msk $0xffff, v0;
	s6 =	sshra.s32 s15, $0x2  }
0x51: {  	v0 =	vld [tilespmem:s6+$0x10070];
	p1 =	slt.u32 s12, $0x780  }
0x52: {  	v1 =	vld [tilespmem:s6+$0x10000]  }
0x53: {  	v2 =	vld [tilespmem:s6+$0x10010]  }
0x54: {  	v3 =	vld [tilespmem:s6+$0x10020]  }
0x55: {  	v4 =	vld [tilespmem:s6+$0x10030]  }
0x56: {  	[tilespmem:s6+$0x70] =	vst.add.f32.msk $0xffff, v0  }
0x57: {  	v5 =	vld [tilespmem:s6+$0x10040]  }
0x58: {  	v6 =	vld [tilespmem:s6+$0x10050]  }
0x59: {  	v0 =	vld [tilespmem:s6+$0x10060]  }
0x5a: {  	[tilespmem:s6+$0x0] =	vst.add.f32.msk $0xffff, v1  }
.Ltmp2:
0x5b: {  	[tilespmem:s6+$0x10] =	vst.add.f32.msk $0xffff, v2;
	(pc) =	sbr.rel @p1 .LBB2_3-.Ltmp2, $4  }
0x5c: {  	[tilespmem:s6+$0x20] =	vst.add.f32.msk $0xffff, v3  }
0x5d: {  	[tilespmem:s6+$0x30] =	vst.add.f32.msk $0xffff, v4  }
0x5e: {  	[tilespmem:s6+$0x40] =	vst.add.f32.msk $0xffff, v5  }
0x5f: {  	s15 =	sadd.s32 $0x800, s15;
	[tilespmem:s6+$0x50] =	vst.add.f32.msk $0xffff, v6  }
0x60: {  	[tilespmem:s6+$0x60] =	vst.add.f32.msk $0xffff, v0;
	s6 =	simm.s32 $0x0  }
0x61: {  	v0 =	vld [tilespmem:s6+$0x100F0]  }
0x62: {  	v1 =	vld [tilespmem:s6+$0x10080]  }
0x63: {  	v2 =	vld [tilespmem:s6+$0x10090]  }
0x64: {  	v3 =	vld [tilespmem:s6+$0x100A0]  }
0x65: {  	v4 =	vld [tilespmem:s6+$0x100B0]  }
0x66: {  	v5 =	vld [tilespmem:s6+$0x100C0]  }
0x67: {  	v6 =	vld [tilespmem:s6+$0x100D0]  }
0x68: {  	[tilespmem:s6+$0xF0] =	vst.add.f32.msk $0xffff, v0  }
0x69: {  	v0 =	vld [tilespmem:s6+$0x100E0]  }
0x6a: {  	[tilespmem:s6+$0x80] =	vst.add.f32.msk $0xffff, v1  }
0x6b: {  	[tilespmem:s6+$0x90] =	vst.add.f32.msk $0xffff, v2  }
0x6c: {  	[tilespmem:s6+$0xA0] =	vst.add.f32.msk $0xffff, v3  }
0x6d: {  	[tilespmem:s6+$0xB0] =	vst.add.f32.msk $0xffff, v4  }
0x6e: {  	[tilespmem:s6+$0xC0] =	vst.add.f32.msk $0xffff, v5  }
0x6f: {  	s12 =	simm.s32 $0x0;
	s15 =	simm.s32 $0x800;
	[tilespmem:s6+$0xD0] =	vst.add.f32.msk $0xffff, v6  }
.LBB2_5:
0x70: {  	s12 =	sadd.s32 $0x80, s12;
	[tilespmem:s6+$0xE0] =	vst.add.f32.msk $0xffff, v0;
	s6 =	sshra.s32 s15, $0x2  }
0x71: {  	v0 =	vld [tilespmem:s6+$0x100F0];
	p1 =	slt.u32 s12, $0x780  }
0x72: {  	v1 =	vld [tilespmem:s6+$0x10080]  }
0x73: {  	v2 =	vld [tilespmem:s6+$0x10090]  }
0x74: {  	v3 =	vld [tilespmem:s6+$0x100A0]  }
0x75: {  	v4 =	vld [tilespmem:s6+$0x100B0]  }
0x76: {  	[tilespmem:s6+$0xF0] =	vst.add.f32.msk $0xffff, v0  }
0x77: {  	v5 =	vld [tilespmem:s6+$0x100C0]  }
0x78: {  	v6 =	vld [tilespmem:s6+$0x100D0]  }
0x79: {  	v0 =	vld [tilespmem:s6+$0x100E0]  }
0x7a: {  	[tilespmem:s6+$0x80] =	vst.add.f32.msk $0xffff, v1  }
.Ltmp3:
0x7b: {  	[tilespmem:s6+$0x90] =	vst.add.f32.msk $0xffff, v2;
	(pc) =	sbr.rel @p1 .LBB2_5-.Ltmp3, $4  }
0x7c: {  	[tilespmem:s6+$0xA0] =	vst.add.f32.msk $0xffff, v3  }
0x7d: {  	[tilespmem:s6+$0xB0] =	vst.add.f32.msk $0xffff, v4  }
0x7e: {  	[tilespmem:s6+$0xC0] =	vst.add.f32.msk $0xffff, v5  }
0x7f: {  	s15 =	sadd.s32 $0x800, s15;
	[tilespmem:s6+$0xD0] =	vst.add.f32.msk $0xffff, v6  }
0x80: {  	[tilespmem:s6+$0xE0] =	vst.add.f32.msk $0xffff, v0;
	s6 =	simm.s32 $0x0  }
0x81: {  	v0 =	vld [tilespmem:s6+$0x10170]  }
0x82: {  	v1 =	vld [tilespmem:s6+$0x10100]  }
0x83: {  	v2 =	vld [tilespmem:s6+$0x10110]  }
0x84: {  	v3 =	vld [tilespmem:s6+$0x10120]  }
0x85: {  	v4 =	vld [tilespmem:s6+$0x10130]  }
0x86: {  	v5 =	vld [tilespmem:s6+$0x10140]  }
0x87: {  	v6 =	vld [tilespmem:s6+$0x10150]  }
0x88: {  	[tilespmem:s6+$0x170] =	vst.add.f32.msk $0xffff, v0  }
0x89: {  	v0 =	vld [tilespmem:s6+$0x10160]  }
0x8a: {  	[tilespmem:s6+$0x100] =	vst.add.f32.msk $0xffff, v1  }
0x8b: {  	[tilespmem:s6+$0x110] =	vst.add.f32.msk $0xffff, v2  }
0x8c: {  	[tilespmem:s6+$0x120] =	vst.add.f32.msk $0xffff, v3  }
0x8d: {  	[tilespmem:s6+$0x130] =	vst.add.f32.msk $0xffff, v4  }
0x8e: {  	[tilespmem:s6+$0x140] =	vst.add.f32.msk $0xffff, v5  }
0x8f: {  	s12 =	simm.s32 $0x0;
	s15 =	simm.s32 $0x800;
	[tilespmem:s6+$0x150] =	vst.add.f32.msk $0xffff, v6  }
.LBB2_7:
0x90: {  	s12 =	sadd.s32 $0x80, s12;
	[tilespmem:s6+$0x160] =	vst.add.f32.msk $0xffff, v0;
	s6 =	sshra.s32 s15, $0x2  }
0x91: {  	v0 =	vld [tilespmem:s6+$0x10170];
	p1 =	slt.u32 s12, $0x780  }
0x92: {  	v1 =	vld [tilespmem:s6+$0x10100]  }
0x93: {  	v2 =	vld [tilespmem:s6+$0x10110]  }
0x94: {  	v3 =	vld [tilespmem:s6+$0x10120]  }
0x95: {  	v4 =	vld [tilespmem:s6+$0x10130]  }
0x96: {  	[tilespmem:s6+$0x170] =	vst.add.f32.msk $0xffff, v0  }
0x97: {  	v5 =	vld [tilespmem:s6+$0x10140]  }
0x98: {  	v6 =	vld [tilespmem:s6+$0x10150]  }
0x99: {  	v0 =	vld [tilespmem:s6+$0x10160]  }
0x9a: {  	[tilespmem:s6+$0x100] =	vst.add.f32.msk $0xffff, v1  }
.Ltmp4:
0x9b: {  	[tilespmem:s6+$0x110] =	vst.add.f32.msk $0xffff, v2;
	(pc) =	sbr.rel @p1 .LBB2_7-.Ltmp4, $4  }
0x9c: {  	[tilespmem:s6+$0x120] =	vst.add.f32.msk $0xffff, v3  }
0x9d: {  	[tilespmem:s6+$0x130] =	vst.add.f32.msk $0xffff, v4  }
0x9e: {  	[tilespmem:s6+$0x140] =	vst.add.f32.msk $0xffff, v5  }
0x9f: {  	s15 =	sadd.s32 $0x800, s15;
	[tilespmem:s6+$0x150] =	vst.add.f32.msk $0xffff, v6  }
0xa0: {  	[tilespmem:s6+$0x160] =	vst.add.f32.msk $0xffff, v0;
	s6 =	simm.s32 $0x0  }
0xa1: {  	v0 =	vld [tilespmem:s6+$0x101F0]  }
0xa2: {  	v1 =	vld [tilespmem:s6+$0x10180]  }
0xa3: {  	v2 =	vld [tilespmem:s6+$0x10190]  }
0xa4: {  	v3 =	vld [tilespmem:s6+$0x101A0]  }
0xa5: {  	v4 =	vld [tilespmem:s6+$0x101B0]  }
0xa6: {  	v5 =	vld [tilespmem:s6+$0x101C0]  }
0xa7: {  	v6 =	vld [tilespmem:s6+$0x101D0]  }
0xa8: {  	[tilespmem:s6+$0x1F0] =	vst.add.f32.msk $0xffff, v0  }
0xa9: {  	v0 =	vld [tilespmem:s6+$0x101E0]  }
0xaa: {  	[tilespmem:s6+$0x180] =	vst.add.f32.msk $0xffff, v1  }
0xab: {  	[tilespmem:s6+$0x190] =	vst.add.f32.msk $0xffff, v2  }
0xac: {  	[tilespmem:s6+$0x1A0] =	vst.add.f32.msk $0xffff, v3  }
0xad: {  	[tilespmem:s6+$0x1B0] =	vst.add.f32.msk $0xffff, v4  }
0xae: {  	[tilespmem:s6+$0x1C0] =	vst.add.f32.msk $0xffff, v5  }
0xaf: {  	s12 =	simm.s32 $0x0;
	s15 =	simm.s32 $0x800;
	[tilespmem:s6+$0x1D0] =	vst.add.f32.msk $0xffff, v6  }
.LBB2_9:
0xb0: {  	s12 =	sadd.s32 $0x80, s12;
	[tilespmem:s6+$0x1E0] =	vst.add.f32.msk $0xffff, v0;
	s6 =	sshra.s32 s15, $0x2  }
0xb1: {  	v0 =	vld [tilespmem:s6+$0x101F0];
	p1 =	slt.u32 s12, $0x780  }
0xb2: {  	v1 =	vld [tilespmem:s6+$0x10180]  }
0xb3: {  	v2 =	vld [tilespmem:s6+$0x10190]  }
0xb4: {  	v3 =	vld [tilespmem:s6+$0x101A0]  }
0xb5: {  	v4 =	vld [tilespmem:s6+$0x101B0]  }
0xb6: {  	[tilespmem:s6+$0x1F0] =	vst.add.f32.msk $0xffff, v0  }
0xb7: {  	v5 =	vld [tilespmem:s6+$0x101C0]  }
0xb8: {  	v6 =	vld [tilespmem:s6+$0x101D0]  }
0xb9: {  	v0 =	vld [tilespmem:s6+$0x101E0]  }
0xba: {  	[tilespmem:s6+$0x180] =	vst.add.f32.msk $0xffff, v1  }
.Ltmp5:
0xbb: {  	[tilespmem:s6+$0x190] =	vst.add.f32.msk $0xffff, v2;
	(pc) =	sbr.rel @p1 .LBB2_9-.Ltmp5, $4  }
0xbc: {  	[tilespmem:s6+$0x1A0] =	vst.add.f32.msk $0xffff, v3  }
0xbd: {  	[tilespmem:s6+$0x1B0] =	vst.add.f32.msk $0xffff, v4  }
0xbe: {  	[tilespmem:s6+$0x1C0] =	vst.add.f32.msk $0xffff, v5  }
0xbf: {  	s15 =	sadd.s32 $0x800, s15;
	[tilespmem:s6+$0x1D0] =	vst.add.f32.msk $0xffff, v6  }
0xc0: {  	[tilespmem:s6+$0x1E0] =	vst.add.f32.msk $0xffff, v0;
	s19 =	sadd.s32 s4, s25;
	s12 =	simm.s32 $0x0;
	s6 =	simm.s32 @!p0 $0xE  }
0xc1: {  	[hbm4b:s19+s21] =	stream.strided.scatter [tilespmem:s12], [sflag:$0x9], $0x2000, s22, s21, $0x38;
	[tilespmem:$0x14000] =	vst v63  }
0xc2: {  	_ =	swait.ge @!p0 [sflag:s6], $0x2000  }
0xc3: {  	s12 =	sor.u32 $0x100040, s25;
	[sflag:s6] =	ssyncset.done @!p0 $0x0  }
0xc4: {  	s30 =	sadd.s32 s1, s12;
	[sflag:s6] =	ssyncadd.s32 @!p0 $0xFFFFE000  }
0xc5: {  	[tilespmem:s17], [sflag:$0x6] =	stream.strided.gather [hbm4b:s30+s21], $0x2000, s22, s21, $0x38;
	[tilespmem:$0x14000] =	vst v63  }
0xc6: {  	_ =	swait.ge [sflag:s3], $0x2000  }
0xc7: {  	[sflag:s3] =	ssyncset.done $0x0  }
0xc8: {  	s6 =	simm.s32 $0x0;
	[sflag:s3] =	ssyncadd.s32 $0xFFFFE000  }
0xc9: {  	v0 =	vld [tilespmem:s6+$0x10070]  }
0xca: {  	v1 =	vld [tilespmem:s6+$0x10000]  }
0xcb: {  	v2 =	vld [tilespmem:s6+$0x10010]  }
0xcc: {  	v3 =	vld [tilespmem:s6+$0x10020]  }
0xcd: {  	v4 =	vld [tilespmem:s6+$0x10030]  }
0xce: {  	v5 =	vld [tilespmem:s6+$0x10040]  }
0xcf: {  	v6 =	vld [tilespmem:s6+$0x10050]  }
0xd0: {  	[tilespmem:s6+$0x2070] =	vst.add.f32.msk $0xffff, v0  }
0xd1: {  	v0 =	vld [tilespmem:s6+$0x10060]  }
0xd2: {  	[tilespmem:s6+$0x2000] =	vst.add.f32.msk $0xffff, v1  }
0xd3: {  	[tilespmem:s6+$0x2010] =	vst.add.f32.msk $0xffff, v2  }
0xd4: {  	[tilespmem:s6+$0x2020] =	vst.add.f32.msk $0xffff, v3  }
0xd5: {  	[tilespmem:s6+$0x2030] =	vst.add.f32.msk $0xffff, v4  }
0xd6: {  	[tilespmem:s6+$0x2040] =	vst.add.f32.msk $0xffff, v5  }
0xd7: {  	s15 =	simm.s32 $0x0;
	s16 =	simm.s32 $0x800;
	[tilespmem:s6+$0x2050] =	vst.add.f32.msk $0xffff, v6  }
.LBB2_11:
0xd8: {  	s15 =	sadd.s32 $0x80, s15;
	[tilespmem:s6+$0x2060] =	vst.add.f32.msk $0xffff, v0;
	s6 =	sshra.s32 s16, $0x2  }
0xd9: {  	v0 =	vld [tilespmem:s6+$0x10070];
	p1 =	slt.u32 s15, $0x780  }
0xda: {  	v1 =	vld [tilespmem:s6+$0x10000]  }
0xdb: {  	v2 =	vld [tilespmem:s6+$0x10010]  }
0xdc: {  	v3 =	vld [tilespmem:s6+$0x10020]  }
0xdd: {  	v4 =	vld [tilespmem:s6+$0x10030]  }
0xde: {  	[tilespmem:s6+$0x2070] =	vst.add.f32.msk $0xffff, v0  }
0xdf: {  	v5 =	vld [tilespmem:s6+$0x10040]  }
0xe0: {  	v6 =	vld [tilespmem:s6+$0x10050]  }
0xe1: {  	v0 =	vld [tilespmem:s6+$0x10060]  }
0xe2: {  	[tilespmem:s6+$0x2000] =	vst.add.f32.msk $0xffff, v1  }
.Ltmp6:
0xe3: {  	[tilespmem:s6+$0x2010] =	vst.add.f32.msk $0xffff, v2;
	(pc) =	sbr.rel @p1 .LBB2_11-.Ltmp6, $4  }
0xe4: {  	[tilespmem:s6+$0x2020] =	vst.add.f32.msk $0xffff, v3  }
0xe5: {  	[tilespmem:s6+$0x2030] =	vst.add.f32.msk $0xffff, v4  }
0xe6: {  	[tilespmem:s6+$0x2040] =	vst.add.f32.msk $0xffff, v5  }
0xe7: {  	s16 =	sadd.s32 $0x800, s16;
	[tilespmem:s6+$0x2050] =	vst.add.f32.msk $0xffff, v6  }
0xe8: {  	[tilespmem:s6+$0x2060] =	vst.add.f32.msk $0xffff, v0;
	s6 =	simm.s32 $0x0  }
0xe9: {  	v0 =	vld [tilespmem:s6+$0x100F0]  }
0xea: {  	v1 =	vld [tilespmem:s6+$0x10080]  }
0xeb: {  	v2 =	vld [tilespmem:s6+$0x10090]  }
0xec: {  	v3 =	vld [tilespmem:s6+$0x100A0]  }
0xed: {  	v4 =	vld [tilespmem:s6+$0x100B0]  }
0xee: {  	v5 =	vld [tilespmem:s6+$0x100C0]  }
0xef: {  	v6 =	vld [tilespmem:s6+$0x100D0]  }
0xf0: {  	[tilespmem:s6+$0x20F0] =	vst.add.f32.msk $0xffff, v0  }
0xf1: {  	v0 =	vld [tilespmem:s6+$0x100E0]  }
0xf2: {  	[tilespmem:s6+$0x2080] =	vst.add.f32.msk $0xffff, v1  }
0xf3: {  	[tilespmem:s6+$0x2090] =	vst.add.f32.msk $0xffff, v2  }
0xf4: {  	[tilespmem:s6+$0x20A0] =	vst.add.f32.msk $0xffff, v3  }
0xf5: {  	[tilespmem:s6+$0x20B0] =	vst.add.f32.msk $0xffff, v4  }
0xf6: {  	[tilespmem:s6+$0x20C0] =	vst.add.f32.msk $0xffff, v5  }
0xf7: {  	s15 =	simm.s32 $0x0;
	s16 =	simm.s32 $0x800;
	[tilespmem:s6+$0x20D0] =	vst.add.f32.msk $0xffff, v6  }
.LBB2_13:
0xf8: {  	s15 =	sadd.s32 $0x80, s15;
	[tilespmem:s6+$0x20E0] =	vst.add.f32.msk $0xffff, v0;
	s6 =	sshra.s32 s16, $0x2  }
0xf9: {  	v0 =	vld [tilespmem:s6+$0x100F0];
	p1 =	slt.u32 s15, $0x780  }
0xfa: {  	v1 =	vld [tilespmem:s6+$0x10080]  }
0xfb: {  	v2 =	vld [tilespmem:s6+$0x10090]  }
0xfc: {  	v3 =	vld [tilespmem:s6+$0x100A0]  }
0xfd: {  	v4 =	vld [tilespmem:s6+$0x100B0]  }
0xfe: {  	[tilespmem:s6+$0x20F0] =	vst.add.f32.msk $0xffff, v0  }
0xff: {  	v5 =	vld [tilespmem:s6+$0x100C0]  }
0x100: {  	v6 =	vld [tilespmem:s6+$0x100D0]  }
0x101: {  	v0 =	vld [tilespmem:s6+$0x100E0]  }
0x102: {  	[tilespmem:s6+$0x2080] =	vst.add.f32.msk $0xffff, v1  }
.Ltmp7:
0x103: {  	[tilespmem:s6+$0x2090] =	vst.add.f32.msk $0xffff, v2;
	(pc) =	sbr.rel @p1 .LBB2_13-.Ltmp7, $4  }
0x104: {  	[tilespmem:s6+$0x20A0] =	vst.add.f32.msk $0xffff, v3  }
0x105: {  	[tilespmem:s6+$0x20B0] =	vst.add.f32.msk $0xffff, v4  }
0x106: {  	[tilespmem:s6+$0x20C0] =	vst.add.f32.msk $0xffff, v5  }
0x107: {  	s16 =	sadd.s32 $0x800, s16;
	[tilespmem:s6+$0x20D0] =	vst.add.f32.msk $0xffff, v6  }
0x108: {  	[tilespmem:s6+$0x20E0] =	vst.add.f32.msk $0xffff, v0;
	s6 =	simm.s32 $0x0  }
0x109: {  	v0 =	vld [tilespmem:s6+$0x10170]  }
0x10a: {  	v1 =	vld [tilespmem:s6+$0x10100]  }
0x10b: {  	v2 =	vld [tilespmem:s6+$0x10110]  }
0x10c: {  	v3 =	vld [tilespmem:s6+$0x10120]  }
0x10d: {  	v4 =	vld [tilespmem:s6+$0x10130]  }
0x10e: {  	v5 =	vld [tilespmem:s6+$0x10140]  }
0x10f: {  	v6 =	vld [tilespmem:s6+$0x10150]  }
0x110: {  	[tilespmem:s6+$0x2170] =	vst.add.f32.msk $0xffff, v0  }
0x111: {  	v0 =	vld [tilespmem:s6+$0x10160]  }
0x112: {  	[tilespmem:s6+$0x2100] =	vst.add.f32.msk $0xffff, v1  }
0x113: {  	[tilespmem:s6+$0x2110] =	vst.add.f32.msk $0xffff, v2  }
0x114: {  	[tilespmem:s6+$0x2120] =	vst.add.f32.msk $0xffff, v3  }
0x115: {  	[tilespmem:s6+$0x2130] =	vst.add.f32.msk $0xffff, v4  }
0x116: {  	[tilespmem:s6+$0x2140] =	vst.add.f32.msk $0xffff, v5  }
0x117: {  	s15 =	simm.s32 $0x0;
	s16 =	simm.s32 $0x800;
	[tilespmem:s6+$0x2150] =	vst.add.f32.msk $0xffff, v6  }
.LBB2_15:
0x118: {  	s15 =	sadd.s32 $0x80, s15;
	[tilespmem:s6+$0x2160] =	vst.add.f32.msk $0xffff, v0;
	s6 =	sshra.s32 s16, $0x2  }
0x119: {  	v0 =	vld [tilespmem:s6+$0x10170];
	p1 =	slt.u32 s15, $0x780  }
0x11a: {  	v1 =	vld [tilespmem:s6+$0x10100]  }
0x11b: {  	v2 =	vld [tilespmem:s6+$0x10110]  }
0x11c: {  	v3 =	vld [tilespmem:s6+$0x10120]  }
0x11d: {  	v4 =	vld [tilespmem:s6+$0x10130]  }
0x11e: {  	[tilespmem:s6+$0x2170] =	vst.add.f32.msk $0xffff, v0  }
0x11f: {  	v5 =	vld [tilespmem:s6+$0x10140]  }
0x120: {  	v6 =	vld [tilespmem:s6+$0x10150]  }
0x121: {  	v0 =	vld [tilespmem:s6+$0x10160]  }
0x122: {  	[tilespmem:s6+$0x2100] =	vst.add.f32.msk $0xffff, v1  }
.Ltmp8:
0x123: {  	[tilespmem:s6+$0x2110] =	vst.add.f32.msk $0xffff, v2;
	(pc) =	sbr.rel @p1 .LBB2_15-.Ltmp8, $4  }
0x124: {  	[tilespmem:s6+$0x2120] =	vst.add.f32.msk $0xffff, v3  }
0x125: {  	[tilespmem:s6+$0x2130] =	vst.add.f32.msk $0xffff, v4  }
0x126: {  	[tilespmem:s6+$0x2140] =	vst.add.f32.msk $0xffff, v5  }
0x127: {  	s16 =	sadd.s32 $0x800, s16;
	[tilespmem:s6+$0x2150] =	vst.add.f32.msk $0xffff, v6  }
0x128: {  	[tilespmem:s6+$0x2160] =	vst.add.f32.msk $0xffff, v0;
	s6 =	simm.s32 $0x0  }
0x129: {  	v0 =	vld [tilespmem:s6+$0x101F0]  }
0x12a: {  	v1 =	vld [tilespmem:s6+$0x10180]  }
0x12b: {  	v2 =	vld [tilespmem:s6+$0x10190]  }
0x12c: {  	v3 =	vld [tilespmem:s6+$0x101A0]  }
0x12d: {  	v4 =	vld [tilespmem:s6+$0x101B0]  }
0x12e: {  	v5 =	vld [tilespmem:s6+$0x101C0]  }
0x12f: {  	v6 =	vld [tilespmem:s6+$0x101D0]  }
0x130: {  	[tilespmem:s6+$0x21F0] =	vst.add.f32.msk $0xffff, v0  }
0x131: {  	v0 =	vld [tilespmem:s6+$0x101E0]  }
0x132: {  	[tilespmem:s6+$0x2180] =	vst.add.f32.msk $0xffff, v1  }
0x133: {  	[tilespmem:s6+$0x2190] =	vst.add.f32.msk $0xffff, v2  }
0x134: {  	[tilespmem:s6+$0x21A0] =	vst.add.f32.msk $0xffff, v3  }
0x135: {  	[tilespmem:s6+$0x21B0] =	vst.add.f32.msk $0xffff, v4  }
0x136: {  	[tilespmem:s6+$0x21C0] =	vst.add.f32.msk $0xffff, v5  }
0x137: {  	s15 =	simm.s32 $0x0;
	s16 =	simm.s32 $0x800;
	[tilespmem:s6+$0x21D0] =	vst.add.f32.msk $0xffff, v6  }
.LBB2_17:
0x138: {  	s15 =	sadd.s32 $0x80, s15;
	[tilespmem:s6+$0x21E0] =	vst.add.f32.msk $0xffff, v0;
	s6 =	sshra.s32 s16, $0x2  }
0x139: {  	v0 =	vld [tilespmem:s6+$0x101F0];
	p1 =	slt.u32 s15, $0x780  }
0x13a: {  	v1 =	vld [tilespmem:s6+$0x10180]  }
0x13b: {  	v2 =	vld [tilespmem:s6+$0x10190]  }
0x13c: {  	v3 =	vld [tilespmem:s6+$0x101A0]  }
0x13d: {  	v4 =	vld [tilespmem:s6+$0x101B0]  }
0x13e: {  	[tilespmem:s6+$0x21F0] =	vst.add.f32.msk $0xffff, v0  }
0x13f: {  	v5 =	vld [tilespmem:s6+$0x101C0]  }
0x140: {  	v6 =	vld [tilespmem:s6+$0x101D0]  }
0x141: {  	v0 =	vld [tilespmem:s6+$0x101E0]  }
0x142: {  	[tilespmem:s6+$0x2180] =	vst.add.f32.msk $0xffff, v1  }
.Ltmp9:
0x143: {  	[tilespmem:s6+$0x2190] =	vst.add.f32.msk $0xffff, v2;
	(pc) =	sbr.rel @p1 .LBB2_17-.Ltmp9, $4  }
0x144: {  	[tilespmem:s6+$0x21A0] =	vst.add.f32.msk $0xffff, v3  }
0x145: {  	[tilespmem:s6+$0x21B0] =	vst.add.f32.msk $0xffff, v4  }
0x146: {  	[tilespmem:s6+$0x21C0] =	vst.add.f32.msk $0xffff, v5  }
0x147: {  	s16 =	sadd.s32 $0x800, s16;
	[tilespmem:s6+$0x21D0] =	vst.add.f32.msk $0xffff, v6  }
0x148: {  	[tilespmem:s6+$0x21E0] =	vst.add.f32.msk $0xffff, v0  }
0x149: {  	s6 =	rddreg [dreg:$0x9]  }
0x14a: {  	s15 =	simm.s32 $0x2000;
	s6 =	sadd.s32 s25, s6  }
0x14b: {  	[hbm4b:s6+s21] =	stream.strided.scatter [tilespmem:s15], [sflag:$0xA], $0x2000, s22, s21, $0x38;
	[tilespmem:$0x14000] =	vst v63  }
0x14c: {  	s15 =	simm.s32 @!p0 $0xF  }
0x14d: {  	_ =	swait.ge @!p0 [sflag:s15], $0x2000  }
0x14e: {  	s6 =	sor.u32 $0x200040, s25;
	[sflag:s15] =	ssyncset.done @!p0 $0x0  }
0x14f: {  	s30 =	sadd.s32 s1, s6;
	[sflag:s15] =	ssyncadd.s32 @!p0 $0xFFFFE000  }
0x150: {  	[tilespmem:s26], [sflag:$0x7] =	stream.strided.gather [hbm4b:s30+s21], $0x2000, s22, s21, $0x38;
	[tilespmem:$0x14000] =	vst v63  }
0x151: {  	_ =	swait.ge [sflag:s8], $0x2000  }
0x152: {  	[sflag:s8] =	ssyncset.done $0x0  }
0x153: {  	s19 =	simm.s32 $0x0;
	[sflag:s8] =	ssyncadd.s32 $0xFFFFE000  }
0x154: {  	v0 =	vld [tilespmem:s19+$0x10070]  }
0x155: {  	v1 =	vld [tilespmem:s19+$0x10000]  }
0x156: {  	v2 =	vld [tilespmem:s19+$0x10010]  }
0x157: {  	v3 =	vld [tilespmem:s19+$0x10020]  }
0x158: {  	v4 =	vld [tilespmem:s19+$0x10030]  }
0x159: {  	v5 =	vld [tilespmem:s19+$0x10040]  }
0x15a: {  	v6 =	vld [tilespmem:s19+$0x10050]  }
0x15b: {  	[tilespmem:s19+$0x4070] =	vst.add.f32.msk $0xffff, v0  }
0x15c: {  	v0 =	vld [tilespmem:s19+$0x10060]  }
0x15d: {  	[tilespmem:s19+$0x4000] =	vst.add.f32.msk $0xffff, v1  }
0x15e: {  	[tilespmem:s19+$0x4010] =	vst.add.f32.msk $0xffff, v2  }
0x15f: {  	[tilespmem:s19+$0x4020] =	vst.add.f32.msk $0xffff, v3  }
0x160: {  	[tilespmem:s19+$0x4030] =	vst.add.f32.msk $0xffff, v4  }
0x161: {  	[tilespmem:s19+$0x4040] =	vst.add.f32.msk $0xffff, v5  }
0x162: {  	s16 =	simm.s32 $0x800;
	s15 =	simm.s32 $0x0;
	[tilespmem:s19+$0x4050] =	vst.add.f32.msk $0xffff, v6  }
.LBB2_19:
0x163: {  	s15 =	sadd.s32 $0x80, s15;
	[tilespmem:s19+$0x4060] =	vst.add.f32.msk $0xffff, v0;
	s19 =	sshra.s32 s16, $0x2  }
0x164: {  	v0 =	vld [tilespmem:s19+$0x10070];
	p1 =	slt.u32 s15, $0x780  }
0x165: {  	v1 =	vld [tilespmem:s19+$0x10000]  }
0x166: {  	v2 =	vld [tilespmem:s19+$0x10010]  }
0x167: {  	v3 =	vld [tilespmem:s19+$0x10020]  }
0x168: {  	v4 =	vld [tilespmem:s19+$0x10030]  }
0x169: {  	[tilespmem:s19+$0x4070] =	vst.add.f32.msk $0xffff, v0  }
0x16a: {  	v5 =	vld [tilespmem:s19+$0x10040]  }
0x16b: {  	v6 =	vld [tilespmem:s19+$0x10050]  }
0x16c: {  	v0 =	vld [tilespmem:s19+$0x10060]  }
0x16d: {  	[tilespmem:s19+$0x4000] =	vst.add.f32.msk $0xffff, v1  }
.Ltmp10:
0x16e: {  	[tilespmem:s19+$0x4010] =	vst.add.f32.msk $0xffff, v2;
	(pc) =	sbr.rel @p1 .LBB2_19-.Ltmp10, $4  }
0x16f: {  	[tilespmem:s19+$0x4020] =	vst.add.f32.msk $0xffff, v3  }
0x170: {  	[tilespmem:s19+$0x4030] =	vst.add.f32.msk $0xffff, v4  }
0x171: {  	[tilespmem:s19+$0x4040] =	vst.add.f32.msk $0xffff, v5  }
0x172: {  	s16 =	sadd.s32 $0x800, s16;
	[tilespmem:s19+$0x4050] =	vst.add.f32.msk $0xffff, v6  }
0x173: {  	[tilespmem:s19+$0x4060] =	vst.add.f32.msk $0xffff, v0;
	s19 =	simm.s32 $0x0  }
0x174: {  	v0 =	vld [tilespmem:s19+$0x100F0]  }
0x175: {  	v1 =	vld [tilespmem:s19+$0x10080]  }
0x176: {  	v2 =	vld [tilespmem:s19+$0x10090]  }
0x177: {  	v3 =	vld [tilespmem:s19+$0x100A0]  }
0x178: {  	v4 =	vld [tilespmem:s19+$0x100B0]  }
0x179: {  	v5 =	vld [tilespmem:s19+$0x100C0]  }
0x17a: {  	v6 =	vld [tilespmem:s19+$0x100D0]  }
0x17b: {  	[tilespmem:s19+$0x40F0] =	vst.add.f32.msk $0xffff, v0  }
0x17c: {  	v0 =	vld [tilespmem:s19+$0x100E0]  }
0x17d: {  	[tilespmem:s19+$0x4080] =	vst.add.f32.msk $0xffff, v1  }
0x17e: {  	[tilespmem:s19+$0x4090] =	vst.add.f32.msk $0xffff, v2  }
0x17f: {  	[tilespmem:s19+$0x40A0] =	vst.add.f32.msk $0xffff, v3  }
0x180: {  	[tilespmem:s19+$0x40B0] =	vst.add.f32.msk $0xffff, v4  }
0x181: {  	[tilespmem:s19+$0x40C0] =	vst.add.f32.msk $0xffff, v5  }
0x182: {  	s15 =	simm.s32 $0x0;
	s16 =	simm.s32 $0x800;
	[tilespmem:s19+$0x40D0] =	vst.add.f32.msk $0xffff, v6  }
.LBB2_21:
0x183: {  	s15 =	sadd.s32 $0x80, s15;
	[tilespmem:s19+$0x40E0] =	vst.add.f32.msk $0xffff, v0;
	s19 =	sshra.s32 s16, $0x2  }
0x184: {  	v0 =	vld [tilespmem:s19+$0x100F0];
	p1 =	slt.u32 s15, $0x780  }
0x185: {  	v1 =	vld [tilespmem:s19+$0x10080]  }
0x186: {  	v2 =	vld [tilespmem:s19+$0x10090]  }
0x187: {  	v3 =	vld [tilespmem:s19+$0x100A0]  }
0x188: {  	v4 =	vld [tilespmem:s19+$0x100B0]  }
0x189: {  	[tilespmem:s19+$0x40F0] =	vst.add.f32.msk $0xffff, v0  }
0x18a: {  	v5 =	vld [tilespmem:s19+$0x100C0]  }
0x18b: {  	v6 =	vld [tilespmem:s19+$0x100D0]  }
0x18c: {  	v0 =	vld [tilespmem:s19+$0x100E0]  }
0x18d: {  	[tilespmem:s19+$0x4080] =	vst.add.f32.msk $0xffff, v1  }
.Ltmp11:
0x18e: {  	[tilespmem:s19+$0x4090] =	vst.add.f32.msk $0xffff, v2;
	(pc) =	sbr.rel @p1 .LBB2_21-.Ltmp11, $4  }
0x18f: {  	[tilespmem:s19+$0x40A0] =	vst.add.f32.msk $0xffff, v3  }
0x190: {  	[tilespmem:s19+$0x40B0] =	vst.add.f32.msk $0xffff, v4  }
0x191: {  	[tilespmem:s19+$0x40C0] =	vst.add.f32.msk $0xffff, v5  }
0x192: {  	s16 =	sadd.s32 $0x800, s16;
	[tilespmem:s19+$0x40D0] =	vst.add.f32.msk $0xffff, v6  }
0x193: {  	[tilespmem:s19+$0x40E0] =	vst.add.f32.msk $0xffff, v0;
	s19 =	simm.s32 $0x0  }
0x194: {  	v0 =	vld [tilespmem:s19+$0x10170]  }
0x195: {  	v1 =	vld [tilespmem:s19+$0x10100]  }
0x196: {  	v2 =	vld [tilespmem:s19+$0x10110]  }
0x197: {  	v3 =	vld [tilespmem:s19+$0x10120]  }
0x198: {  	v4 =	vld [tilespmem:s19+$0x10130]  }
0x199: {  	v5 =	vld [tilespmem:s19+$0x10140]  }
0x19a: {  	v6 =	vld [tilespmem:s19+$0x10150]  }
0x19b: {  	[tilespmem:s19+$0x4170] =	vst.add.f32.msk $0xffff, v0  }
0x19c: {  	v0 =	vld [tilespmem:s19+$0x10160]  }
0x19d: {  	[tilespmem:s19+$0x4100] =	vst.add.f32.msk $0xffff, v1  }
0x19e: {  	[tilespmem:s19+$0x4110] =	vst.add.f32.msk $0xffff, v2  }
0x19f: {  	[tilespmem:s19+$0x4120] =	vst.add.f32.msk $0xffff, v3  }
0x1a0: {  	[tilespmem:s19+$0x4130] =	vst.add.f32.msk $0xffff, v4  }
0x1a1: {  	[tilespmem:s19+$0x4140] =	vst.add.f32.msk $0xffff, v5  }
0x1a2: {  	s15 =	simm.s32 $0x0;
	s16 =	simm.s32 $0x800;
	[tilespmem:s19+$0x4150] =	vst.add.f32.msk $0xffff, v6  }
.LBB2_23:
0x1a3: {  	s15 =	sadd.s32 $0x80, s15;
	[tilespmem:s19+$0x4160] =	vst.add.f32.msk $0xffff, v0;
	s19 =	sshra.s32 s16, $0x2  }
0x1a4: {  	v0 =	vld [tilespmem:s19+$0x10170];
	p1 =	slt.u32 s15, $0x780  }
0x1a5: {  	v1 =	vld [tilespmem:s19+$0x10100]  }
0x1a6: {  	v2 =	vld [tilespmem:s19+$0x10110]  }
0x1a7: {  	v3 =	vld [tilespmem:s19+$0x10120]  }
0x1a8: {  	v4 =	vld [tilespmem:s19+$0x10130]  }
0x1a9: {  	[tilespmem:s19+$0x4170] =	vst.add.f32.msk $0xffff, v0  }
0x1aa: {  	v5 =	vld [tilespmem:s19+$0x10140]  }
0x1ab: {  	v6 =	vld [tilespmem:s19+$0x10150]  }
0x1ac: {  	v0 =	vld [tilespmem:s19+$0x10160]  }
0x1ad: {  	[tilespmem:s19+$0x4100] =	vst.add.f32.msk $0xffff, v1  }
.Ltmp12:
0x1ae: {  	[tilespmem:s19+$0x4110] =	vst.add.f32.msk $0xffff, v2;
	(pc) =	sbr.rel @p1 .LBB2_23-.Ltmp12, $4  }
0x1af: {  	[tilespmem:s19+$0x4120] =	vst.add.f32.msk $0xffff, v3  }
0x1b0: {  	[tilespmem:s19+$0x4130] =	vst.add.f32.msk $0xffff, v4  }
0x1b1: {  	[tilespmem:s19+$0x4140] =	vst.add.f32.msk $0xffff, v5  }
0x1b2: {  	s16 =	sadd.s32 $0x800, s16;
	[tilespmem:s19+$0x4150] =	vst.add.f32.msk $0xffff, v6  }
0x1b3: {  	[tilespmem:s19+$0x4160] =	vst.add.f32.msk $0xffff, v0;
	s19 =	simm.s32 $0x0  }
0x1b4: {  	v0 =	vld [tilespmem:s19+$0x101F0]  }
0x1b5: {  	v1 =	vld [tilespmem:s19+$0x10180]  }
0x1b6: {  	v2 =	vld [tilespmem:s19+$0x10190]  }
0x1b7: {  	v3 =	vld [tilespmem:s19+$0x101A0]  }
0x1b8: {  	v4 =	vld [tilespmem:s19+$0x101B0]  }
0x1b9: {  	v5 =	vld [tilespmem:s19+$0x101C0]  }
0x1ba: {  	v6 =	vld [tilespmem:s19+$0x101D0]  }
0x1bb: {  	[tilespmem:s19+$0x41F0] =	vst.add.f32.msk $0xffff, v0  }
0x1bc: {  	v0 =	vld [tilespmem:s19+$0x101E0]  }
0x1bd: {  	[tilespmem:s19+$0x4180] =	vst.add.f32.msk $0xffff, v1  }
0x1be: {  	[tilespmem:s19+$0x4190] =	vst.add.f32.msk $0xffff, v2  }
0x1bf: {  	[tilespmem:s19+$0x41A0] =	vst.add.f32.msk $0xffff, v3  }
0x1c0: {  	[tilespmem:s19+$0x41B0] =	vst.add.f32.msk $0xffff, v4  }
0x1c1: {  	[tilespmem:s19+$0x41C0] =	vst.add.f32.msk $0xffff, v5  }
0x1c2: {  	s15 =	simm.s32 $0x0;
	s16 =	simm.s32 $0x800;
	[tilespmem:s19+$0x41D0] =	vst.add.f32.msk $0xffff, v6  }
.LBB2_25:
0x1c3: {  	s15 =	sadd.s32 $0x80, s15;
	[tilespmem:s19+$0x41E0] =	vst.add.f32.msk $0xffff, v0;
	s19 =	sshra.s32 s16, $0x2  }
0x1c4: {  	v0 =	vld [tilespmem:s19+$0x101F0];
	p1 =	slt.u32 s15, $0x780  }
0x1c5: {  	v1 =	vld [tilespmem:s19+$0x10180]  }
0x1c6: {  	v2 =	vld [tilespmem:s19+$0x10190]  }
0x1c7: {  	v3 =	vld [tilespmem:s19+$0x101A0]  }
0x1c8: {  	v4 =	vld [tilespmem:s19+$0x101B0]  }
0x1c9: {  	[tilespmem:s19+$0x41F0] =	vst.add.f32.msk $0xffff, v0  }
0x1ca: {  	v5 =	vld [tilespmem:s19+$0x101C0]  }
0x1cb: {  	v6 =	vld [tilespmem:s19+$0x101D0]  }
0x1cc: {  	v0 =	vld [tilespmem:s19+$0x101E0]  }
0x1cd: {  	[tilespmem:s19+$0x4180] =	vst.add.f32.msk $0xffff, v1  }
.Ltmp13:
0x1ce: {  	[tilespmem:s19+$0x4190] =	vst.add.f32.msk $0xffff, v2;
	(pc) =	sbr.rel @p1 .LBB2_25-.Ltmp13, $4  }
0x1cf: {  	[tilespmem:s19+$0x41A0] =	vst.add.f32.msk $0xffff, v3  }
0x1d0: {  	[tilespmem:s19+$0x41B0] =	vst.add.f32.msk $0xffff, v4  }
0x1d1: {  	[tilespmem:s19+$0x41C0] =	vst.add.f32.msk $0xffff, v5  }
0x1d2: {  	s16 =	sadd.s32 $0x800, s16;
	[tilespmem:s19+$0x41D0] =	vst.add.f32.msk $0xffff, v6  }
0x1d3: {  	[tilespmem:s19+$0x41E0] =	vst.add.f32.msk $0xffff, v0  }
0x1d4: {  	s15 =	rddreg [dreg:$0xa]  }
0x1d5: {  	s16 =	simm.s32 $0x4000;
	s15 =	sadd.s32 s25, s15  }
0x1d6: {  	[hbm4b:s15+s21] =	stream.strided.scatter [tilespmem:s16], [sflag:$0xB], $0x2000, s22, s21, $0x38;
	[tilespmem:$0x14000] =	vst v63  }
0x1d7: {  	s15 =	simm.s32 @!p0 $0x10  }
0x1d8: {  	_ =	swait.ge @!p0 [sflag:s15], $0x2000  }
0x1d9: {  	s19 =	sor.u32 $0x300040, s25;
	[sflag:s15] =	ssyncset.done @!p0 $0x0  }
0x1da: {  	s30 =	sadd.s32 s1, s19;
	[sflag:s15] =	ssyncadd.s32 @!p0 $0xFFFFE000  }
0x1db: {  	[tilespmem:s9], [sflag:$0x8] =	stream.strided.gather [hbm4b:s30+s21], $0x2000, s22, s21, $0x38;
	[tilespmem:$0x14000] =	vst v63  }
0x1dc: {  	_ =	swait.ge [sflag:s10], $0x2000  }
0x1dd: {  	[sflag:s10] =	ssyncset.done $0x0  }
0x1de: {  	s15 =	simm.s32 $0x0;
	[sflag:s10] =	ssyncadd.s32 $0xFFFFE000  }
0x1df: {  	v0 =	vld [tilespmem:s15+$0x10070]  }
0x1e0: {  	v1 =	vld [tilespmem:s15+$0x10000]  }
0x1e1: {  	v2 =	vld [tilespmem:s15+$0x10010]  }
0x1e2: {  	v3 =	vld [tilespmem:s15+$0x10020]  }
0x1e3: {  	v4 =	vld [tilespmem:s15+$0x10030]  }
0x1e4: {  	v5 =	vld [tilespmem:s15+$0x10040]  }
0x1e5: {  	v6 =	vld [tilespmem:s15+$0x10050]  }
0x1e6: {  	[tilespmem:s15+$0x6070] =	vst.add.f32.msk $0xffff, v0  }
0x1e7: {  	v0 =	vld [tilespmem:s15+$0x10060]  }
0x1e8: {  	[tilespmem:s15+$0x6000] =	vst.add.f32.msk $0xffff, v1  }
0x1e9: {  	[tilespmem:s15+$0x6010] =	vst.add.f32.msk $0xffff, v2  }
0x1ea: {  	[tilespmem:s15+$0x6020] =	vst.add.f32.msk $0xffff, v3  }
0x1eb: {  	[tilespmem:s15+$0x6030] =	vst.add.f32.msk $0xffff, v4  }
0x1ec: {  	[tilespmem:s15+$0x6040] =	vst.add.f32.msk $0xffff, v5  }
0x1ed: {  	s17 =	simm.s32 $0x800;
	s16 =	simm.s32 $0x0;
	[tilespmem:s15+$0x6050] =	vst.add.f32.msk $0xffff, v6  }
.LBB2_27:
0x1ee: {  	s16 =	sadd.s32 $0x80, s16;
	[tilespmem:s15+$0x6060] =	vst.add.f32.msk $0xffff, v0;
	s15 =	sshra.s32 s17, $0x2  }
0x1ef: {  	v0 =	vld [tilespmem:s15+$0x10070];
	p0 =	slt.u32 s16, $0x780  }
0x1f0: {  	v1 =	vld [tilespmem:s15+$0x10000]  }
0x1f1: {  	v2 =	vld [tilespmem:s15+$0x10010]  }
0x1f2: {  	v3 =	vld [tilespmem:s15+$0x10020]  }
0x1f3: {  	v4 =	vld [tilespmem:s15+$0x10030]  }
0x1f4: {  	[tilespmem:s15+$0x6070] =	vst.add.f32.msk $0xffff, v0  }
0x1f5: {  	v5 =	vld [tilespmem:s15+$0x10040]  }
0x1f6: {  	v6 =	vld [tilespmem:s15+$0x10050]  }
0x1f7: {  	v0 =	vld [tilespmem:s15+$0x10060]  }
0x1f8: {  	[tilespmem:s15+$0x6000] =	vst.add.f32.msk $0xffff, v1  }
.Ltmp14:
0x1f9: {  	[tilespmem:s15+$0x6010] =	vst.add.f32.msk $0xffff, v2;
	(pc) =	sbr.rel @p0 .LBB2_27-.Ltmp14, $4  }
0x1fa: {  	[tilespmem:s15+$0x6020] =	vst.add.f32.msk $0xffff, v3  }
0x1fb: {  	[tilespmem:s15+$0x6030] =	vst.add.f32.msk $0xffff, v4  }
0x1fc: {  	[tilespmem:s15+$0x6040] =	vst.add.f32.msk $0xffff, v5  }
0x1fd: {  	s17 =	sadd.s32 $0x800, s17;
	[tilespmem:s15+$0x6050] =	vst.add.f32.msk $0xffff, v6  }
0x1fe: {  	[tilespmem:s15+$0x6060] =	vst.add.f32.msk $0xffff, v0;
	s15 =	simm.s32 $0x0  }
0x1ff: {  	v0 =	vld [tilespmem:s15+$0x100F0]  }
0x200: {  	v1 =	vld [tilespmem:s15+$0x10080]  }
0x201: {  	v2 =	vld [tilespmem:s15+$0x10090]  }
0x202: {  	v3 =	vld [tilespmem:s15+$0x100A0]  }
0x203: {  	v4 =	vld [tilespmem:s15+$0x100B0]  }
0x204: {  	v5 =	vld [tilespmem:s15+$0x100C0]  }
0x205: {  	v6 =	vld [tilespmem:s15+$0x100D0]  }
0x206: {  	[tilespmem:s15+$0x60F0] =	vst.add.f32.msk $0xffff, v0  }
0x207: {  	v0 =	vld [tilespmem:s15+$0x100E0]  }
0x208: {  	[tilespmem:s15+$0x6080] =	vst.add.f32.msk $0xffff, v1  }
0x209: {  	[tilespmem:s15+$0x6090] =	vst.add.f32.msk $0xffff, v2  }
0x20a: {  	[tilespmem:s15+$0x60A0] =	vst.add.f32.msk $0xffff, v3  }
0x20b: {  	[tilespmem:s15+$0x60B0] =	vst.add.f32.msk $0xffff, v4  }
0x20c: {  	[tilespmem:s15+$0x60C0] =	vst.add.f32.msk $0xffff, v5  }
0x20d: {  	s16 =	simm.s32 $0x0;
	s17 =	simm.s32 $0x800;
	[tilespmem:s15+$0x60D0] =	vst.add.f32.msk $0xffff, v6  }
.LBB2_29:
0x20e: {  	s16 =	sadd.s32 $0x80, s16;
	[tilespmem:s15+$0x60E0] =	vst.add.f32.msk $0xffff, v0;
	s15 =	sshra.s32 s17, $0x2  }
0x20f: {  	v0 =	vld [tilespmem:s15+$0x100F0];
	p0 =	slt.u32 s16, $0x780  }
0x210: {  	v1 =	vld [tilespmem:s15+$0x10080]  }
0x211: {  	v2 =	vld [tilespmem:s15+$0x10090]  }
0x212: {  	v3 =	vld [tilespmem:s15+$0x100A0]  }
0x213: {  	v4 =	vld [tilespmem:s15+$0x100B0]  }
0x214: {  	[tilespmem:s15+$0x60F0] =	vst.add.f32.msk $0xffff, v0  }
0x215: {  	v5 =	vld [tilespmem:s15+$0x100C0]  }
0x216: {  	v6 =	vld [tilespmem:s15+$0x100D0]  }
0x217: {  	v0 =	vld [tilespmem:s15+$0x100E0]  }
0x218: {  	[tilespmem:s15+$0x6080] =	vst.add.f32.msk $0xffff, v1  }
.Ltmp15:
0x219: {  	[tilespmem:s15+$0x6090] =	vst.add.f32.msk $0xffff, v2;
	(pc) =	sbr.rel @p0 .LBB2_29-.Ltmp15, $4  }
0x21a: {  	[tilespmem:s15+$0x60A0] =	vst.add.f32.msk $0xffff, v3  }
0x21b: {  	[tilespmem:s15+$0x60B0] =	vst.add.f32.msk $0xffff, v4  }
0x21c: {  	[tilespmem:s15+$0x60C0] =	vst.add.f32.msk $0xffff, v5  }
0x21d: {  	s17 =	sadd.s32 $0x800, s17;
	[tilespmem:s15+$0x60D0] =	vst.add.f32.msk $0xffff, v6  }
0x21e: {  	[tilespmem:s15+$0x60E0] =	vst.add.f32.msk $0xffff, v0;
	s15 =	simm.s32 $0x0  }
0x21f: {  	v0 =	vld [tilespmem:s15+$0x10170]  }
0x220: {  	v1 =	vld [tilespmem:s15+$0x10100]  }
0x221: {  	v2 =	vld [tilespmem:s15+$0x10110]  }
0x222: {  	v3 =	vld [tilespmem:s15+$0x10120]  }
0x223: {  	v4 =	vld [tilespmem:s15+$0x10130]  }
0x224: {  	v5 =	vld [tilespmem:s15+$0x10140]  }
0x225: {  	v6 =	vld [tilespmem:s15+$0x10150]  }
0x226: {  	[tilespmem:s15+$0x6170] =	vst.add.f32.msk $0xffff, v0  }
0x227: {  	v0 =	vld [tilespmem:s15+$0x10160]  }
0x228: {  	[tilespmem:s15+$0x6100] =	vst.add.f32.msk $0xffff, v1  }
0x229: {  	[tilespmem:s15+$0x6110] =	vst.add.f32.msk $0xffff, v2  }
0x22a: {  	[tilespmem:s15+$0x6120] =	vst.add.f32.msk $0xffff, v3  }
0x22b: {  	[tilespmem:s15+$0x6130] =	vst.add.f32.msk $0xffff, v4  }
0x22c: {  	[tilespmem:s15+$0x6140] =	vst.add.f32.msk $0xffff, v5  }
0x22d: {  	s16 =	simm.s32 $0x0;
	s17 =	simm.s32 $0x800;
	[tilespmem:s15+$0x6150] =	vst.add.f32.msk $0xffff, v6  }
.LBB2_31:
0x22e: {  	s16 =	sadd.s32 $0x80, s16;
	[tilespmem:s15+$0x6160] =	vst.add.f32.msk $0xffff, v0;
	s15 =	sshra.s32 s17, $0x2  }
0x22f: {  	v0 =	vld [tilespmem:s15+$0x10170];
	p0 =	slt.u32 s16, $0x780  }
0x230: {  	v1 =	vld [tilespmem:s15+$0x10100]  }
0x231: {  	v2 =	vld [tilespmem:s15+$0x10110]  }
0x232: {  	v3 =	vld [tilespmem:s15+$0x10120]  }
0x233: {  	v4 =	vld [tilespmem:s15+$0x10130]  }
0x234: {  	[tilespmem:s15+$0x6170] =	vst.add.f32.msk $0xffff, v0  }
0x235: {  	v5 =	vld [tilespmem:s15+$0x10140]  }
0x236: {  	v6 =	vld [tilespmem:s15+$0x10150]  }
0x237: {  	v0 =	vld [tilespmem:s15+$0x10160]  }
0x238: {  	[tilespmem:s15+$0x6100] =	vst.add.f32.msk $0xffff, v1  }
.Ltmp16:
0x239: {  	[tilespmem:s15+$0x6110] =	vst.add.f32.msk $0xffff, v2;
	(pc) =	sbr.rel @p0 .LBB2_31-.Ltmp16, $4  }
0x23a: {  	[tilespmem:s15+$0x6120] =	vst.add.f32.msk $0xffff, v3  }
0x23b: {  	[tilespmem:s15+$0x6130] =	vst.add.f32.msk $0xffff, v4  }
0x23c: {  	[tilespmem:s15+$0x6140] =	vst.add.f32.msk $0xffff, v5  }
0x23d: {  	s17 =	sadd.s32 $0x800, s17;
	[tilespmem:s15+$0x6150] =	vst.add.f32.msk $0xffff, v6  }
0x23e: {  	[tilespmem:s15+$0x6160] =	vst.add.f32.msk $0xffff, v0;
	s15 =	simm.s32 $0x0  }
0x23f: {  	v0 =	vld [tilespmem:s15+$0x101F0]  }
0x240: {  	v1 =	vld [tilespmem:s15+$0x10180]  }
0x241: {  	v2 =	vld [tilespmem:s15+$0x10190]  }
0x242: {  	v3 =	vld [tilespmem:s15+$0x101A0]  }
0x243: {  	v4 =	vld [tilespmem:s15+$0x101B0]  }
0x244: {  	v5 =	vld [tilespmem:s15+$0x101C0]  }
0x245: {  	v6 =	vld [tilespmem:s15+$0x101D0]  }
0x246: {  	[tilespmem:s15+$0x61F0] =	vst.add.f32.msk $0xffff, v0  }
0x247: {  	v0 =	vld [tilespmem:s15+$0x101E0]  }
0x248: {  	[tilespmem:s15+$0x6180] =	vst.add.f32.msk $0xffff, v1  }
0x249: {  	[tilespmem:s15+$0x6190] =	vst.add.f32.msk $0xffff, v2  }
0x24a: {  	[tilespmem:s15+$0x61A0] =	vst.add.f32.msk $0xffff, v3  }
0x24b: {  	[tilespmem:s15+$0x61B0] =	vst.add.f32.msk $0xffff, v4  }
0x24c: {  	[tilespmem:s15+$0x61C0] =	vst.add.f32.msk $0xffff, v5  }
0x24d: {  	s16 =	simm.s32 $0x0;
	s17 =	simm.s32 $0x800;
	[tilespmem:s15+$0x61D0] =	vst.add.f32.msk $0xffff, v6  }
.LBB2_33:
0x24e: {  	s16 =	sadd.s32 $0x80, s16;
	[tilespmem:s15+$0x61E0] =	vst.add.f32.msk $0xffff, v0;
	s15 =	sshra.s32 s17, $0x2  }
0x24f: {  	v0 =	vld [tilespmem:s15+$0x101F0];
	p0 =	slt.u32 s16, $0x780  }
0x250: {  	v1 =	vld [tilespmem:s15+$0x10180]  }
0x251: {  	v2 =	vld [tilespmem:s15+$0x10190]  }
0x252: {  	v3 =	vld [tilespmem:s15+$0x101A0]  }
0x253: {  	v4 =	vld [tilespmem:s15+$0x101B0]  }
0x254: {  	[tilespmem:s15+$0x61F0] =	vst.add.f32.msk $0xffff, v0  }
0x255: {  	v5 =	vld [tilespmem:s15+$0x101C0]  }
0x256: {  	v6 =	vld [tilespmem:s15+$0x101D0]  }
0x257: {  	v0 =	vld [tilespmem:s15+$0x101E0]  }
0x258: {  	[tilespmem:s15+$0x6180] =	vst.add.f32.msk $0xffff, v1  }
.Ltmp17:
0x259: {  	[tilespmem:s15+$0x6190] =	vst.add.f32.msk $0xffff, v2;
	(pc) =	sbr.rel @p0 .LBB2_33-.Ltmp17, $4  }
0x25a: {  	[tilespmem:s15+$0x61A0] =	vst.add.f32.msk $0xffff, v3  }
0x25b: {  	[tilespmem:s15+$0x61B0] =	vst.add.f32.msk $0xffff, v4  }
0x25c: {  	[tilespmem:s15+$0x61C0] =	vst.add.f32.msk $0xffff, v5  }
0x25d: {  	s17 =	sadd.s32 $0x800, s17;
	[tilespmem:s15+$0x61D0] =	vst.add.f32.msk $0xffff, v6  }
0x25e: {  	[tilespmem:s15+$0x61E0] =	vst.add.f32.msk $0xffff, v0  }
0x25f: {  	s15 =	rddreg [dreg:$0xe]  }
0x260: {  	s16 =	simm.s32 $0x6000;
	s15 =	sadd.s32 s25, s15  }
0x261: {  	[hbm4b:s15+s21] =	stream.strided.scatter [tilespmem:s16], [sflag:$0xC], $0x2000, s22, s21, $0x38;
	[tilespmem:$0x14000] =	vst v63  }
0x262: {  	_ =	swait.ge [sflag:s14], $0x2000  }
0x263: {  	p0 =	seq.s32 s24, $0xF;
	[sflag:s14] =	ssyncset.done $0x0  }
0x264: {  	s15 =	simm.s32 @p0 $0x9;
	[sflag:s14] =	ssyncadd.s32 $0xFFFFE000  }
0x265: {  	_ =	swait.ge @p0 [sflag:s15], $0x2000  }
0x266: {  	[sflag:s15] =	ssyncset.done @p0 $0x0  }
0x267: {  	[sflag:s15] =	ssyncadd.s32 @p0 $0xFFFFE000  }
0x268: {  	s17 =	simm.s32 @!p0 $0x200;
	s16 =	sadd.s32 @!p0 $0x800, s25;
	s15 =	rddreg [dreg:$0x1]  }
0x269: {  	s18 =	simm.s32 @!p0 $0x400;
	s30 =	simm.s32 @!p0 $0x10000;
	s15 =	sadd.s32 @!p0 s15, s16  }
0x26a: {  	[tilespmem:s30], [sflag:$0x11] =	stream.strided.gather @!p0 [hbm4b:s15+s17], $0x2000, s18, s17, $0x38;
	[tilespmem:$0x14000] =	vst v63  }
0x26b: {  	s15 =	simm.s32 @!p0 $0x9  }
0x26c: {  	_ =	swait.ge @!p0 [sflag:s15], $0x2000  }
0x26d: {  	[sflag:s15] =	ssyncset.done @!p0 $0x0  }
0x26e: {  	[sflag:s15] =	ssyncadd.s32 @!p0 $0xFFFFE000;
	s15 =	sadd.s32 @!p0 s1, s16;
	s16 =	simm.s32 @!p0 $0x0  }
0x26f: {  	[tilespmem:s16], [sflag:$0x1] =	stream.strided.gather @!p0 [hbm4b:s15+s17], $0x2000, s18, s17, $0x38;
	[tilespmem:$0x14000] =	vst v63  }
0x270: {  	_ =	swait.ge [sflag:s20], $0x2000  }
0x271: {  	[sflag:s20] =	ssyncset.done $0x0  }
0x272: {  	s15 =	simm.s32 $0x0;
	[sflag:s20] =	ssyncadd.s32 $0xFFFFE000  }
0x273: {  	v0 =	vld [tilespmem:s15+$0x12070]  }
0x274: {  	v1 =	vld [tilespmem:s15+$0x12000]  }
0x275: {  	v2 =	vld [tilespmem:s15+$0x12010]  }
0x276: {  	v3 =	vld [tilespmem:s15+$0x12020]  }
0x277: {  	v4 =	vld [tilespmem:s15+$0x12030]  }
0x278: {  	v5 =	vld [tilespmem:s15+$0x12040]  }
0x279: {  	v6 =	vld [tilespmem:s15+$0x12050]  }
0x27a: {  	[tilespmem:s15+$0x8070] =	vst.add.f32.msk $0xffff, v0  }
0x27b: {  	v0 =	vld [tilespmem:s15+$0x12060]  }
0x27c: {  	[tilespmem:s15+$0x8000] =	vst.add.f32.msk $0xffff, v1  }
0x27d: {  	[tilespmem:s15+$0x8010] =	vst.add.f32.msk $0xffff, v2  }
0x27e: {  	[tilespmem:s15+$0x8020] =	vst.add.f32.msk $0xffff, v3  }
0x27f: {  	[tilespmem:s15+$0x8030] =	vst.add.f32.msk $0xffff, v4  }
0x280: {  	[tilespmem:s15+$0x8040] =	vst.add.f32.msk $0xffff, v5  }
0x281: {  	s16 =	simm.s32 $0x0;
	s17 =	simm.s32 $0x800;
	[tilespmem:s15+$0x8050] =	vst.add.f32.msk $0xffff, v6  }
.LBB2_35:
0x282: {  	s16 =	sadd.s32 $0x80, s16;
	[tilespmem:s15+$0x8060] =	vst.add.f32.msk $0xffff, v0;
	s15 =	sshra.s32 s17, $0x2  }
0x283: {  	v0 =	vld [tilespmem:s15+$0x12070];
	p1 =	slt.u32 s16, $0x780  }
0x284: {  	v1 =	vld [tilespmem:s15+$0x12000]  }
0x285: {  	v2 =	vld [tilespmem:s15+$0x12010]  }
0x286: {  	v3 =	vld [tilespmem:s15+$0x12020]  }
0x287: {  	v4 =	vld [tilespmem:s15+$0x12030]  }
0x288: {  	[tilespmem:s15+$0x8070] =	vst.add.f32.msk $0xffff, v0  }
0x289: {  	v5 =	vld [tilespmem:s15+$0x12040]  }
0x28a: {  	v6 =	vld [tilespmem:s15+$0x12050]  }
0x28b: {  	v0 =	vld [tilespmem:s15+$0x12060]  }
0x28c: {  	[tilespmem:s15+$0x8000] =	vst.add.f32.msk $0xffff, v1  }
.Ltmp18:
0x28d: {  	[tilespmem:s15+$0x8010] =	vst.add.f32.msk $0xffff, v2;
	(pc) =	sbr.rel @p1 .LBB2_35-.Ltmp18, $4  }
0x28e: {  	[tilespmem:s15+$0x8020] =	vst.add.f32.msk $0xffff, v3  }
0x28f: {  	[tilespmem:s15+$0x8030] =	vst.add.f32.msk $0xffff, v4  }
0x290: {  	[tilespmem:s15+$0x8040] =	vst.add.f32.msk $0xffff, v5  }
0x291: {  	s17 =	sadd.s32 $0x800, s17;
	[tilespmem:s15+$0x8050] =	vst.add.f32.msk $0xffff, v6  }
0x292: {  	[tilespmem:s15+$0x8060] =	vst.add.f32.msk $0xffff, v0;
	s15 =	simm.s32 $0x0  }
0x293: {  	v0 =	vld [tilespmem:s15+$0x120F0]  }
0x294: {  	v1 =	vld [tilespmem:s15+$0x12080]  }
0x295: {  	v2 =	vld [tilespmem:s15+$0x12090]  }
0x296: {  	v3 =	vld [tilespmem:s15+$0x120A0]  }
0x297: {  	v4 =	vld [tilespmem:s15+$0x120B0]  }
0x298: {  	v5 =	vld [tilespmem:s15+$0x120C0]  }
0x299: {  	v6 =	vld [tilespmem:s15+$0x120D0]  }
0x29a: {  	[tilespmem:s15+$0x80F0] =	vst.add.f32.msk $0xffff, v0  }
0x29b: {  	v0 =	vld [tilespmem:s15+$0x120E0]  }
0x29c: {  	[tilespmem:s15+$0x8080] =	vst.add.f32.msk $0xffff, v1  }
0x29d: {  	[tilespmem:s15+$0x8090] =	vst.add.f32.msk $0xffff, v2  }
0x29e: {  	[tilespmem:s15+$0x80A0] =	vst.add.f32.msk $0xffff, v3  }
0x29f: {  	[tilespmem:s15+$0x80B0] =	vst.add.f32.msk $0xffff, v4  }
0x2a0: {  	[tilespmem:s15+$0x80C0] =	vst.add.f32.msk $0xffff, v5  }
0x2a1: {  	s16 =	simm.s32 $0x0;
	s17 =	simm.s32 $0x800;
	s18 =	simm.s32 $0x8000;
	[tilespmem:s15+$0x80D0] =	vst.add.f32.msk $0xffff, v6  }
.LBB2_37:
0x2a2: {  	s16 =	sadd.s32 $0x80, s16;
	[tilespmem:s15+$0x80E0] =	vst.add.f32.msk $0xffff, v0;
	s15 =	sshra.s32 s17, $0x2  }
0x2a3: {  	v0 =	vld [tilespmem:s15+$0x120F0];
	p1 =	slt.u32 s16, $0x780  }
0x2a4: {  	v1 =	vld [tilespmem:s15+$0x12080]  }
0x2a5: {  	v2 =	vld [tilespmem:s15+$0x12090]  }
0x2a6: {  	v3 =	vld [tilespmem:s15+$0x120A0]  }
0x2a7: {  	v4 =	vld [tilespmem:s15+$0x120B0]  }
0x2a8: {  	[tilespmem:s15+$0x80F0] =	vst.add.f32.msk $0xffff, v0  }
0x2a9: {  	v5 =	vld [tilespmem:s15+$0x120C0]  }
0x2aa: {  	v6 =	vld [tilespmem:s15+$0x120D0]  }
0x2ab: {  	v0 =	vld [tilespmem:s15+$0x120E0]  }
0x2ac: {  	[tilespmem:s15+$0x8080] =	vst.add.f32.msk $0xffff, v1  }
.Ltmp19:
0x2ad: {  	[tilespmem:s15+$0x8090] =	vst.add.f32.msk $0xffff, v2;
	(pc) =	sbr.rel @p1 .LBB2_37-.Ltmp19, $4  }
0x2ae: {  	[tilespmem:s15+$0x80A0] =	vst.add.f32.msk $0xffff, v3  }
0x2af: {  	[tilespmem:s15+$0x80B0] =	vst.add.f32.msk $0xffff, v4  }
0x2b0: {  	[tilespmem:s15+$0x80C0] =	vst.add.f32.msk $0xffff, v5  }
0x2b1: {  	s17 =	sadd.s32 $0x800, s17;
	[tilespmem:s15+$0x80D0] =	vst.add.f32.msk $0xffff, v6  }
0x2b2: {  	[tilespmem:s15+$0x80E0] =	vst.add.f32.msk $0xffff, v0;
	s15 =	simm.s32 $0x0  }
0x2b3: {  	v0 =	vld [tilespmem:s15+$0x12170]  }
0x2b4: {  	v1 =	vld [tilespmem:s15+$0x12100]  }
0x2b5: {  	v2 =	vld [tilespmem:s15+$0x12110]  }
0x2b6: {  	v3 =	vld [tilespmem:s15+$0x12120]  }
0x2b7: {  	v4 =	vld [tilespmem:s15+$0x12130]  }
0x2b8: {  	v5 =	vld [tilespmem:s15+$0x12140]  }
0x2b9: {  	v6 =	vld [tilespmem:s15+$0x12150]  }
0x2ba: {  	[tilespmem:s15+$0x8170] =	vst.add.f32.msk $0xffff, v0  }
0x2bb: {  	v0 =	vld [tilespmem:s15+$0x12160]  }
0x2bc: {  	[tilespmem:s15+$0x8100] =	vst.add.f32.msk $0xffff, v1  }
0x2bd: {  	[tilespmem:s15+$0x8110] =	vst.add.f32.msk $0xffff, v2  }
0x2be: {  	[tilespmem:s15+$0x8120] =	vst.add.f32.msk $0xffff, v3  }
0x2bf: {  	[tilespmem:s15+$0x8130] =	vst.add.f32.msk $0xffff, v4  }
0x2c0: {  	[tilespmem:s15+$0x8140] =	vst.add.f32.msk $0xffff, v5  }
0x2c1: {  	s16 =	simm.s32 $0x0;
	s17 =	simm.s32 $0x800;
	[tilespmem:s15+$0x8150] =	vst.add.f32.msk $0xffff, v6  }
.LBB2_39:
0x2c2: {  	s16 =	sadd.s32 $0x80, s16;
	[tilespmem:s15+$0x8160] =	vst.add.f32.msk $0xffff, v0;
	s15 =	sshra.s32 s17, $0x2  }
0x2c3: {  	v0 =	vld [tilespmem:s15+$0x12170];
	p1 =	slt.u32 s16, $0x780  }
0x2c4: {  	v1 =	vld [tilespmem:s15+$0x12100]  }
0x2c5: {  	v2 =	vld [tilespmem:s15+$0x12110]  }
0x2c6: {  	v3 =	vld [tilespmem:s15+$0x12120]  }
0x2c7: {  	v4 =	vld [tilespmem:s15+$0x12130]  }
0x2c8: {  	[tilespmem:s15+$0x8170] =	vst.add.f32.msk $0xffff, v0  }
0x2c9: {  	v5 =	vld [tilespmem:s15+$0x12140]  }
0x2ca: {  	v6 =	vld [tilespmem:s15+$0x12150]  }
0x2cb: {  	v0 =	vld [tilespmem:s15+$0x12160]  }
0x2cc: {  	[tilespmem:s15+$0x8100] =	vst.add.f32.msk $0xffff, v1  }
.Ltmp20:
0x2cd: {  	[tilespmem:s15+$0x8110] =	vst.add.f32.msk $0xffff, v2;
	(pc) =	sbr.rel @p1 .LBB2_39-.Ltmp20, $4  }
0x2ce: {  	[tilespmem:s15+$0x8120] =	vst.add.f32.msk $0xffff, v3  }
0x2cf: {  	[tilespmem:s15+$0x8130] =	vst.add.f32.msk $0xffff, v4  }
0x2d0: {  	[tilespmem:s15+$0x8140] =	vst.add.f32.msk $0xffff, v5  }
0x2d1: {  	s17 =	sadd.s32 $0x800, s17;
	[tilespmem:s15+$0x8150] =	vst.add.f32.msk $0xffff, v6  }
0x2d2: {  	[tilespmem:s15+$0x8160] =	vst.add.f32.msk $0xffff, v0;
	s15 =	simm.s32 $0x0  }
0x2d3: {  	v0 =	vld [tilespmem:s15+$0x121F0]  }
0x2d4: {  	v1 =	vld [tilespmem:s15+$0x12180]  }
0x2d5: {  	v2 =	vld [tilespmem:s15+$0x12190]  }
0x2d6: {  	v3 =	vld [tilespmem:s15+$0x121A0]  }
0x2d7: {  	v4 =	vld [tilespmem:s15+$0x121B0]  }
0x2d8: {  	v5 =	vld [tilespmem:s15+$0x121C0]  }
0x2d9: {  	v6 =	vld [tilespmem:s15+$0x121D0]  }
0x2da: {  	[tilespmem:s15+$0x81F0] =	vst.add.f32.msk $0xffff, v0  }
0x2db: {  	v0 =	vld [tilespmem:s15+$0x121E0]  }
0x2dc: {  	[tilespmem:s15+$0x8180] =	vst.add.f32.msk $0xffff, v1  }
0x2dd: {  	[tilespmem:s15+$0x8190] =	vst.add.f32.msk $0xffff, v2  }
0x2de: {  	[tilespmem:s15+$0x81A0] =	vst.add.f32.msk $0xffff, v3  }
0x2df: {  	[tilespmem:s15+$0x81B0] =	vst.add.f32.msk $0xffff, v4  }
0x2e0: {  	[tilespmem:s15+$0x81C0] =	vst.add.f32.msk $0xffff, v5  }
0x2e1: {  	s16 =	simm.s32 $0x0;
	s17 =	simm.s32 $0x800;
	[tilespmem:s15+$0x81D0] =	vst.add.f32.msk $0xffff, v6  }
.LBB2_41:
0x2e2: {  	s16 =	sadd.s32 $0x80, s16;
	[tilespmem:s15+$0x81E0] =	vst.add.f32.msk $0xffff, v0;
	s15 =	sshra.s32 s17, $0x2  }
0x2e3: {  	v0 =	vld [tilespmem:s15+$0x121F0];
	p1 =	slt.u32 s16, $0x780  }
0x2e4: {  	v1 =	vld [tilespmem:s15+$0x12180]  }
0x2e5: {  	v2 =	vld [tilespmem:s15+$0x12190]  }
0x2e6: {  	v3 =	vld [tilespmem:s15+$0x121A0]  }
0x2e7: {  	v4 =	vld [tilespmem:s15+$0x121B0]  }
0x2e8: {  	[tilespmem:s15+$0x81F0] =	vst.add.f32.msk $0xffff, v0  }
0x2e9: {  	v5 =	vld [tilespmem:s15+$0x121C0]  }
0x2ea: {  	v6 =	vld [tilespmem:s15+$0x121D0]  }
0x2eb: {  	v0 =	vld [tilespmem:s15+$0x121E0]  }
0x2ec: {  	[tilespmem:s15+$0x8180] =	vst.add.f32.msk $0xffff, v1  }
.Ltmp21:
0x2ed: {  	[tilespmem:s15+$0x8190] =	vst.add.f32.msk $0xffff, v2;
	(pc) =	sbr.rel @p1 .LBB2_41-.Ltmp21, $4  }
0x2ee: {  	[tilespmem:s15+$0x81A0] =	vst.add.f32.msk $0xffff, v3  }
0x2ef: {  	[tilespmem:s15+$0x81B0] =	vst.add.f32.msk $0xffff, v4  }
0x2f0: {  	[tilespmem:s15+$0x81C0] =	vst.add.f32.msk $0xffff, v5  }
0x2f1: {  	s17 =	sadd.s32 $0x800, s17;
	[tilespmem:s15+$0x81D0] =	vst.add.f32.msk $0xffff, v6  }
0x2f2: {  	[tilespmem:s15+$0x81E0] =	vst.add.f32.msk $0xffff, v0;
	s13 =	sadd.s32 s4, s13  }
0x2f3: {  	[hbm4b:s13+s21] =	stream.strided.scatter [tilespmem:s18], [sflag:$0xD], $0x2000, s22, s21, $0x38;
	[tilespmem:$0x14000] =	vst v63  }
0x2f4: {  	s15 =	simm.s32 @!p0 $0x200;
	_ =	swait.ge [sflag:s11], $0x2000  }
0x2f5: {  	s16 =	simm.s32 @!p0 $0x400;
	[sflag:s11] =	ssyncset.done $0x0;
	s13 =	rddreg [dreg:$0xc]  }
0x2f6: {  	s17 =	simm.s32 @!p0 $0x2000;
	[sflag:s11] =	ssyncadd.s32 $0xFFFFE000;
	s13 =	sadd.s32 @!p0 s25, s13  }
0x2f7: {  	[tilespmem:s17], [sflag:$0x2] =	stream.strided.gather @!p0 [hbm4b:s13+s15], $0x2000, s16, s15, $0x38;
	[tilespmem:$0x14000] =	vst v63  }
0x2f8: {  	_ =	swait.ge [sflag:s7], $0x2000  }
0x2f9: {  	[sflag:s7] =	ssyncset.done $0x0  }
0x2fa: {  	s13 =	simm.s32 $0x0;
	[sflag:s7] =	ssyncadd.s32 $0xFFFFE000  }
0x2fb: {  	v0 =	vld [tilespmem:s13+$0x12070]  }
0x2fc: {  	v1 =	vld [tilespmem:s13+$0x12000]  }
0x2fd: {  	v2 =	vld [tilespmem:s13+$0x12010]  }
0x2fe: {  	v3 =	vld [tilespmem:s13+$0x12020]  }
0x2ff: {  	v4 =	vld [tilespmem:s13+$0x12030]  }
0x300: {  	v5 =	vld [tilespmem:s13+$0x12040]  }
0x301: {  	v6 =	vld [tilespmem:s13+$0x12050]  }
0x302: {  	[tilespmem:s13+$0xA070] =	vst.add.f32.msk $0xffff, v0  }
0x303: {  	v0 =	vld [tilespmem:s13+$0x12060]  }
0x304: {  	[tilespmem:s13+$0xA000] =	vst.add.f32.msk $0xffff, v1  }
0x305: {  	[tilespmem:s13+$0xA010] =	vst.add.f32.msk $0xffff, v2  }
0x306: {  	[tilespmem:s13+$0xA020] =	vst.add.f32.msk $0xffff, v3  }
0x307: {  	[tilespmem:s13+$0xA030] =	vst.add.f32.msk $0xffff, v4  }
0x308: {  	[tilespmem:s13+$0xA040] =	vst.add.f32.msk $0xffff, v5  }
0x309: {  	s15 =	simm.s32 $0x0;
	s16 =	simm.s32 $0x800;
	[tilespmem:s13+$0xA050] =	vst.add.f32.msk $0xffff, v6  }
.LBB2_43:
0x30a: {  	s15 =	sadd.s32 $0x80, s15;
	[tilespmem:s13+$0xA060] =	vst.add.f32.msk $0xffff, v0;
	s13 =	sshra.s32 s16, $0x2  }
0x30b: {  	v0 =	vld [tilespmem:s13+$0x12070];
	p1 =	slt.u32 s15, $0x780  }
0x30c: {  	v1 =	vld [tilespmem:s13+$0x12000]  }
0x30d: {  	v2 =	vld [tilespmem:s13+$0x12010]  }
0x30e: {  	v3 =	vld [tilespmem:s13+$0x12020]  }
0x30f: {  	v4 =	vld [tilespmem:s13+$0x12030]  }
0x310: {  	[tilespmem:s13+$0xA070] =	vst.add.f32.msk $0xffff, v0  }
0x311: {  	v5 =	vld [tilespmem:s13+$0x12040]  }
0x312: {  	v6 =	vld [tilespmem:s13+$0x12050]  }
0x313: {  	v0 =	vld [tilespmem:s13+$0x12060]  }
0x314: {  	[tilespmem:s13+$0xA000] =	vst.add.f32.msk $0xffff, v1  }
.Ltmp22:
0x315: {  	[tilespmem:s13+$0xA010] =	vst.add.f32.msk $0xffff, v2;
	(pc) =	sbr.rel @p1 .LBB2_43-.Ltmp22, $4  }
0x316: {  	[tilespmem:s13+$0xA020] =	vst.add.f32.msk $0xffff, v3  }
0x317: {  	[tilespmem:s13+$0xA030] =	vst.add.f32.msk $0xffff, v4  }
0x318: {  	[tilespmem:s13+$0xA040] =	vst.add.f32.msk $0xffff, v5  }
0x319: {  	s16 =	sadd.s32 $0x800, s16;
	[tilespmem:s13+$0xA050] =	vst.add.f32.msk $0xffff, v6  }
0x31a: {  	[tilespmem:s13+$0xA060] =	vst.add.f32.msk $0xffff, v0;
	s13 =	simm.s32 $0x0  }
0x31b: {  	v0 =	vld [tilespmem:s13+$0x120F0]  }
0x31c: {  	v1 =	vld [tilespmem:s13+$0x12080]  }
0x31d: {  	v2 =	vld [tilespmem:s13+$0x12090]  }
0x31e: {  	v3 =	vld [tilespmem:s13+$0x120A0]  }
0x31f: {  	v4 =	vld [tilespmem:s13+$0x120B0]  }
0x320: {  	v5 =	vld [tilespmem:s13+$0x120C0]  }
0x321: {  	v6 =	vld [tilespmem:s13+$0x120D0]  }
0x322: {  	[tilespmem:s13+$0xA0F0] =	vst.add.f32.msk $0xffff, v0  }
0x323: {  	v0 =	vld [tilespmem:s13+$0x120E0]  }
0x324: {  	[tilespmem:s13+$0xA080] =	vst.add.f32.msk $0xffff, v1  }
0x325: {  	[tilespmem:s13+$0xA090] =	vst.add.f32.msk $0xffff, v2  }
0x326: {  	[tilespmem:s13+$0xA0A0] =	vst.add.f32.msk $0xffff, v3  }
0x327: {  	[tilespmem:s13+$0xA0B0] =	vst.add.f32.msk $0xffff, v4  }
0x328: {  	[tilespmem:s13+$0xA0C0] =	vst.add.f32.msk $0xffff, v5  }
0x329: {  	s15 =	simm.s32 $0x0;
	s16 =	simm.s32 $0x800;
	s17 =	simm.s32 $0xA000;
	[tilespmem:s13+$0xA0D0] =	vst.add.f32.msk $0xffff, v6  }
.LBB2_45:
0x32a: {  	s15 =	sadd.s32 $0x80, s15;
	[tilespmem:s13+$0xA0E0] =	vst.add.f32.msk $0xffff, v0;
	s13 =	sshra.s32 s16, $0x2  }
0x32b: {  	v0 =	vld [tilespmem:s13+$0x120F0];
	p1 =	slt.u32 s15, $0x780  }
0x32c: {  	v1 =	vld [tilespmem:s13+$0x12080]  }
0x32d: {  	v2 =	vld [tilespmem:s13+$0x12090]  }
0x32e: {  	v3 =	vld [tilespmem:s13+$0x120A0]  }
0x32f: {  	v4 =	vld [tilespmem:s13+$0x120B0]  }
0x330: {  	[tilespmem:s13+$0xA0F0] =	vst.add.f32.msk $0xffff, v0  }
0x331: {  	v5 =	vld [tilespmem:s13+$0x120C0]  }
0x332: {  	v6 =	vld [tilespmem:s13+$0x120D0]  }
0x333: {  	v0 =	vld [tilespmem:s13+$0x120E0]  }
0x334: {  	[tilespmem:s13+$0xA080] =	vst.add.f32.msk $0xffff, v1  }
.Ltmp23:
0x335: {  	[tilespmem:s13+$0xA090] =	vst.add.f32.msk $0xffff, v2;
	(pc) =	sbr.rel @p1 .LBB2_45-.Ltmp23, $4  }
0x336: {  	[tilespmem:s13+$0xA0A0] =	vst.add.f32.msk $0xffff, v3  }
0x337: {  	[tilespmem:s13+$0xA0B0] =	vst.add.f32.msk $0xffff, v4  }
0x338: {  	[tilespmem:s13+$0xA0C0] =	vst.add.f32.msk $0xffff, v5  }
0x339: {  	s16 =	sadd.s32 $0x800, s16;
	[tilespmem:s13+$0xA0D0] =	vst.add.f32.msk $0xffff, v6  }
0x33a: {  	[tilespmem:s13+$0xA0E0] =	vst.add.f32.msk $0xffff, v0;
	s13 =	simm.s32 $0x0  }
0x33b: {  	v0 =	vld [tilespmem:s13+$0x12170]  }
0x33c: {  	v1 =	vld [tilespmem:s13+$0x12100]  }
0x33d: {  	v2 =	vld [tilespmem:s13+$0x12110]  }
0x33e: {  	v3 =	vld [tilespmem:s13+$0x12120]  }
0x33f: {  	v4 =	vld [tilespmem:s13+$0x12130]  }
0x340: {  	v5 =	vld [tilespmem:s13+$0x12140]  }
0x341: {  	v6 =	vld [tilespmem:s13+$0x12150]  }
0x342: {  	[tilespmem:s13+$0xA170] =	vst.add.f32.msk $0xffff, v0  }
0x343: {  	v0 =	vld [tilespmem:s13+$0x12160]  }
0x344: {  	[tilespmem:s13+$0xA100] =	vst.add.f32.msk $0xffff, v1  }
0x345: {  	[tilespmem:s13+$0xA110] =	vst.add.f32.msk $0xffff, v2  }
0x346: {  	[tilespmem:s13+$0xA120] =	vst.add.f32.msk $0xffff, v3  }
0x347: {  	[tilespmem:s13+$0xA130] =	vst.add.f32.msk $0xffff, v4  }
0x348: {  	[tilespmem:s13+$0xA140] =	vst.add.f32.msk $0xffff, v5  }
0x349: {  	s15 =	simm.s32 $0x0;
	s16 =	simm.s32 $0x800;
	[tilespmem:s13+$0xA150] =	vst.add.f32.msk $0xffff, v6  }
.LBB2_47:
0x34a: {  	s15 =	sadd.s32 $0x80, s15;
	[tilespmem:s13+$0xA160] =	vst.add.f32.msk $0xffff, v0;
	s13 =	sshra.s32 s16, $0x2  }
0x34b: {  	v0 =	vld [tilespmem:s13+$0x12170];
	p1 =	slt.u32 s15, $0x780  }
0x34c: {  	v1 =	vld [tilespmem:s13+$0x12100]  }
0x34d: {  	v2 =	vld [tilespmem:s13+$0x12110]  }
0x34e: {  	v3 =	vld [tilespmem:s13+$0x12120]  }
0x34f: {  	v4 =	vld [tilespmem:s13+$0x12130]  }
0x350: {  	[tilespmem:s13+$0xA170] =	vst.add.f32.msk $0xffff, v0  }
0x351: {  	v5 =	vld [tilespmem:s13+$0x12140]  }
0x352: {  	v6 =	vld [tilespmem:s13+$0x12150]  }
0x353: {  	v0 =	vld [tilespmem:s13+$0x12160]  }
0x354: {  	[tilespmem:s13+$0xA100] =	vst.add.f32.msk $0xffff, v1  }
.Ltmp24:
0x355: {  	[tilespmem:s13+$0xA110] =	vst.add.f32.msk $0xffff, v2;
	(pc) =	sbr.rel @p1 .LBB2_47-.Ltmp24, $4  }
0x356: {  	[tilespmem:s13+$0xA120] =	vst.add.f32.msk $0xffff, v3  }
0x357: {  	[tilespmem:s13+$0xA130] =	vst.add.f32.msk $0xffff, v4  }
0x358: {  	[tilespmem:s13+$0xA140] =	vst.add.f32.msk $0xffff, v5  }
0x359: {  	s16 =	sadd.s32 $0x800, s16;
	[tilespmem:s13+$0xA150] =	vst.add.f32.msk $0xffff, v6  }
0x35a: {  	[tilespmem:s13+$0xA160] =	vst.add.f32.msk $0xffff, v0;
	s13 =	simm.s32 $0x0  }
0x35b: {  	v0 =	vld [tilespmem:s13+$0x121F0]  }
0x35c: {  	v1 =	vld [tilespmem:s13+$0x12180]  }
0x35d: {  	v2 =	vld [tilespmem:s13+$0x12190]  }
0x35e: {  	v3 =	vld [tilespmem:s13+$0x121A0]  }
0x35f: {  	v4 =	vld [tilespmem:s13+$0x121B0]  }
0x360: {  	v5 =	vld [tilespmem:s13+$0x121C0]  }
0x361: {  	v6 =	vld [tilespmem:s13+$0x121D0]  }
0x362: {  	[tilespmem:s13+$0xA1F0] =	vst.add.f32.msk $0xffff, v0  }
0x363: {  	v0 =	vld [tilespmem:s13+$0x121E0]  }
0x364: {  	[tilespmem:s13+$0xA180] =	vst.add.f32.msk $0xffff, v1  }
0x365: {  	[tilespmem:s13+$0xA190] =	vst.add.f32.msk $0xffff, v2  }
0x366: {  	[tilespmem:s13+$0xA1A0] =	vst.add.f32.msk $0xffff, v3  }
0x367: {  	[tilespmem:s13+$0xA1B0] =	vst.add.f32.msk $0xffff, v4  }
0x368: {  	[tilespmem:s13+$0xA1C0] =	vst.add.f32.msk $0xffff, v5  }
0x369: {  	s15 =	simm.s32 $0x0;
	s16 =	simm.s32 $0x800;
	[tilespmem:s13+$0xA1D0] =	vst.add.f32.msk $0xffff, v6  }
.LBB2_49:
0x36a: {  	s15 =	sadd.s32 $0x80, s15;
	[tilespmem:s13+$0xA1E0] =	vst.add.f32.msk $0xffff, v0;
	s13 =	sshra.s32 s16, $0x2  }
0x36b: {  	v0 =	vld [tilespmem:s13+$0x121F0];
	p1 =	slt.u32 s15, $0x780  }
0x36c: {  	v1 =	vld [tilespmem:s13+$0x12180]  }
0x36d: {  	v2 =	vld [tilespmem:s13+$0x12190]  }
0x36e: {  	v3 =	vld [tilespmem:s13+$0x121A0]  }
0x36f: {  	v4 =	vld [tilespmem:s13+$0x121B0]  }
0x370: {  	[tilespmem:s13+$0xA1F0] =	vst.add.f32.msk $0xffff, v0  }
0x371: {  	v5 =	vld [tilespmem:s13+$0x121C0]  }
0x372: {  	v6 =	vld [tilespmem:s13+$0x121D0]  }
0x373: {  	v0 =	vld [tilespmem:s13+$0x121E0]  }
0x374: {  	[tilespmem:s13+$0xA180] =	vst.add.f32.msk $0xffff, v1  }
.Ltmp25:
0x375: {  	[tilespmem:s13+$0xA190] =	vst.add.f32.msk $0xffff, v2;
	(pc) =	sbr.rel @p1 .LBB2_49-.Ltmp25, $4  }
0x376: {  	[tilespmem:s13+$0xA1A0] =	vst.add.f32.msk $0xffff, v3  }
0x377: {  	[tilespmem:s13+$0xA1B0] =	vst.add.f32.msk $0xffff, v4  }
0x378: {  	[tilespmem:s13+$0xA1C0] =	vst.add.f32.msk $0xffff, v5  }
0x379: {  	s16 =	sadd.s32 $0x800, s16;
	[tilespmem:s13+$0xA1D0] =	vst.add.f32.msk $0xffff, v6  }
0x37a: {  	[tilespmem:s13+$0xA1E0] =	vst.add.f32.msk $0xffff, v0;
	s12 =	sadd.s32 s4, s12  }
0x37b: {  	[hbm4b:s12+s21] =	stream.strided.scatter [tilespmem:s17], [sflag:$0xE], $0x2000, s22, s21, $0x38;
	[tilespmem:$0x14000] =	vst v63  }
0x37c: {  	s13 =	simm.s32 @!p0 $0x200;
	_ =	swait.ge [sflag:s2], $0x2000  }
0x37d: {  	s15 =	simm.s32 @!p0 $0x400;
	[sflag:s2] =	ssyncset.done $0x0;
	s12 =	rddreg [dreg:$0xd]  }
0x37e: {  	s16 =	simm.s32 @!p0 $0x4000;
	[sflag:s2] =	ssyncadd.s32 $0xFFFFE000;
	s12 =	sadd.s32 @!p0 s25, s12  }
0x37f: {  	[tilespmem:s16], [sflag:$0x3] =	stream.strided.gather @!p0 [hbm4b:s12+s13], $0x2000, s15, s13, $0x38;
	[tilespmem:$0x14000] =	vst v63  }
0x380: {  	_ =	swait.ge [sflag:s28], $0x2000  }
0x381: {  	[sflag:s28] =	ssyncset.done $0x0  }
0x382: {  	s12 =	simm.s32 $0x0;
	[sflag:s28] =	ssyncadd.s32 $0xFFFFE000  }
0x383: {  	v0 =	vld [tilespmem:s12+$0x12070]  }
0x384: {  	v1 =	vld [tilespmem:s12+$0x12000]  }
0x385: {  	v2 =	vld [tilespmem:s12+$0x12010]  }
0x386: {  	v3 =	vld [tilespmem:s12+$0x12020]  }
0x387: {  	v4 =	vld [tilespmem:s12+$0x12030]  }
0x388: {  	v5 =	vld [tilespmem:s12+$0x12040]  }
0x389: {  	v6 =	vld [tilespmem:s12+$0x12050]  }
0x38a: {  	[tilespmem:s12+$0xC070] =	vst.add.f32.msk $0xffff, v0  }
0x38b: {  	v0 =	vld [tilespmem:s12+$0x12060]  }
0x38c: {  	[tilespmem:s12+$0xC000] =	vst.add.f32.msk $0xffff, v1  }
0x38d: {  	[tilespmem:s12+$0xC010] =	vst.add.f32.msk $0xffff, v2  }
0x38e: {  	[tilespmem:s12+$0xC020] =	vst.add.f32.msk $0xffff, v3  }
0x38f: {  	[tilespmem:s12+$0xC030] =	vst.add.f32.msk $0xffff, v4  }
0x390: {  	[tilespmem:s12+$0xC040] =	vst.add.f32.msk $0xffff, v5  }
0x391: {  	s13 =	simm.s32 $0x0;
	s15 =	simm.s32 $0x800;
	[tilespmem:s12+$0xC050] =	vst.add.f32.msk $0xffff, v6  }
.LBB2_51:
0x392: {  	s13 =	sadd.s32 $0x80, s13;
	[tilespmem:s12+$0xC060] =	vst.add.f32.msk $0xffff, v0;
	s12 =	sshra.s32 s15, $0x2  }
0x393: {  	v0 =	vld [tilespmem:s12+$0x12070];
	p1 =	slt.u32 s13, $0x780  }
0x394: {  	v1 =	vld [tilespmem:s12+$0x12000]  }
0x395: {  	v2 =	vld [tilespmem:s12+$0x12010]  }
0x396: {  	v3 =	vld [tilespmem:s12+$0x12020]  }
0x397: {  	v4 =	vld [tilespmem:s12+$0x12030]  }
0x398: {  	[tilespmem:s12+$0xC070] =	vst.add.f32.msk $0xffff, v0  }
0x399: {  	v5 =	vld [tilespmem:s12+$0x12040]  }
0x39a: {  	v6 =	vld [tilespmem:s12+$0x12050]  }
0x39b: {  	v0 =	vld [tilespmem:s12+$0x12060]  }
0x39c: {  	[tilespmem:s12+$0xC000] =	vst.add.f32.msk $0xffff, v1  }
.Ltmp26:
0x39d: {  	[tilespmem:s12+$0xC010] =	vst.add.f32.msk $0xffff, v2;
	(pc) =	sbr.rel @p1 .LBB2_51-.Ltmp26, $4  }
0x39e: {  	[tilespmem:s12+$0xC020] =	vst.add.f32.msk $0xffff, v3  }
0x39f: {  	[tilespmem:s12+$0xC030] =	vst.add.f32.msk $0xffff, v4  }
0x3a0: {  	[tilespmem:s12+$0xC040] =	vst.add.f32.msk $0xffff, v5  }
0x3a1: {  	s15 =	sadd.s32 $0x800, s15;
	[tilespmem:s12+$0xC050] =	vst.add.f32.msk $0xffff, v6  }
0x3a2: {  	[tilespmem:s12+$0xC060] =	vst.add.f32.msk $0xffff, v0;
	s12 =	simm.s32 $0x0  }
0x3a3: {  	v0 =	vld [tilespmem:s12+$0x120F0]  }
0x3a4: {  	v1 =	vld [tilespmem:s12+$0x12080]  }
0x3a5: {  	v2 =	vld [tilespmem:s12+$0x12090]  }
0x3a6: {  	v3 =	vld [tilespmem:s12+$0x120A0]  }
0x3a7: {  	v4 =	vld [tilespmem:s12+$0x120B0]  }
0x3a8: {  	v5 =	vld [tilespmem:s12+$0x120C0]  }
0x3a9: {  	v6 =	vld [tilespmem:s12+$0x120D0]  }
0x3aa: {  	[tilespmem:s12+$0xC0F0] =	vst.add.f32.msk $0xffff, v0  }
0x3ab: {  	v0 =	vld [tilespmem:s12+$0x120E0]  }
0x3ac: {  	[tilespmem:s12+$0xC080] =	vst.add.f32.msk $0xffff, v1  }
0x3ad: {  	[tilespmem:s12+$0xC090] =	vst.add.f32.msk $0xffff, v2  }
0x3ae: {  	[tilespmem:s12+$0xC0A0] =	vst.add.f32.msk $0xffff, v3  }
0x3af: {  	[tilespmem:s12+$0xC0B0] =	vst.add.f32.msk $0xffff, v4  }
0x3b0: {  	[tilespmem:s12+$0xC0C0] =	vst.add.f32.msk $0xffff, v5  }
0x3b1: {  	s13 =	simm.s32 $0x0;
	s15 =	simm.s32 $0x800;
	[tilespmem:s12+$0xC0D0] =	vst.add.f32.msk $0xffff, v6  }
.LBB2_53:
0x3b2: {  	s13 =	sadd.s32 $0x80, s13;
	[tilespmem:s12+$0xC0E0] =	vst.add.f32.msk $0xffff, v0;
	s12 =	sshra.s32 s15, $0x2  }
0x3b3: {  	v0 =	vld [tilespmem:s12+$0x120F0];
	p1 =	slt.u32 s13, $0x780  }
0x3b4: {  	v1 =	vld [tilespmem:s12+$0x12080]  }
0x3b5: {  	v2 =	vld [tilespmem:s12+$0x12090]  }
0x3b6: {  	v3 =	vld [tilespmem:s12+$0x120A0]  }
0x3b7: {  	v4 =	vld [tilespmem:s12+$0x120B0]  }
0x3b8: {  	[tilespmem:s12+$0xC0F0] =	vst.add.f32.msk $0xffff, v0  }
0x3b9: {  	v5 =	vld [tilespmem:s12+$0x120C0]  }
0x3ba: {  	v6 =	vld [tilespmem:s12+$0x120D0]  }
0x3bb: {  	v0 =	vld [tilespmem:s12+$0x120E0]  }
0x3bc: {  	[tilespmem:s12+$0xC080] =	vst.add.f32.msk $0xffff, v1  }
.Ltmp27:
0x3bd: {  	[tilespmem:s12+$0xC090] =	vst.add.f32.msk $0xffff, v2;
	(pc) =	sbr.rel @p1 .LBB2_53-.Ltmp27, $4  }
0x3be: {  	[tilespmem:s12+$0xC0A0] =	vst.add.f32.msk $0xffff, v3  }
0x3bf: {  	[tilespmem:s12+$0xC0B0] =	vst.add.f32.msk $0xffff, v4  }
0x3c0: {  	[tilespmem:s12+$0xC0C0] =	vst.add.f32.msk $0xffff, v5  }
0x3c1: {  	s15 =	sadd.s32 $0x800, s15;
	[tilespmem:s12+$0xC0D0] =	vst.add.f32.msk $0xffff, v6  }
0x3c2: {  	[tilespmem:s12+$0xC0E0] =	vst.add.f32.msk $0xffff, v0;
	s12 =	simm.s32 $0x0  }
0x3c3: {  	v0 =	vld [tilespmem:s12+$0x12170]  }
0x3c4: {  	v1 =	vld [tilespmem:s12+$0x12100]  }
0x3c5: {  	v2 =	vld [tilespmem:s12+$0x12110]  }
0x3c6: {  	v3 =	vld [tilespmem:s12+$0x12120]  }
0x3c7: {  	v4 =	vld [tilespmem:s12+$0x12130]  }
0x3c8: {  	v5 =	vld [tilespmem:s12+$0x12140]  }
0x3c9: {  	v6 =	vld [tilespmem:s12+$0x12150]  }
0x3ca: {  	[tilespmem:s12+$0xC170] =	vst.add.f32.msk $0xffff, v0  }
0x3cb: {  	v0 =	vld [tilespmem:s12+$0x12160]  }
0x3cc: {  	[tilespmem:s12+$0xC100] =	vst.add.f32.msk $0xffff, v1  }
0x3cd: {  	[tilespmem:s12+$0xC110] =	vst.add.f32.msk $0xffff, v2  }
0x3ce: {  	[tilespmem:s12+$0xC120] =	vst.add.f32.msk $0xffff, v3  }
0x3cf: {  	[tilespmem:s12+$0xC130] =	vst.add.f32.msk $0xffff, v4  }
0x3d0: {  	[tilespmem:s12+$0xC140] =	vst.add.f32.msk $0xffff, v5  }
0x3d1: {  	s13 =	simm.s32 $0x0;
	s15 =	simm.s32 $0x800;
	[tilespmem:s12+$0xC150] =	vst.add.f32.msk $0xffff, v6  }
.LBB2_55:
0x3d2: {  	s13 =	sadd.s32 $0x80, s13;
	[tilespmem:s12+$0xC160] =	vst.add.f32.msk $0xffff, v0;
	s12 =	sshra.s32 s15, $0x2  }
0x3d3: {  	v0 =	vld [tilespmem:s12+$0x12170];
	p1 =	slt.u32 s13, $0x780  }
0x3d4: {  	v1 =	vld [tilespmem:s12+$0x12100]  }
0x3d5: {  	v2 =	vld [tilespmem:s12+$0x12110]  }
0x3d6: {  	v3 =	vld [tilespmem:s12+$0x12120]  }
0x3d7: {  	v4 =	vld [tilespmem:s12+$0x12130]  }
0x3d8: {  	[tilespmem:s12+$0xC170] =	vst.add.f32.msk $0xffff, v0  }
0x3d9: {  	v5 =	vld [tilespmem:s12+$0x12140]  }
0x3da: {  	v6 =	vld [tilespmem:s12+$0x12150]  }
0x3db: {  	v0 =	vld [tilespmem:s12+$0x12160]  }
0x3dc: {  	[tilespmem:s12+$0xC100] =	vst.add.f32.msk $0xffff, v1  }
.Ltmp28:
0x3dd: {  	[tilespmem:s12+$0xC110] =	vst.add.f32.msk $0xffff, v2;
	(pc) =	sbr.rel @p1 .LBB2_55-.Ltmp28, $4  }
0x3de: {  	[tilespmem:s12+$0xC120] =	vst.add.f32.msk $0xffff, v3  }
0x3df: {  	[tilespmem:s12+$0xC130] =	vst.add.f32.msk $0xffff, v4  }
0x3e0: {  	[tilespmem:s12+$0xC140] =	vst.add.f32.msk $0xffff, v5  }
0x3e1: {  	s15 =	sadd.s32 $0x800, s15;
	[tilespmem:s12+$0xC150] =	vst.add.f32.msk $0xffff, v6  }
0x3e2: {  	[tilespmem:s12+$0xC160] =	vst.add.f32.msk $0xffff, v0;
	s12 =	simm.s32 $0x0  }
0x3e3: {  	v0 =	vld [tilespmem:s12+$0x121F0]  }
0x3e4: {  	v1 =	vld [tilespmem:s12+$0x12180]  }
0x3e5: {  	v2 =	vld [tilespmem:s12+$0x12190]  }
0x3e6: {  	v3 =	vld [tilespmem:s12+$0x121A0]  }
0x3e7: {  	v4 =	vld [tilespmem:s12+$0x121B0]  }
0x3e8: {  	v5 =	vld [tilespmem:s12+$0x121C0]  }
0x3e9: {  	v6 =	vld [tilespmem:s12+$0x121D0]  }
0x3ea: {  	[tilespmem:s12+$0xC1F0] =	vst.add.f32.msk $0xffff, v0  }
0x3eb: {  	v0 =	vld [tilespmem:s12+$0x121E0]  }
0x3ec: {  	[tilespmem:s12+$0xC180] =	vst.add.f32.msk $0xffff, v1  }
0x3ed: {  	[tilespmem:s12+$0xC190] =	vst.add.f32.msk $0xffff, v2  }
0x3ee: {  	[tilespmem:s12+$0xC1A0] =	vst.add.f32.msk $0xffff, v3  }
0x3ef: {  	[tilespmem:s12+$0xC1B0] =	vst.add.f32.msk $0xffff, v4  }
0x3f0: {  	[tilespmem:s12+$0xC1C0] =	vst.add.f32.msk $0xffff, v5  }
0x3f1: {  	s13 =	simm.s32 $0x0;
	s15 =	simm.s32 $0x800;
	[tilespmem:s12+$0xC1D0] =	vst.add.f32.msk $0xffff, v6  }
.LBB2_57:
0x3f2: {  	s13 =	sadd.s32 $0x80, s13;
	[tilespmem:s12+$0xC1E0] =	vst.add.f32.msk $0xffff, v0;
	s12 =	sshra.s32 s15, $0x2  }
0x3f3: {  	v0 =	vld [tilespmem:s12+$0x121F0];
	p1 =	slt.u32 s13, $0x780  }
0x3f4: {  	v1 =	vld [tilespmem:s12+$0x12180]  }
0x3f5: {  	v2 =	vld [tilespmem:s12+$0x12190]  }
0x3f6: {  	v3 =	vld [tilespmem:s12+$0x121A0]  }
0x3f7: {  	v4 =	vld [tilespmem:s12+$0x121B0]  }
0x3f8: {  	[tilespmem:s12+$0xC1F0] =	vst.add.f32.msk $0xffff, v0  }
0x3f9: {  	v5 =	vld [tilespmem:s12+$0x121C0]  }
0x3fa: {  	v6 =	vld [tilespmem:s12+$0x121D0]  }
0x3fb: {  	v0 =	vld [tilespmem:s12+$0x121E0]  }
0x3fc: {  	[tilespmem:s12+$0xC180] =	vst.add.f32.msk $0xffff, v1  }
.Ltmp29:
0x3fd: {  	[tilespmem:s12+$0xC190] =	vst.add.f32.msk $0xffff, v2;
	(pc) =	sbr.rel @p1 .LBB2_57-.Ltmp29, $4  }
0x3fe: {  	[tilespmem:s12+$0xC1A0] =	vst.add.f32.msk $0xffff, v3  }
0x3ff: {  	[tilespmem:s12+$0xC1B0] =	vst.add.f32.msk $0xffff, v4  }
0x400: {  	[tilespmem:s12+$0xC1C0] =	vst.add.f32.msk $0xffff, v5  }
0x401: {  	s15 =	sadd.s32 $0x800, s15;
	[tilespmem:s12+$0xC1D0] =	vst.add.f32.msk $0xffff, v6  }
0x402: {  	[tilespmem:s12+$0xC1E0] =	vst.add.f32.msk $0xffff, v0;
	s6 =	sadd.s32 s4, s6  }
0x403: {  	[hbm4b:s6+s21] =	stream.strided.scatter [tilespmem:s26], [sflag:$0xF], $0x2000, s22, s21, $0x38;
	[tilespmem:$0x14000] =	vst v63  }
0x404: {  	s12 =	simm.s32 @!p0 $0x200;
	_ =	swait.ge [sflag:s5], $0x2000  }
0x405: {  	s13 =	simm.s32 @!p0 $0x400;
	[sflag:s5] =	ssyncset.done $0x0;
	s6 =	rddreg [dreg:$0xf]  }
0x406: {  	s15 =	simm.s32 @!p0 $0x6000;
	[sflag:s5] =	ssyncadd.s32 $0xFFFFE000;
	s6 =	sadd.s32 @!p0 s25, s6  }
0x407: {  	[tilespmem:s15], [sflag:$0x4] =	stream.strided.gather @!p0 [hbm4b:s6+s12], $0x2000, s13, s12, $0x38;
	[tilespmem:$0x14000] =	vst v63  }
0x408: {  	_ =	swait.ge [sflag:s23], $0x2000  }
0x409: {  	[sflag:s23] =	ssyncset.done $0x0  }
0x40a: {  	s6 =	simm.s32 $0x0;
	[sflag:s23] =	ssyncadd.s32 $0xFFFFE000  }
0x40b: {  	v0 =	vld [tilespmem:s6+$0x12070]  }
0x40c: {  	v1 =	vld [tilespmem:s6+$0x12000]  }
0x40d: {  	v2 =	vld [tilespmem:s6+$0x12010]  }
0x40e: {  	v3 =	vld [tilespmem:s6+$0x12020]  }
0x40f: {  	v4 =	vld [tilespmem:s6+$0x12030]  }
0x410: {  	v5 =	vld [tilespmem:s6+$0x12040]  }
0x411: {  	v6 =	vld [tilespmem:s6+$0x12050]  }
0x412: {  	[tilespmem:s6+$0xE070] =	vst.add.f32.msk $0xffff, v0  }
0x413: {  	v0 =	vld [tilespmem:s6+$0x12060]  }
0x414: {  	[tilespmem:s6+$0xE000] =	vst.add.f32.msk $0xffff, v1  }
0x415: {  	[tilespmem:s6+$0xE010] =	vst.add.f32.msk $0xffff, v2  }
0x416: {  	[tilespmem:s6+$0xE020] =	vst.add.f32.msk $0xffff, v3  }
0x417: {  	[tilespmem:s6+$0xE030] =	vst.add.f32.msk $0xffff, v4  }
0x418: {  	[tilespmem:s6+$0xE040] =	vst.add.f32.msk $0xffff, v5  }
0x419: {  	s12 =	simm.s32 $0x0;
	s13 =	simm.s32 $0x800;
	[tilespmem:s6+$0xE050] =	vst.add.f32.msk $0xffff, v6  }
.LBB2_59:
0x41a: {  	s12 =	sadd.s32 $0x80, s12;
	[tilespmem:s6+$0xE060] =	vst.add.f32.msk $0xffff, v0;
	s6 =	sshra.s32 s13, $0x2  }
0x41b: {  	v0 =	vld [tilespmem:s6+$0x12070];
	p1 =	slt.u32 s12, $0x780  }
0x41c: {  	v1 =	vld [tilespmem:s6+$0x12000]  }
0x41d: {  	v2 =	vld [tilespmem:s6+$0x12010]  }
0x41e: {  	v3 =	vld [tilespmem:s6+$0x12020]  }
0x41f: {  	v4 =	vld [tilespmem:s6+$0x12030]  }
0x420: {  	[tilespmem:s6+$0xE070] =	vst.add.f32.msk $0xffff, v0  }
0x421: {  	v5 =	vld [tilespmem:s6+$0x12040]  }
0x422: {  	v6 =	vld [tilespmem:s6+$0x12050]  }
0x423: {  	v0 =	vld [tilespmem:s6+$0x12060]  }
0x424: {  	[tilespmem:s6+$0xE000] =	vst.add.f32.msk $0xffff, v1  }
.Ltmp30:
0x425: {  	[tilespmem:s6+$0xE010] =	vst.add.f32.msk $0xffff, v2;
	(pc) =	sbr.rel @p1 .LBB2_59-.Ltmp30, $4  }
0x426: {  	[tilespmem:s6+$0xE020] =	vst.add.f32.msk $0xffff, v3  }
0x427: {  	[tilespmem:s6+$0xE030] =	vst.add.f32.msk $0xffff, v4  }
0x428: {  	[tilespmem:s6+$0xE040] =	vst.add.f32.msk $0xffff, v5  }
0x429: {  	s13 =	sadd.s32 $0x800, s13;
	[tilespmem:s6+$0xE050] =	vst.add.f32.msk $0xffff, v6  }
0x42a: {  	[tilespmem:s6+$0xE060] =	vst.add.f32.msk $0xffff, v0;
	s6 =	simm.s32 $0x0  }
0x42b: {  	v0 =	vld [tilespmem:s6+$0x120F0]  }
0x42c: {  	v1 =	vld [tilespmem:s6+$0x12080]  }
0x42d: {  	v2 =	vld [tilespmem:s6+$0x12090]  }
0x42e: {  	v3 =	vld [tilespmem:s6+$0x120A0]  }
0x42f: {  	v4 =	vld [tilespmem:s6+$0x120B0]  }
0x430: {  	v5 =	vld [tilespmem:s6+$0x120C0]  }
0x431: {  	v6 =	vld [tilespmem:s6+$0x120D0]  }
0x432: {  	[tilespmem:s6+$0xE0F0] =	vst.add.f32.msk $0xffff, v0  }
0x433: {  	v0 =	vld [tilespmem:s6+$0x120E0]  }
0x434: {  	[tilespmem:s6+$0xE080] =	vst.add.f32.msk $0xffff, v1  }
0x435: {  	[tilespmem:s6+$0xE090] =	vst.add.f32.msk $0xffff, v2  }
0x436: {  	[tilespmem:s6+$0xE0A0] =	vst.add.f32.msk $0xffff, v3  }
0x437: {  	[tilespmem:s6+$0xE0B0] =	vst.add.f32.msk $0xffff, v4  }
0x438: {  	[tilespmem:s6+$0xE0C0] =	vst.add.f32.msk $0xffff, v5  }
0x439: {  	s12 =	simm.s32 $0x0;
	s13 =	simm.s32 $0x800;
	[tilespmem:s6+$0xE0D0] =	vst.add.f32.msk $0xffff, v6  }
.LBB2_61:
0x43a: {  	s12 =	sadd.s32 $0x80, s12;
	[tilespmem:s6+$0xE0E0] =	vst.add.f32.msk $0xffff, v0;
	s6 =	sshra.s32 s13, $0x2  }
0x43b: {  	v0 =	vld [tilespmem:s6+$0x120F0];
	p1 =	slt.u32 s12, $0x780  }
0x43c: {  	v1 =	vld [tilespmem:s6+$0x12080]  }
0x43d: {  	v2 =	vld [tilespmem:s6+$0x12090]  }
0x43e: {  	v3 =	vld [tilespmem:s6+$0x120A0]  }
0x43f: {  	v4 =	vld [tilespmem:s6+$0x120B0]  }
0x440: {  	[tilespmem:s6+$0xE0F0] =	vst.add.f32.msk $0xffff, v0  }
0x441: {  	v5 =	vld [tilespmem:s6+$0x120C0]  }
0x442: {  	v6 =	vld [tilespmem:s6+$0x120D0]  }
0x443: {  	v0 =	vld [tilespmem:s6+$0x120E0]  }
0x444: {  	[tilespmem:s6+$0xE080] =	vst.add.f32.msk $0xffff, v1  }
.Ltmp31:
0x445: {  	[tilespmem:s6+$0xE090] =	vst.add.f32.msk $0xffff, v2;
	(pc) =	sbr.rel @p1 .LBB2_61-.Ltmp31, $4  }
0x446: {  	[tilespmem:s6+$0xE0A0] =	vst.add.f32.msk $0xffff, v3  }
0x447: {  	[tilespmem:s6+$0xE0B0] =	vst.add.f32.msk $0xffff, v4  }
0x448: {  	[tilespmem:s6+$0xE0C0] =	vst.add.f32.msk $0xffff, v5  }
0x449: {  	s13 =	sadd.s32 $0x800, s13;
	[tilespmem:s6+$0xE0D0] =	vst.add.f32.msk $0xffff, v6  }
0x44a: {  	[tilespmem:s6+$0xE0E0] =	vst.add.f32.msk $0xffff, v0;
	s6 =	simm.s32 $0x0  }
0x44b: {  	v0 =	vld [tilespmem:s6+$0x12170]  }
0x44c: {  	v1 =	vld [tilespmem:s6+$0x12100]  }
0x44d: {  	v2 =	vld [tilespmem:s6+$0x12110]  }
0x44e: {  	v3 =	vld [tilespmem:s6+$0x12120]  }
0x44f: {  	v4 =	vld [tilespmem:s6+$0x12130]  }
0x450: {  	v5 =	vld [tilespmem:s6+$0x12140]  }
0x451: {  	v6 =	vld [tilespmem:s6+$0x12150]  }
0x452: {  	[tilespmem:s6+$0xE170] =	vst.add.f32.msk $0xffff, v0  }
0x453: {  	v0 =	vld [tilespmem:s6+$0x12160]  }
0x454: {  	[tilespmem:s6+$0xE100] =	vst.add.f32.msk $0xffff, v1  }
0x455: {  	[tilespmem:s6+$0xE110] =	vst.add.f32.msk $0xffff, v2  }
0x456: {  	[tilespmem:s6+$0xE120] =	vst.add.f32.msk $0xffff, v3  }
0x457: {  	[tilespmem:s6+$0xE130] =	vst.add.f32.msk $0xffff, v4  }
0x458: {  	[tilespmem:s6+$0xE140] =	vst.add.f32.msk $0xffff, v5  }
0x459: {  	s12 =	simm.s32 $0x0;
	s13 =	simm.s32 $0x800;
	[tilespmem:s6+$0xE150] =	vst.add.f32.msk $0xffff, v6  }
.LBB2_63:
0x45a: {  	s12 =	sadd.s32 $0x80, s12;
	[tilespmem:s6+$0xE160] =	vst.add.f32.msk $0xffff, v0;
	s6 =	sshra.s32 s13, $0x2  }
0x45b: {  	v0 =	vld [tilespmem:s6+$0x12170];
	p1 =	slt.u32 s12, $0x780  }
0x45c: {  	v1 =	vld [tilespmem:s6+$0x12100]  }
0x45d: {  	v2 =	vld [tilespmem:s6+$0x12110]  }
0x45e: {  	v3 =	vld [tilespmem:s6+$0x12120]  }
0x45f: {  	v4 =	vld [tilespmem:s6+$0x12130]  }
0x460: {  	[tilespmem:s6+$0xE170] =	vst.add.f32.msk $0xffff, v0  }
0x461: {  	v5 =	vld [tilespmem:s6+$0x12140]  }
0x462: {  	v6 =	vld [tilespmem:s6+$0x12150]  }
0x463: {  	v0 =	vld [tilespmem:s6+$0x12160]  }
0x464: {  	[tilespmem:s6+$0xE100] =	vst.add.f32.msk $0xffff, v1  }
.Ltmp32:
0x465: {  	[tilespmem:s6+$0xE110] =	vst.add.f32.msk $0xffff, v2;
	(pc) =	sbr.rel @p1 .LBB2_63-.Ltmp32, $4  }
0x466: {  	[tilespmem:s6+$0xE120] =	vst.add.f32.msk $0xffff, v3  }
0x467: {  	[tilespmem:s6+$0xE130] =	vst.add.f32.msk $0xffff, v4  }
0x468: {  	[tilespmem:s6+$0xE140] =	vst.add.f32.msk $0xffff, v5  }
0x469: {  	s13 =	sadd.s32 $0x800, s13;
	[tilespmem:s6+$0xE150] =	vst.add.f32.msk $0xffff, v6  }
0x46a: {  	[tilespmem:s6+$0xE160] =	vst.add.f32.msk $0xffff, v0;
	s6 =	simm.s32 $0x0  }
0x46b: {  	v0 =	vld [tilespmem:s6+$0x121F0]  }
0x46c: {  	v1 =	vld [tilespmem:s6+$0x12180]  }
0x46d: {  	v2 =	vld [tilespmem:s6+$0x12190]  }
0x46e: {  	v3 =	vld [tilespmem:s6+$0x121A0]  }
0x46f: {  	v4 =	vld [tilespmem:s6+$0x121B0]  }
0x470: {  	v5 =	vld [tilespmem:s6+$0x121C0]  }
0x471: {  	v6 =	vld [tilespmem:s6+$0x121D0]  }
0x472: {  	[tilespmem:s6+$0xE1F0] =	vst.add.f32.msk $0xffff, v0  }
0x473: {  	v0 =	vld [tilespmem:s6+$0x121E0]  }
0x474: {  	[tilespmem:s6+$0xE180] =	vst.add.f32.msk $0xffff, v1  }
0x475: {  	[tilespmem:s6+$0xE190] =	vst.add.f32.msk $0xffff, v2  }
0x476: {  	[tilespmem:s6+$0xE1A0] =	vst.add.f32.msk $0xffff, v3  }
0x477: {  	[tilespmem:s6+$0xE1B0] =	vst.add.f32.msk $0xffff, v4  }
0x478: {  	[tilespmem:s6+$0xE1C0] =	vst.add.f32.msk $0xffff, v5  }
0x479: {  	s12 =	simm.s32 $0x0;
	s13 =	simm.s32 $0x800;
	[tilespmem:s6+$0xE1D0] =	vst.add.f32.msk $0xffff, v6  }
.LBB2_65:
0x47a: {  	s12 =	sadd.s32 $0x80, s12;
	[tilespmem:s6+$0xE1E0] =	vst.add.f32.msk $0xffff, v0;
	s6 =	sshra.s32 s13, $0x2  }
0x47b: {  	v0 =	vld [tilespmem:s6+$0x121F0];
	p1 =	slt.u32 s12, $0x780  }
0x47c: {  	v1 =	vld [tilespmem:s6+$0x12180]  }
0x47d: {  	v2 =	vld [tilespmem:s6+$0x12190]  }
0x47e: {  	v3 =	vld [tilespmem:s6+$0x121A0]  }
0x47f: {  	v4 =	vld [tilespmem:s6+$0x121B0]  }
0x480: {  	[tilespmem:s6+$0xE1F0] =	vst.add.f32.msk $0xffff, v0  }
0x481: {  	v5 =	vld [tilespmem:s6+$0x121C0]  }
0x482: {  	v6 =	vld [tilespmem:s6+$0x121D0]  }
0x483: {  	v0 =	vld [tilespmem:s6+$0x121E0]  }
0x484: {  	[tilespmem:s6+$0xE180] =	vst.add.f32.msk $0xffff, v1  }
.Ltmp33:
0x485: {  	[tilespmem:s6+$0xE190] =	vst.add.f32.msk $0xffff, v2;
	(pc) =	sbr.rel @p1 .LBB2_65-.Ltmp33, $4  }
0x486: {  	[tilespmem:s6+$0xE1A0] =	vst.add.f32.msk $0xffff, v3  }
0x487: {  	[tilespmem:s6+$0xE1B0] =	vst.add.f32.msk $0xffff, v4  }
0x488: {  	[tilespmem:s6+$0xE1C0] =	vst.add.f32.msk $0xffff, v5  }
0x489: {  	s13 =	sadd.s32 $0x800, s13;
	[tilespmem:s6+$0xE1D0] =	vst.add.f32.msk $0xffff, v6  }
.Ltmp34:
0x48a: {  	(pc) =	sbr.rel @p0 .LBB2_68-.Ltmp34, $3  }
0x48b: {  	_ =	sdelay $0x1  }
0x48c: {  	[tilespmem:s6+$0xE1E0] =	vst.add.f32.msk $0xffff, v0;
	s30 =	sadd.s32 s4, s19  }
0x48d: {  	[hbm4b:s30+s21] =	stream.strided.scatter [tilespmem:s9], [sflag:$0x10], $0x2000, s22, s21, $0x38;
	[tilespmem:$0x14000] =	vst v63  }
.Ltmp35:
0x48e: {  	(pc) =	sbr.rel .LBB2_2-.Ltmp35, $4  }
0x48f: {  	_ = 	snop  }
0x490: {  	s6 =	rddreg [dreg:$0x10]  }
0x491: {  	s12 =	simm.s32 $0x12000;
	s24 =	sadd.s32 $0x1, s24;
	s6 =	sadd.s32 s25, s6  }
0x492: {  	[tilespmem:s12], [sflag:$0x12] =	stream.strided.gather [hbm4b:s6+s21], $0x2000, s22, s21, $0x38;
	[tilespmem:$0x14000] =	vst v63  }
.LBB2_69:
0x493: {  	_ =	sfence.sel $0x180000  }
0x494: {  	[bflag:$0x0] =	sbarrier.arrive $0xFFFF  }
0x495: {  	_ =	strace $0x90000047  }
0x496: {  	s0 =	stileid.u32;
	[bflag:$0x2] =	sbarrier.arrive $0xFFFF  }
0x497: {  	p0 =	sne.s32 s0, $0x0;
	s0 =	rddreg [dreg:$0x3]  }
0x498: {  	s0 =	sadd.s32 @!p0 $0x100000, s0  }
0x499: {  	[sflag:s0] =	ssyncadd.tile.s32 @!p0 $0x1;
	_ =	shalt  }
.Lfunc_end2:
_tile_overlayer_lowered:
.L_overlay_start_2:
0x49a: {  	(tag) =	ssettag $0x2  }
0x49b: {  	s0 =	rddreg [dreg:$0x0];
	s2 =	stileid.u32  }
0x49c: {  	s1 =	rddreg [dreg:$0x1];
	p0 =	sne.s32 s2, $0x0  }
0x49d: {  	s3 =	rddreg [dreg:$0x2];
	[bflag:$0x3] =	sbarrier.arrive $0xFFFF;
	s2 =	simm.s32 @!p0 $0x1C13  }
0x49e: {  	[timem:s3], [sflag:s2] =	dma.local @!p0 [hbm:s0], s1  }
0x49f: {  	s0 =	simm.s32 @!p0 $0x13  }
0x4a0: {  	_ =	swait.ge @!p0 [sflag:s0], s1  }
0x4a1: {  	s1 =	ssub.s32 @!p0 $0x0, s1;
	[sflag:s0] =	ssyncset.done @!p0 $0x0  }
0x4a2: {  	[sflag:s0] =	ssyncadd.s32 @!p0 s1  }
0x4a3: {  	[bflag:$0x3] =	sbarrier.arrive $0xFFFF  }
0x4a4: {  	_ =	shalt  }

</sc_bundles>
